<compile_context>
chip_gen: v7x
topology: tpu7x:2x2x1
jax: 0.10.2.dev20260603
libtpu: 0.0.44.dev20260713+nightly
codegen_flags: <defaults>
</compile_context>

<pallas_src>
import functools

import jax
import jax.numpy as jnp
from jax import lax
from jax.experimental import pallas as pl
from jax.experimental.pallas import tpu as pltpu
from jax.experimental.pallas import tpu_sc as plsc

NBINS = 512
L = 16
NB2 = NBINS + L
NW = 32
B, C, H, W = 16, 96, 224, 224
ROWLEN = H * W
NROWS = B * C
ROWS_PER_W = NROWS // NW
CHUNKS = ROWLEN // L
HCHUNKS = NBINS // L
UNROLL = 8


def _sc_body(K, x_hbm, params_hbm, out_hbm, bufa, bufb, cnt, outbuf, pv,
             sem0, sem1):
    wid = lax.axis_index("s") * 2 + lax.axis_index("c")
    base = wid * ROWS_PER_W

    pltpu.sync_copy(params_hbm, pv)
    pvec = pv[pl.ds(0, L)]
    lam = pvec[0]
    inv1md = pvec[1]
    invw = pvec[2]
    kf = jnp.float32(K)

    lanes = lax.broadcasted_iota(jnp.int32, (L,), 0)
    lanebase = lanes * NB2
    ones = jnp.full((L,), 1.0, dtype=jnp.float32)
    zeros = jnp.zeros((L,), dtype=jnp.float32)
    descoff = jnp.float32(L - 1) - lanes.astype(jnp.float32)
    magic = jnp.float32(12582912.0)
    bias = jnp.int32(0x4B400000)

    @plsc.parallel_loop(0, L * NB2, step=UNROLL * L, unroll=2)
    def zero_hist(i):
        for u in range(UNROLL):
            cnt[pl.ds(i + u * L, L)] = zeros

    def row_compute(buf):
        first = buf[0, pl.ds(0, L)]

        @plsc.parallel_loop(0, H, unroll=2,
                            carry=((first,) * 7, (first,) * 7))
        def mm_loop(i, carry):
            mns, mxs = carry
            vs = [buf[i, pl.ds(u * L, L)] for u in range(14)]
            pmn = [jnp.minimum(vs[2 * j], vs[2 * j + 1]) for j in range(7)]
            pmx = [jnp.maximum(vs[2 * j], vs[2 * j + 1]) for j in range(7)]
            mns = tuple(jnp.minimum(m, p) for m, p in zip(mns, pmn))
            mxs = tuple(jnp.maximum(m, p) for m, p in zip(mxs, pmx))
            return mns, mxs

        mns, mxs = mm_loop
        mn, mx = mns[0], mxs[0]
        for u in range(1, 7):
            mn = jnp.minimum(mn, mns[u])
            mx = jnp.maximum(mx, mxs[u])
        lo = -jnp.max(-mn)
        hi = jnp.max(mx)
        rng = jnp.maximum(hi - lo, jnp.float32(1e-30))
        scale = jnp.full((L,), jnp.float32(NBINS)) / rng
        bw = rng * jnp.float32(1.0 / NBINS)
        adj = magic + lanebase.astype(jnp.float32)

        @plsc.parallel_loop(0, H, unroll=2)
        def sc_loop(i):
            vs = [buf[i, pl.ds(u * L, L)] for u in range(14)]
            ts = [(v - lo) * scale + adj for v in vs]
            idxs = [plsc.bitcast(t, jnp.int32) - bias for t in ts]
            for idx in idxs:
                plsc.addupdate_scatter(cnt, [idx], ones)

        ov = cnt[pl.ds(NBINS, L)]
        cnt[pl.ds(NBINS, L)] = jnp.zeros((L,), jnp.float32)
        for l in range(1, L):
            off = l * NB2 + NBINS
            ov = ov + cnt[pl.ds(off, L)]
            cnt[pl.ds(off, L)] = jnp.zeros((L,), jnp.float32)
        ov0 = ov[0]
        top = cnt[pl.ds(NBINS - L, L)]
        cnt[pl.ds(NBINS - L, L)] = top + jnp.where(
            lanes == L - 1, ov0, 0.0)

        @plsc.parallel_loop(0, HCHUNKS, unroll=2,
                            carry=(zeros, jnp.float32(0.0)))
        def rd_loop(j, carry):
            acc, rank = carry
            c0 = (HCHUNKS - 1 - j) * L
            cc = cnt[pl.ds(c0, L)]
            cnt[pl.ds(c0, L)] = zeros
            for l in range(1, L):
                off = l * NB2 + c0
                cc = cc + cnt[pl.ds(off, L)]
                cnt[pl.ds(off, L)] = zeros
            rc = lax.rev(cc, (0,))
            incl = plsc.cumsum(rc)
            r_excl = incl - rc + rank
            m = jnp.clip(kf - r_excl, 0.0, rc)
            om = (jnp.exp(lam * r_excl) - jnp.exp(lam * (r_excl + m))) * inv1md
            val = lo + (c0.astype(jnp.float32) + descoff) * bw
            return acc + om * val, rank + incl[L - 1]

        acc, _ = rd_loop
        return jnp.sum(acc) * invw

    pltpu.async_copy(x_hbm.at[base], bufa, sem0)

    def pair_body(p, resvec):
        row0 = base + 2 * p
        pltpu.async_copy(x_hbm.at[row0 + 1], bufb, sem1)
        pltpu.make_async_copy(x_hbm.at[row0], bufa, sem0).wait()
        s0 = row_compute(bufa)

        @pl.when(2 * p + 2 < ROWS_PER_W)
        def _():
            pltpu.async_copy(x_hbm.at[row0 + 2], bufa, sem0)

        pltpu.make_async_copy(x_hbm.at[row0 + 1], bufb, sem1).wait()
        s1 = row_compute(bufb)

        r0 = (2 * p) % L
        resvec = (resvec + jnp.where(lanes == r0, s0, 0.0)
                  + jnp.where(lanes == r0 + 1, s1, 0.0))

        @pl.when((p % (L // 2)) == (L // 2 - 1))
        def _():
            outbuf[pl.ds((p - (L // 2 - 1)) * 2, L)] = resvec

        return jnp.where(p % (L // 2) == (L // 2 - 1),
                         jnp.zeros((L,), jnp.float32), resvec)

    lax.fori_loop(0, ROWS_PER_W // 2, pair_body,
                  jnp.zeros((L,), jnp.float32))
    pltpu.sync_copy(outbuf, out_hbm.at[pl.ds(base, ROWS_PER_W)])


def kernel(input, gwrp_w):
    x = input.reshape(NROWS, H, W)
    K = gwrp_w.shape[0]
    d = gwrp_w[1]
    lam = jnp.log(d)
    inv1md = 1.0 / (1.0 - d)
    invw = 1.0 / jnp.sum(gwrp_w)
    params = jnp.zeros((L,), jnp.float32)
    params = params.at[0].set(lam).at[1].set(inv1md).at[2].set(invw)

    mesh = plsc.VectorSubcoreMesh(core_axis_name="c", subcore_axis_name="s")
    run = pl.kernel(
        functools.partial(_sc_body, K),
        out_type=jax.ShapeDtypeStruct((NROWS,), jnp.float32),
        mesh=mesh,
        compiler_params=pltpu.CompilerParams(needs_layout_passes=False,
                                             use_tc_tiling_on_sc=True),
        scratch_types=[
            pltpu.VMEM((H, W), jnp.float32),
            pltpu.VMEM((H, W), jnp.float32),
            pltpu.VMEM((L * NB2,), jnp.float32),
            pltpu.VMEM((ROWS_PER_W,), jnp.float32),
            pltpu.VMEM((L,), jnp.float32),
            pltpu.SemaphoreType.DMA,
            pltpu.SemaphoreType.DMA,
        ],
    )
    out = run(x, params)
    return out.reshape(B, C)

# --- scband reference (transcript-rebuilt; emitter-appended) ---
"""Pipeline reference for scband-rgwrp-63367947485762 (READ-ONLY COPY).

The authoritative reference and input builder live on the scoring server;
editing this copy changes nothing except your own understanding.
"""

import jax, jax.numpy as jnp
import numpy as np

LOWER_BOUND = 0.01
WEIGHT_LEN = 50176
R_FACTOR = 0.221
SORT_LEN = int(WEIGHT_LEN * R_FACTOR)  # 11088


def _make_gwrp_w():
    decay = LOWER_BOUND ** (1.0 / (SORT_LEN - 1.0))
    w = decay ** np.arange(SORT_LEN)
    return jnp.asarray(w, dtype=jnp.float32)


def setup_inputs(seed: int = 0) -> dict:
    key = jax.random.key(seed)
    x = jax.random.normal(key, (16, 96, 224, 224), dtype=jnp.float32)
    gwrp_w = _make_gwrp_w()
    return {"input": x, "gwrp_w": gwrp_w}


def reference(input, gwrp_w):
    B, C, H, W = input.shape
    sort_len = gwrp_w.shape[0]
    x = input.reshape(B, C, H * W)
    x, _ = jax.lax.top_k(x, sort_len)
    x = x * gwrp_w[None, None, :]
    x = jnp.sum(x, axis=-1)
    output = x / jnp.sum(gwrp_w)
    output = output.reshape(B, C)
    return output

if __name__ == "__main__":
    import jax
    _d = setup_inputs()
    print(jax.jit(kernel)(*tuple(_d.values())))

</pallas_src>

<mosaic_0001>
#map = affine_map<(d0, d1) -> (0, 0, 0)>
#map1 = affine_map<(d0, d1) -> (0)>
module attributes {stable_mosaic.version = 14 : i64} {
  func.func @_sc_body(%arg0: i32, %arg1: i32, %arg2: memref<1536x224x224xf32, #tpu.memory_space<hbm>>, %arg3: memref<16xf32, #tpu.memory_space<hbm>>, %arg4: memref<1536xf32, #tpu.memory_space<hbm>>, %arg5: memref<224x224xf32, #tpu.memory_space<vmem>>, %arg6: memref<224x224xf32, #tpu.memory_space<vmem>>, %arg7: memref<8448xf32, #tpu.memory_space<vmem>>, %arg8: memref<48xf32, #tpu.memory_space<vmem>>, %arg9: memref<16xf32, #tpu.memory_space<vmem>>, %arg10: memref<!tpu.dma_semaphore, #tpu.memory_space<semaphore_mem>>, %arg11: memref<!tpu.dma_semaphore, #tpu.memory_space<semaphore_mem>>) attributes {dimension_semantics = [#tpu.dimension_semantics<core_parallel>, #tpu.dimension_semantics<subcore_parallel>], iteration_bounds = array<i64: 2, 16>, scalar_prefetch = 0 : i64, scratch_operands = 7 : i64, tpu.core_type = #tpu.core_type<sc_vector_subcore>, window_params = [{transform_indices = #map}, {transform_indices = #map1}, {transform_indices = #map1}]} {
    %mul3A = arith.constant 2 : i32
    %mul3A_0 = arith.muli %arg1, %mul3A : i32
    %add3A = arith.addi %mul3A_0, %arg0 : i32
    %mul3A_1 = arith.constant 48 : i32
    %mul3A_2 = arith.muli %add3A, %mul3A_1 : i32
    "tpu.region"() ({
      %run_scoped3A = tpu.sem_alloc : memref<!tpu.dma_semaphore, #tpu.memory_space<semaphore_mem>>
      tpu.enqueue_dma source(%arg3 : memref<16xf32, #tpu.memory_space<hbm>>) target(%arg9 : memref<16xf32, #tpu.memory_space<vmem>>) target_semaphore(%run_scoped3A : memref<!tpu.dma_semaphore, #tpu.memory_space<semaphore_mem>>)
      tpu.wait_dma2 semaphore(%run_scoped3A : memref<!tpu.dma_semaphore, #tpu.memory_space<semaphore_mem>>) src(%arg3 : memref<16xf32, #tpu.memory_space<hbm>>) dst(%arg9 : memref<16xf32, #tpu.memory_space<vmem>>)
      tpu.yield
    }) : () -> ()
    %get3A = arith.constant 0 : index
    %get3A_3 = tpu.vector_load %arg9[%get3A] {strides = array<i32>} : memref<16xf32, #tpu.memory_space<vmem>>, vector<16xf32>,
    %slice3A = vector.extract_strided_slice %get3A_3 {offsets = [0], sizes = [1], strides = [1]} : vector<16xf32> to vector<1xf32>
    %squeeze3A = vector.extract %slice3A[0] : f32 from vector<1xf32>
    %slice3A_4 = vector.extract_strided_slice %get3A_3 {offsets = [1], sizes = [1], strides = [1]} : vector<16xf32> to vector<1xf32>
    %squeeze3A_5 = vector.extract %slice3A_4[0] : f32 from vector<1xf32>
    %slice3A_6 = vector.extract_strided_slice %get3A_3 {offsets = [2], sizes = [1], strides = [1]} : vector<16xf32> to vector<1xf32>
    %squeeze3A_7 = vector.extract %slice3A_6[0] : f32 from vector<1xf32>
    %iota3A = tpu.iota {dimensions = array<i32: 0>} : vector<16xi32>
    %mul3A_8 = arith.constant 528 : i32
    %mul3A_9 = vector.broadcast %mul3A_8 : i32 to vector<16xi32>
    %mul3A_10 = arith.muli %iota3A, %mul3A_9 : vector<16xi32>
    %broadcast_in_dim3A = arith.constant 1.000000e+00 : f32
    %broadcast_in_dim3A_11 = vector.broadcast %broadcast_in_dim3A : f32 to vector<16xf32>
    %broadcast_in_dim3A_12 = arith.constant 0.000000e+00 : f32
    %broadcast_in_dim3A_13 = vector.broadcast %broadcast_in_dim3A_12 : f32 to vector<16xf32>
    %convert_element_type3A = arith.sitofp %iota3A : vector<16xi32> to vector<16xf32>
    %sub3A = arith.constant 1.500000e+01 : f32
    %sub3A_14 = vector.broadcast %sub3A : f32 to vector<16xf32>
    %sub3A_15 = arith.subf %sub3A_14, %convert_element_type3A : vector<16xf32>
    %parallel_loop3A = arith.constant 0 : i32
    %parallel_loop3A_16 = arith.constant 8448 : i32
    %parallel_loop3A_17 = arith.constant 128 : i32
    scf.for %parallel_loop3A_35 = %parallel_loop3A to %parallel_loop3A_16 step %parallel_loop3A_17  : i32 {
      %parallel_loop3A_36 = arith.constant 0 : i32
      %parallel_loop3A_37 = arith.addi %parallel_loop3A_35, %parallel_loop3A_36 : i32
      %parallel_loop3A_38 = arith.index_cast %parallel_loop3A_37 : i32 to index
      %parallel_loop3A_39 = tpu.vector_load %arg7[%parallel_loop3A_38] {strides = array<i32>} : memref<8448xf32, #tpu.memory_space<vmem>>, vector<16xf32>,
      tpu.vector_store %arg7[%parallel_loop3A_38], %broadcast_in_dim3A_13 {strides = array<i32>} : memref<8448xf32, #tpu.memory_space<vmem>>, vector<16xf32>,
      %parallel_loop3A_40 = arith.constant 16 : i32
      %parallel_loop3A_41 = arith.addi %parallel_loop3A_35, %parallel_loop3A_40 : i32
      %parallel_loop3A_42 = arith.index_cast %parallel_loop3A_41 : i32 to index
      %parallel_loop3A_43 = tpu.vector_load %arg7[%parallel_loop3A_42] {strides = array<i32>} : memref<8448xf32, #tpu.memory_space<vmem>>, vector<16xf32>,
      tpu.vector_store %arg7[%parallel_loop3A_42], %broadcast_in_dim3A_13 {strides = array<i32>} : memref<8448xf32, #tpu.memory_space<vmem>>, vector<16xf32>,
      %parallel_loop3A_44 = arith.constant 32 : i32
      %parallel_loop3A_45 = arith.addi %parallel_loop3A_35, %parallel_loop3A_44 : i32
      %parallel_loop3A_46 = arith.index_cast %parallel_loop3A_45 : i32 to index
      %parallel_loop3A_47 = tpu.vector_load %arg7[%parallel_loop3A_46] {strides = array<i32>} : memref<8448xf32, #tpu.memory_space<vmem>>, vector<16xf32>,
      tpu.vector_store %arg7[%parallel_loop3A_46], %broadcast_in_dim3A_13 {strides = array<i32>} : memref<8448xf32, #tpu.memory_space<vmem>>, vector<16xf32>,
      %parallel_loop3A_48 = arith.constant 48 : i32
      %parallel_loop3A_49 = arith.addi %parallel_loop3A_35, %parallel_loop3A_48 : i32
      %parallel_loop3A_50 = arith.index_cast %parallel_loop3A_49 : i32 to index
      %parallel_loop3A_51 = tpu.vector_load %arg7[%parallel_loop3A_50] {strides = array<i32>} : memref<8448xf32, #tpu.memory_space<vmem>>, vector<16xf32>,
      tpu.vector_store %arg7[%parallel_loop3A_50], %broadcast_in_dim3A_13 {strides = array<i32>} : memref<8448xf32, #tpu.memory_space<vmem>>, vector<16xf32>,
      %parallel_loop3A_52 = arith.constant 64 : i32
      %parallel_loop3A_53 = arith.addi %parallel_loop3A_35, %parallel_loop3A_52 : i32
      %parallel_loop3A_54 = arith.index_cast %parallel_loop3A_53 : i32 to index
      %parallel_loop3A_55 = tpu.vector_load %arg7[%parallel_loop3A_54] {strides = array<i32>} : memref<8448xf32, #tpu.memory_space<vmem>>, vector<16xf32>,
      tpu.vector_store %arg7[%parallel_loop3A_54], %broadcast_in_dim3A_13 {strides = array<i32>} : memref<8448xf32, #tpu.memory_space<vmem>>, vector<16xf32>,
      %parallel_loop3A_56 = arith.constant 80 : i32
      %parallel_loop3A_57 = arith.addi %parallel_loop3A_35, %parallel_loop3A_56 : i32
      %parallel_loop3A_58 = arith.index_cast %parallel_loop3A_57 : i32 to index
      %parallel_loop3A_59 = tpu.vector_load %arg7[%parallel_loop3A_58] {strides = array<i32>} : memref<8448xf32, #tpu.memory_space<vmem>>, vector<16xf32>,
      tpu.vector_store %arg7[%parallel_loop3A_58], %broadcast_in_dim3A_13 {strides = array<i32>} : memref<8448xf32, #tpu.memory_space<vmem>>, vector<16xf32>,
      %parallel_loop3A_60 = arith.constant 96 : i32
      %parallel_loop3A_61 = arith.addi %parallel_loop3A_35, %parallel_loop3A_60 : i32
      %parallel_loop3A_62 = arith.index_cast %parallel_loop3A_61 : i32 to index
      %parallel_loop3A_63 = tpu.vector_load %arg7[%parallel_loop3A_62] {strides = array<i32>} : memref<8448xf32, #tpu.memory_space<vmem>>, vector<16xf32>,
      tpu.vector_store %arg7[%parallel_loop3A_62], %broadcast_in_dim3A_13 {strides = array<i32>} : memref<8448xf32, #tpu.memory_space<vmem>>, vector<16xf32>,
      %parallel_loop3A_64 = arith.constant 112 : i32
      %parallel_loop3A_65 = arith.addi %parallel_loop3A_35, %parallel_loop3A_64 : i32
      %parallel_loop3A_66 = arith.index_cast %parallel_loop3A_65 : i32 to index
      %parallel_loop3A_67 = tpu.vector_load %arg7[%parallel_loop3A_66] {strides = array<i32>} : memref<8448xf32, #tpu.memory_space<vmem>>, vector<16xf32>,
      tpu.vector_store %arg7[%parallel_loop3A_66], %broadcast_in_dim3A_13 {strides = array<i32>} : memref<8448xf32, #tpu.memory_space<vmem>>, vector<16xf32>,
    } {sc.loop_unroll_factor = 2 : i64, sc.parallel_access}
    %dma_start3A = arith.constant 0 : i32
    %dma_start3A_18 = arith.constant 0 : i32
    %dma_start3A_19 = tpu.memref_slice %arg2[%mul3A_2, %dma_start3A, %dma_start3A_18] : memref<1536x224x224xf32, #tpu.memory_space<hbm>> -> memref<1x224x224xf32, #tpu.memory_space<hbm>>
    %dma_start3A_20 = tpu.memref_squeeze %dma_start3A_19 : memref<1x224x224xf32, #tpu.memory_space<hbm>> -> memref<224x224xf32, #tpu.memory_space<hbm>>
    %dma_start3A_21 = arith.constant 0 : i32
    %dma_start3A_22 = arith.constant 0 : i32
    %dma_start3A_23 = tpu.memref_slice %arg2[%mul3A_2, %dma_start3A_21, %dma_start3A_22] : memref<1536x224x224xf32, #tpu.memory_space<hbm>> -> memref<1x224x224xf32, #tpu.memory_space<hbm>>
    %dma_start3A_24 = tpu.memref_squeeze %dma_start3A_23 : memref<1x224x224xf32, #tpu.memory_space<hbm>> -> memref<224x224xf32, #tpu.memory_space<hbm>>
    tpu.enqueue_dma source(%dma_start3A_24 : memref<224x224xf32, #tpu.memory_space<hbm>>) target(%arg5 : memref<224x224xf32, #tpu.memory_space<vmem>>) target_semaphore(%arg10 : memref<!tpu.dma_semaphore, #tpu.memory_space<semaphore_mem>>)
    %broadcast_in_dim3A_25 = arith.constant 0.000000e+00 : f32
    %broadcast_in_dim3A_26 = vector.broadcast %broadcast_in_dim3A_25 : f32 to vector<16xf32>
    %scan3A = arith.constant 0x4B400000 : f32
    %scan3A_27 = arith.constant 1262485504 : i32
    %scan3A_28 = arith.constant 1.108800e+04 : f32
    %scan3A_29 = arith.constant 0 : i32
    %scan3A_30 = arith.constant 24 : i32
    %scan3A_31 = arith.addi %scan3A_29, %scan3A_30 : i32
    %scan3A_32 = arith.constant 1 : i32
    %scan3A_33 = scf.for %scan3A_35 = %scan3A_29 to %scan3A_31 step %scan3A_32 iter_args(%scan3A_36 = %broadcast_in_dim3A_26) -> (vector<16xf32>)  : i32 {
      %mul3A_37 = arith.constant 2 : i32
      %mul3A_38 = arith.muli %mul3A_37, %scan3A_35 : i32
      %add3A_39 = arith.addi %mul3A_2, %mul3A_38 : i32
      %add3A_40 = arith.constant 1 : i32
      %add3A_41 = arith.addi %add3A_39, %add3A_40 : i32
      %dma_start3A_42 = arith.constant 0 : i32
      %dma_start3A_43 = arith.constant 0 : i32
      %dma_start3A_44 = tpu.memref_slice %arg2[%add3A_41, %dma_start3A_42, %dma_start3A_43] : memref<1536x224x224xf32, #tpu.memory_space<hbm>> -> memref<1x224x224xf32, #tpu.memory_space<hbm>>
      %dma_start3A_45 = tpu.memref_squeeze %dma_start3A_44 : memref<1x224x224xf32, #tpu.memory_space<hbm>> -> memref<224x224xf32, #tpu.memory_space<hbm>>
      %dma_start3A_46 = arith.constant 0 : i32
      %dma_start3A_47 = arith.constant 0 : i32
      %dma_start3A_48 = tpu.memref_slice %arg2[%add3A_41, %dma_start3A_46, %dma_start3A_47] : memref<1536x224x224xf32, #tpu.memory_space<hbm>> -> memref<1x224x224xf32, #tpu.memory_space<hbm>>
      %dma_start3A_49 = tpu.memref_squeeze %dma_start3A_48 : memref<1x224x224xf32, #tpu.memory_space<hbm>> -> memref<224x224xf32, #tpu.memory_space<hbm>>
      tpu.enqueue_dma source(%dma_start3A_49 : memref<224x224xf32, #tpu.memory_space<hbm>>) target(%arg6 : memref<224x224xf32, #tpu.memory_space<vmem>>) target_semaphore(%arg11 : memref<!tpu.dma_semaphore, #tpu.memory_space<semaphore_mem>>)
      %dma_wait3A = arith.constant 0 : i32
      %dma_wait3A_50 = arith.constant 0 : i32
      %dma_wait3A_51 = tpu.memref_slice %arg2[%add3A_39, %dma_wait3A, %dma_wait3A_50] : memref<1536x224x224xf32, #tpu.memory_space<hbm>> -> memref<1x224x224xf32, #tpu.memory_space<hbm>>
      %dma_wait3A_52 = tpu.memref_squeeze %dma_wait3A_51 : memref<1x224x224xf32, #tpu.memory_space<hbm>> -> memref<224x224xf32, #tpu.memory_space<hbm>>
      %dma_wait3A_53 = arith.constant 0 : i32
      %dma_wait3A_54 = arith.constant 0 : i32
      %dma_wait3A_55 = tpu.memref_slice %arg2[%add3A_39, %dma_wait3A_53, %dma_wait3A_54] : memref<1536x224x224xf32, #tpu.memory_space<hbm>> -> memref<1x224x224xf32, #tpu.memory_space<hbm>>
      %dma_wait3A_56 = tpu.memref_squeeze %dma_wait3A_55 : memref<1x224x224xf32, #tpu.memory_space<hbm>> -> memref<224x224xf32, #tpu.memory_space<hbm>>
      tpu.wait_dma2 semaphore(%arg10 : memref<!tpu.dma_semaphore, #tpu.memory_space<semaphore_mem>>) src(%dma_wait3A_56 : memref<224x224xf32, #tpu.memory_space<hbm>>) dst(%arg5 : memref<224x224xf32, #tpu.memory_space<vmem>>)
      %get3A_57 = arith.constant 0 : i32
      %get3A_58 = arith.index_cast %get3A_57 : i32 to index
      %get3A_59 = arith.constant 0 : index
      %get3A_60 = tpu.vector_load %arg5[%get3A_58, %get3A_59] {strides = array<i32>} : memref<224x224xf32, #tpu.memory_space<vmem>>, vector<16xf32>,
      %parallel_loop3A_61 = arith.constant 0 : i32
      %parallel_loop3A_62 = arith.constant 224 : i32
      %parallel_loop3A_63 = arith.constant 1 : i32
      %parallel_loop3A_64:14 = scf.for %parallel_loop3A_503 = %parallel_loop3A_61 to %parallel_loop3A_62 step %parallel_loop3A_63 iter_args(%parallel_loop3A_504 = %get3A_60, %parallel_loop3A_505 = %get3A_60, %parallel_loop3A_506 = %get3A_60, %parallel_loop3A_507 = %get3A_60, %parallel_loop3A_508 = %get3A_60, %parallel_loop3A_509 = %get3A_60, %parallel_loop3A_510 = %get3A_60, %parallel_loop3A_511 = %get3A_60, %parallel_loop3A_512 = %get3A_60, %parallel_loop3A_513 = %get3A_60, %parallel_loop3A_514 = %get3A_60, %parallel_loop3A_515 = %get3A_60, %parallel_loop3A_516 = %get3A_60, %parallel_loop3A_517 = %get3A_60) -> (vector<16xf32>, vector<16xf32>, vector<16xf32>, vector<16xf32>, vector<16xf32>, vector<16xf32>, vector<16xf32>, vector<16xf32>, vector<16xf32>, vector<16xf32>, vector<16xf32>, vector<16xf32>, vector<16xf32>, vector<16xf32>)  : i32 {
        %parallel_loop3A_518 = arith.index_cast %parallel_loop3A_503 : i32 to index
        %parallel_loop3A_519 = arith.constant 0 : index
        %parallel_loop3A_520 = tpu.vector_load %arg5[%parallel_loop3A_518, %parallel_loop3A_519] {strides = array<i32>} : memref<224x224xf32, #tpu.memory_space<vmem>>, vector<16xf32>,
        %parallel_loop3A_521 = arith.index_cast %parallel_loop3A_503 : i32 to index
        %parallel_loop3A_522 = arith.constant 16 : index
        %parallel_loop3A_523 = tpu.vector_load %arg5[%parallel_loop3A_521, %parallel_loop3A_522] {strides = array<i32>} : memref<224x224xf32, #tpu.memory_space<vmem>>, vector<16xf32>,
        %parallel_loop3A_524 = arith.index_cast %parallel_loop3A_503 : i32 to index
        %parallel_loop3A_525 = arith.constant 32 : index
        %parallel_loop3A_526 = tpu.vector_load %arg5[%parallel_loop3A_524, %parallel_loop3A_525] {strides = array<i32>} : memref<224x224xf32, #tpu.memory_space<vmem>>, vector<16xf32>,
        %parallel_loop3A_527 = arith.index_cast %parallel_loop3A_503 : i32 to index
        %parallel_loop3A_528 = arith.constant 48 : index
        %parallel_loop3A_529 = tpu.vector_load %arg5[%parallel_loop3A_527, %parallel_loop3A_528] {strides = array<i32>} : memref<224x224xf32, #tpu.memory_space<vmem>>, vector<16xf32>,
        %parallel_loop3A_530 = arith.index_cast %parallel_loop3A_503 : i32 to index
        %parallel_loop3A_531 = arith.constant 64 : index
        %parallel_loop3A_532 = tpu.vector_load %arg5[%parallel_loop3A_530, %parallel_loop3A_531] {strides = array<i32>} : memref<224x224xf32, #tpu.memory_space<vmem>>, vector<16xf32>,
        %parallel_loop3A_533 = arith.index_cast %parallel_loop3A_503 : i32 to index
        %parallel_loop3A_534 = arith.constant 80 : index
        %parallel_loop3A_535 = tpu.vector_load %arg5[%parallel_loop3A_533, %parallel_loop3A_534] {strides = array<i32>} : memref<224x224xf32, #tpu.memory_space<vmem>>, vector<16xf32>,
        %parallel_loop3A_536 = arith.index_cast %parallel_loop3A_503 : i32 to index
        %parallel_loop3A_537 = arith.constant 96 : index
        %parallel_loop3A_538 = tpu.vector_load %arg5[%parallel_loop3A_536, %parallel_loop3A_537] {strides = array<i32>} : memref<224x224xf32, #tpu.memory_space<vmem>>, vector<16xf32>,
        %parallel_loop3A_539 = arith.index_cast %parallel_loop3A_503 : i32 to index
        %parallel_loop3A_540 = arith.constant 112 : index
        %parallel_loop3A_541 = tpu.vector_load %arg5[%parallel_loop3A_539, %parallel_loop3A_540] {strides = array<i32>} : memref<224x224xf32, #tpu.memory_space<vmem>>, vector<16xf32>,
        %parallel_loop3A_542 = arith.index_cast %parallel_loop3A_503 : i32 to index
        %parallel_loop3A_543 = arith.constant 128 : index
        %parallel_loop3A_544 = tpu.vector_load %arg5[%parallel_loop3A_542, %parallel_loop3A_543] {strides = array<i32>} : memref<224x224xf32, #tpu.memory_space<vmem>>, vector<16xf32>,
        %parallel_loop3A_545 = arith.index_cast %parallel_loop3A_503 : i32 to index
        %parallel_loop3A_546 = arith.constant 144 : index
        %parallel_loop3A_547 = tpu.vector_load %arg5[%parallel_loop3A_545, %parallel_loop3A_546] {strides = array<i32>} : memref<224x224xf32, #tpu.memory_space<vmem>>, vector<16xf32>,
        %parallel_loop3A_548 = arith.index_cast %parallel_loop3A_503 : i32 to index
        %parallel_loop3A_549 = arith.constant 160 : index
        %parallel_loop3A_550 = tpu.vector_load %arg5[%parallel_loop3A_548, %parallel_loop3A_549] {strides = array<i32>} : memref<224x224xf32, #tpu.memory_space<vmem>>, vector<16xf32>,
        %parallel_loop3A_551 = arith.index_cast %parallel_loop3A_503 : i32 to index
        %parallel_loop3A_552 = arith.constant 176 : index
        %parallel_loop3A_553 = tpu.vector_load %arg5[%parallel_loop3A_551, %parallel_loop3A_552] {strides = array<i32>} : memref<224x224xf32, #tpu.memory_space<vmem>>, vector<16xf32>,
        %parallel_loop3A_554 = arith.index_cast %parallel_loop3A_503 : i32 to index
        %parallel_loop3A_555 = arith.constant 192 : index
        %parallel_loop3A_556 = tpu.vector_load %arg5[%parallel_loop3A_554, %parallel_loop3A_555] {strides = array<i32>} : memref<224x224xf32, #tpu.memory_space<vmem>>, vector<16xf32>,
        %parallel_loop3A_557 = arith.index_cast %parallel_loop3A_503 : i32 to index
        %parallel_loop3A_558 = arith.constant 208 : index
        %parallel_loop3A_559 = tpu.vector_load %arg5[%parallel_loop3A_557, %parallel_loop3A_558] {strides = array<i32>} : memref<224x224xf32, #tpu.memory_space<vmem>>, vector<16xf32>,
        %parallel_loop3A_560 = arith.minimumf %parallel_loop3A_520, %parallel_loop3A_523 : vector<16xf32>
        %parallel_loop3A_561 = arith.minimumf %parallel_loop3A_526, %parallel_loop3A_529 : vector<16xf32>
        %parallel_loop3A_562 = arith.minimumf %parallel_loop3A_532, %parallel_loop3A_535 : vector<16xf32>
        %parallel_loop3A_563 = arith.minimumf %parallel_loop3A_538, %parallel_loop3A_541 : vector<16xf32>
        %parallel_loop3A_564 = arith.minimumf %parallel_loop3A_544, %parallel_loop3A_547 : vector<16xf32>
        %parallel_loop3A_565 = arith.minimumf %parallel_loop3A_550, %parallel_loop3A_553 : vector<16xf32>
        %parallel_loop3A_566 = arith.minimumf %parallel_loop3A_556, %parallel_loop3A_559 : vector<16xf32>
        %parallel_loop3A_567 = arith.maximumf %parallel_loop3A_520, %parallel_loop3A_523 : vector<16xf32>
        %parallel_loop3A_568 = arith.maximumf %parallel_loop3A_526, %parallel_loop3A_529 : vector<16xf32>
        %parallel_loop3A_569 = arith.maximumf %parallel_loop3A_532, %parallel_loop3A_535 : vector<16xf32>
        %parallel_loop3A_570 = arith.maximumf %parallel_loop3A_538, %parallel_loop3A_541 : vector<16xf32>
        %parallel_loop3A_571 = arith.maximumf %parallel_loop3A_544, %parallel_loop3A_547 : vector<16xf32>
        %parallel_loop3A_572 = arith.maximumf %parallel_loop3A_550, %parallel_loop3A_553 : vector<16xf32>
        %parallel_loop3A_573 = arith.maximumf %parallel_loop3A_556, %parallel_loop3A_559 : vector<16xf32>
        %parallel_loop3A_574 = arith.minimumf %parallel_loop3A_504, %parallel_loop3A_560 : vector<16xf32>
        %parallel_loop3A_575 = arith.minimumf %parallel_loop3A_505, %parallel_loop3A_561 : vector<16xf32>
        %parallel_loop3A_576 = arith.minimumf %parallel_loop3A_506, %parallel_loop3A_562 : vector<16xf32>
        %parallel_loop3A_577 = arith.minimumf %parallel_loop3A_507, %parallel_loop3A_563 : vector<16xf32>
        %parallel_loop3A_578 = arith.minimumf %parallel_loop3A_508, %parallel_loop3A_564 : vector<16xf32>
        %parallel_loop3A_579 = arith.minimumf %parallel_loop3A_509, %parallel_loop3A_565 : vector<16xf32>
        %parallel_loop3A_580 = arith.minimumf %parallel_loop3A_510, %parallel_loop3A_566 : vector<16xf32>
        %parallel_loop3A_581 = arith.maximumf %parallel_loop3A_511, %parallel_loop3A_567 : vector<16xf32>
        %parallel_loop3A_582 = arith.maximumf %parallel_loop3A_512, %parallel_loop3A_568 : vector<16xf32>
        %parallel_loop3A_583 = arith.maximumf %parallel_loop3A_513, %parallel_loop3A_569 : vector<16xf32>
        %parallel_loop3A_584 = arith.maximumf %parallel_loop3A_514, %parallel_loop3A_570 : vector<16xf32>
        %parallel_loop3A_585 = arith.maximumf %parallel_loop3A_515, %parallel_loop3A_571 : vector<16xf32>
        %parallel_loop3A_586 = arith.maximumf %parallel_loop3A_516, %parallel_loop3A_572 : vector<16xf32>
        %parallel_loop3A_587 = arith.maximumf %parallel_loop3A_517, %parallel_loop3A_573 : vector<16xf32>
        scf.yield %parallel_loop3A_574, %parallel_loop3A_575, %parallel_loop3A_576, %parallel_loop3A_577, %parallel_loop3A_578, %parallel_loop3A_579, %parallel_loop3A_580, %parallel_loop3A_581, %parallel_loop3A_582, %parallel_loop3A_583, %parallel_loop3A_584, %parallel_loop3A_585, %parallel_loop3A_586, %parallel_loop3A_587 : vector<16xf32>, vector<16xf32>, vector<16xf32>, vector<16xf32>, vector<16xf32>, vector<16xf32>, vector<16xf32>, vector<16xf32>, vector<16xf32>, vector<16xf32>, vector<16xf32>, vector<16xf32>, vector<16xf32>, vector<16xf32>
      } {sc.loop_unroll_factor = 2 : i64, sc.parallel_access}
      %min3A = arith.minimumf %parallel_loop3A_64#0, %parallel_loop3A_64#1 : vector<16xf32>
      %max3A = arith.maximumf %parallel_loop3A_64#7, %parallel_loop3A_64#8 : vector<16xf32>
      %min3A_65 = arith.minimumf %min3A, %parallel_loop3A_64#2 : vector<16xf32>
      %max3A_66 = arith.maximumf %max3A, %parallel_loop3A_64#9 : vector<16xf32>
      %min3A_67 = arith.minimumf %min3A_65, %parallel_loop3A_64#3 : vector<16xf32>
      %max3A_68 = arith.maximumf %max3A_66, %parallel_loop3A_64#10 : vector<16xf32>
      %min3A_69 = arith.minimumf %min3A_67, %parallel_loop3A_64#4 : vector<16xf32>
      %max3A_70 = arith.maximumf %max3A_68, %parallel_loop3A_64#11 : vector<16xf32>
      %min3A_71 = arith.minimumf %min3A_69, %parallel_loop3A_64#5 : vector<16xf32>
      %max3A_72 = arith.maximumf %max3A_70, %parallel_loop3A_64#12 : vector<16xf32>
      %min3A_73 = arith.minimumf %min3A_71, %parallel_loop3A_64#6 : vector<16xf32>
      %max3A_74 = arith.maximumf %max3A_72, %parallel_loop3A_64#13 : vector<16xf32>
      %neg3A = arith.constant 0.000000e+00 : f32
      %neg3A_75 = vector.broadcast %neg3A : f32 to vector<16xf32>
      %neg3A_76 = arith.subf %neg3A_75, %min3A_73 : vector<16xf32>
      %reduce_max3A = arith.constant true
      %reduce_max3A_77 = vector.broadcast %reduce_max3A : i1 to vector<16xi1>
      %reduce_max3A_78 = tpu.scan <max>, %neg3A_76 masked %reduce_max3A_77 : vector<16xf32>, vector<16xi1> -> vector<16xf32>
      %reduce_max3A_79 = vector.extract %reduce_max3A_78[15] : f32 from vector<16xf32>
      %neg3A_80 = arith.constant 0.000000e+00 : f32
      %neg3A_81 = arith.subf %neg3A_80, %reduce_max3A_79 : f32
      %reduce_max3A_82 = arith.constant true
      %reduce_max3A_83 = vector.broadcast %reduce_max3A_82 : i1 to vector<16xi1>
      %reduce_max3A_84 = tpu.scan <max>, %max3A_74 masked %reduce_max3A_83 : vector<16xf32>, vector<16xi1> -> vector<16xf32>
      %reduce_max3A_85 = vector.extract %reduce_max3A_84[15] : f32 from vector<16xf32>
      %sub3A_86 = arith.subf %reduce_max3A_85, %neg3A_81 : f32
      %max3A_87 = arith.constant 1.000000e-30 : f32
      %max3A_88 = arith.maximumf %sub3A_86, %max3A_87 : f32
      %broadcast_in_dim3A_89 = arith.constant 5.120000e+02 : f32
      %broadcast_in_dim3A_90 = vector.broadcast %broadcast_in_dim3A_89 : f32 to vector<16xf32>
      %div3A = vector.broadcast %max3A_88 : f32 to vector<16xf32>
      %div3A_91 = arith.divf %broadcast_in_dim3A_90, %div3A : vector<16xf32>
      %mul3A_92 = arith.constant 0.001953125 : f32
      %mul3A_93 = arith.mulf %max3A_88, %mul3A_92 : f32
      %convert_element_type3A_94 = arith.sitofp %mul3A_10 : vector<16xi32> to vector<16xf32>
      %add3A_95 = vector.broadcast %scan3A : f32 to vector<16xf32>
      %add3A_96 = arith.addf %add3A_95, %convert_element_type3A_94 : vector<16xf32>
      %parallel_loop3A_97 = arith.constant 0 : i32
      %parallel_loop3A_98 = arith.constant 224 : i32
      %parallel_loop3A_99 = arith.constant 1 : i32
      scf.for %parallel_loop3A_503 = %parallel_loop3A_97 to %parallel_loop3A_98 step %parallel_loop3A_99  : i32 {
        %parallel_loop3A_504 = arith.index_cast %parallel_loop3A_503 : i32 to index
        %parallel_loop3A_505 = arith.constant 0 : index
        %parallel_loop3A_506 = tpu.vector_load %arg5[%parallel_loop3A_504, %parallel_loop3A_505] {strides = array<i32>} : memref<224x224xf32, #tpu.memory_space<vmem>>, vector<16xf32>,
        %parallel_loop3A_507 = arith.index_cast %parallel_loop3A_503 : i32 to index
        %parallel_loop3A_508 = arith.constant 16 : index
        %parallel_loop3A_509 = tpu.vector_load %arg5[%parallel_loop3A_507, %parallel_loop3A_508] {strides = array<i32>} : memref<224x224xf32, #tpu.memory_space<vmem>>, vector<16xf32>,
        %parallel_loop3A_510 = arith.index_cast %parallel_loop3A_503 : i32 to index
        %parallel_loop3A_511 = arith.constant 32 : index
        %parallel_loop3A_512 = tpu.vector_load %arg5[%parallel_loop3A_510, %parallel_loop3A_511] {strides = array<i32>} : memref<224x224xf32, #tpu.memory_space<vmem>>, vector<16xf32>,
        %parallel_loop3A_513 = arith.index_cast %parallel_loop3A_503 : i32 to index
        %parallel_loop3A_514 = arith.constant 48 : index
        %parallel_loop3A_515 = tpu.vector_load %arg5[%parallel_loop3A_513, %parallel_loop3A_514] {strides = array<i32>} : memref<224x224xf32, #tpu.memory_space<vmem>>, vector<16xf32>,
        %parallel_loop3A_516 = arith.index_cast %parallel_loop3A_503 : i32 to index
        %parallel_loop3A_517 = arith.constant 64 : index
        %parallel_loop3A_518 = tpu.vector_load %arg5[%parallel_loop3A_516, %parallel_loop3A_517] {strides = array<i32>} : memref<224x224xf32, #tpu.memory_space<vmem>>, vector<16xf32>,
        %parallel_loop3A_519 = arith.index_cast %parallel_loop3A_503 : i32 to index
        %parallel_loop3A_520 = arith.constant 80 : index
        %parallel_loop3A_521 = tpu.vector_load %arg5[%parallel_loop3A_519, %parallel_loop3A_520] {strides = array<i32>} : memref<224x224xf32, #tpu.memory_space<vmem>>, vector<16xf32>,
        %parallel_loop3A_522 = arith.index_cast %parallel_loop3A_503 : i32 to index
        %parallel_loop3A_523 = arith.constant 96 : index
        %parallel_loop3A_524 = tpu.vector_load %arg5[%parallel_loop3A_522, %parallel_loop3A_523] {strides = array<i32>} : memref<224x224xf32, #tpu.memory_space<vmem>>, vector<16xf32>,
        %parallel_loop3A_525 = arith.index_cast %parallel_loop3A_503 : i32 to index
        %parallel_loop3A_526 = arith.constant 112 : index
        %parallel_loop3A_527 = tpu.vector_load %arg5[%parallel_loop3A_525, %parallel_loop3A_526] {strides = array<i32>} : memref<224x224xf32, #tpu.memory_space<vmem>>, vector<16xf32>,
        %parallel_loop3A_528 = arith.index_cast %parallel_loop3A_503 : i32 to index
        %parallel_loop3A_529 = arith.constant 128 : index
        %parallel_loop3A_530 = tpu.vector_load %arg5[%parallel_loop3A_528, %parallel_loop3A_529] {strides = array<i32>} : memref<224x224xf32, #tpu.memory_space<vmem>>, vector<16xf32>,
        %parallel_loop3A_531 = arith.index_cast %parallel_loop3A_503 : i32 to index
        %parallel_loop3A_532 = arith.constant 144 : index
        %parallel_loop3A_533 = tpu.vector_load %arg5[%parallel_loop3A_531, %parallel_loop3A_532] {strides = array<i32>} : memref<224x224xf32, #tpu.memory_space<vmem>>, vector<16xf32>,
        %parallel_loop3A_534 = arith.index_cast %parallel_loop3A_503 : i32 to index
        %parallel_loop3A_535 = arith.constant 160 : index
        %parallel_loop3A_536 = tpu.vector_load %arg5[%parallel_loop3A_534, %parallel_loop3A_535] {strides = array<i32>} : memref<224x224xf32, #tpu.memory_space<vmem>>, vector<16xf32>,
        %parallel_loop3A_537 = arith.index_cast %parallel_loop3A_503 : i32 to index
        %parallel_loop3A_538 = arith.constant 176 : index
        %parallel_loop3A_539 = tpu.vector_load %arg5[%parallel_loop3A_537, %parallel_loop3A_538] {strides = array<i32>} : memref<224x224xf32, #tpu.memory_space<vmem>>, vector<16xf32>,
        %parallel_loop3A_540 = arith.index_cast %parallel_loop3A_503 : i32 to index
        %parallel_loop3A_541 = arith.constant 192 : index
        %parallel_loop3A_542 = tpu.vector_load %arg5[%parallel_loop3A_540, %parallel_loop3A_541] {strides = array<i32>} : memref<224x224xf32, #tpu.memory_space<vmem>>, vector<16xf32>,
        %parallel_loop3A_543 = arith.index_cast %parallel_loop3A_503 : i32 to index
        %parallel_loop3A_544 = arith.constant 208 : index
        %parallel_loop3A_545 = tpu.vector_load %arg5[%parallel_loop3A_543, %parallel_loop3A_544] {strides = array<i32>} : memref<224x224xf32, #tpu.memory_space<vmem>>, vector<16xf32>,
        %parallel_loop3A_546 = vector.broadcast %neg3A_81 : f32 to vector<16xf32>
        %parallel_loop3A_547 = arith.subf %parallel_loop3A_506, %parallel_loop3A_546 : vector<16xf32>
        %parallel_loop3A_548 = arith.mulf %parallel_loop3A_547, %div3A_91 : vector<16xf32>
        %parallel_loop3A_549 = arith.addf %parallel_loop3A_548, %add3A_96 : vector<16xf32>
        %parallel_loop3A_550 = vector.broadcast %neg3A_81 : f32 to vector<16xf32>
        %parallel_loop3A_551 = arith.subf %parallel_loop3A_509, %parallel_loop3A_550 : vector<16xf32>
        %parallel_loop3A_552 = arith.mulf %parallel_loop3A_551, %div3A_91 : vector<16xf32>
        %parallel_loop3A_553 = arith.addf %parallel_loop3A_552, %add3A_96 : vector<16xf32>
        %parallel_loop3A_554 = vector.broadcast %neg3A_81 : f32 to vector<16xf32>
        %parallel_loop3A_555 = arith.subf %parallel_loop3A_512, %parallel_loop3A_554 : vector<16xf32>
        %parallel_loop3A_556 = arith.mulf %parallel_loop3A_555, %div3A_91 : vector<16xf32>
        %parallel_loop3A_557 = arith.addf %parallel_loop3A_556, %add3A_96 : vector<16xf32>
        %parallel_loop3A_558 = vector.broadcast %neg3A_81 : f32 to vector<16xf32>
        %parallel_loop3A_559 = arith.subf %parallel_loop3A_515, %parallel_loop3A_558 : vector<16xf32>
        %parallel_loop3A_560 = arith.mulf %parallel_loop3A_559, %div3A_91 : vector<16xf32>
        %parallel_loop3A_561 = arith.addf %parallel_loop3A_560, %add3A_96 : vector<16xf32>
        %parallel_loop3A_562 = vector.broadcast %neg3A_81 : f32 to vector<16xf32>
        %parallel_loop3A_563 = arith.subf %parallel_loop3A_518, %parallel_loop3A_562 : vector<16xf32>
        %parallel_loop3A_564 = arith.mulf %parallel_loop3A_563, %div3A_91 : vector<16xf32>
        %parallel_loop3A_565 = arith.addf %parallel_loop3A_564, %add3A_96 : vector<16xf32>
        %parallel_loop3A_566 = vector.broadcast %neg3A_81 : f32 to vector<16xf32>
        %parallel_loop3A_567 = arith.subf %parallel_loop3A_521, %parallel_loop3A_566 : vector<16xf32>
        %parallel_loop3A_568 = arith.mulf %parallel_loop3A_567, %div3A_91 : vector<16xf32>
        %parallel_loop3A_569 = arith.addf %parallel_loop3A_568, %add3A_96 : vector<16xf32>
        %parallel_loop3A_570 = vector.broadcast %neg3A_81 : f32 to vector<16xf32>
        %parallel_loop3A_571 = arith.subf %parallel_loop3A_524, %parallel_loop3A_570 : vector<16xf32>
        %parallel_loop3A_572 = arith.mulf %parallel_loop3A_571, %div3A_91 : vector<16xf32>
        %parallel_loop3A_573 = arith.addf %parallel_loop3A_572, %add3A_96 : vector<16xf32>
        %parallel_loop3A_574 = vector.broadcast %neg3A_81 : f32 to vector<16xf32>
        %parallel_loop3A_575 = arith.subf %parallel_loop3A_527, %parallel_loop3A_574 : vector<16xf32>
        %parallel_loop3A_576 = arith.mulf %parallel_loop3A_575, %div3A_91 : vector<16xf32>
        %parallel_loop3A_577 = arith.addf %parallel_loop3A_576, %add3A_96 : vector<16xf32>
        %parallel_loop3A_578 = vector.broadcast %neg3A_81 : f32 to vector<16xf32>
        %parallel_loop3A_579 = arith.subf %parallel_loop3A_530, %parallel_loop3A_578 : vector<16xf32>
        %parallel_loop3A_580 = arith.mulf %parallel_loop3A_579, %div3A_91 : vector<16xf32>
        %parallel_loop3A_581 = arith.addf %parallel_loop3A_580, %add3A_96 : vector<16xf32>
        %parallel_loop3A_582 = vector.broadcast %neg3A_81 : f32 to vector<16xf32>
        %parallel_loop3A_583 = arith.subf %parallel_loop3A_533, %parallel_loop3A_582 : vector<16xf32>
        %parallel_loop3A_584 = arith.mulf %parallel_loop3A_583, %div3A_91 : vector<16xf32>
        %parallel_loop3A_585 = arith.addf %parallel_loop3A_584, %add3A_96 : vector<16xf32>
        %parallel_loop3A_586 = vector.broadcast %neg3A_81 : f32 to vector<16xf32>
        %parallel_loop3A_587 = arith.subf %parallel_loop3A_536, %parallel_loop3A_586 : vector<16xf32>
        %parallel_loop3A_588 = arith.mulf %parallel_loop3A_587, %div3A_91 : vector<16xf32>
        %parallel_loop3A_589 = arith.addf %parallel_loop3A_588, %add3A_96 : vector<16xf32>
        %parallel_loop3A_590 = vector.broadcast %neg3A_81 : f32 to vector<16xf32>
        %parallel_loop3A_591 = arith.subf %parallel_loop3A_539, %parallel_loop3A_590 : vector<16xf32>
        %parallel_loop3A_592 = arith.mulf %parallel_loop3A_591, %div3A_91 : vector<16xf32>
        %parallel_loop3A_593 = arith.addf %parallel_loop3A_592, %add3A_96 : vector<16xf32>
        %parallel_loop3A_594 = vector.broadcast %neg3A_81 : f32 to vector<16xf32>
        %parallel_loop3A_595 = arith.subf %parallel_loop3A_542, %parallel_loop3A_594 : vector<16xf32>
        %parallel_loop3A_596 = arith.mulf %parallel_loop3A_595, %div3A_91 : vector<16xf32>
        %parallel_loop3A_597 = arith.addf %parallel_loop3A_596, %add3A_96 : vector<16xf32>
        %parallel_loop3A_598 = vector.broadcast %neg3A_81 : f32 to vector<16xf32>
        %parallel_loop3A_599 = arith.subf %parallel_loop3A_545, %parallel_loop3A_598 : vector<16xf32>
        %parallel_loop3A_600 = arith.mulf %parallel_loop3A_599, %div3A_91 : vector<16xf32>
        %parallel_loop3A_601 = arith.addf %parallel_loop3A_600, %add3A_96 : vector<16xf32>
        %parallel_loop3A_602 = vector.bitcast %parallel_loop3A_549 : vector<16xf32> to vector<16xi32>
        %parallel_loop3A_603 = vector.broadcast %scan3A_27 : i32 to vector<16xi32>
        %parallel_loop3A_604 = arith.subi %parallel_loop3A_602, %parallel_loop3A_603 : vector<16xi32>
        %parallel_loop3A_605 = vector.bitcast %parallel_loop3A_553 : vector<16xf32> to vector<16xi32>
        %parallel_loop3A_606 = vector.broadcast %scan3A_27 : i32 to vector<16xi32>
        %parallel_loop3A_607 = arith.subi %parallel_loop3A_605, %parallel_loop3A_606 : vector<16xi32>
        %parallel_loop3A_608 = vector.bitcast %parallel_loop3A_557 : vector<16xf32> to vector<16xi32>
        %parallel_loop3A_609 = vector.broadcast %scan3A_27 : i32 to vector<16xi32>
        %parallel_loop3A_610 = arith.subi %parallel_loop3A_608, %parallel_loop3A_609 : vector<16xi32>
        %parallel_loop3A_611 = vector.bitcast %parallel_loop3A_561 : vector<16xf32> to vector<16xi32>
        %parallel_loop3A_612 = vector.broadcast %scan3A_27 : i32 to vector<16xi32>
        %parallel_loop3A_613 = arith.subi %parallel_loop3A_611, %parallel_loop3A_612 : vector<16xi32>
        %parallel_loop3A_614 = vector.bitcast %parallel_loop3A_565 : vector<16xf32> to vector<16xi32>
        %parallel_loop3A_615 = vector.broadcast %scan3A_27 : i32 to vector<16xi32>
        %parallel_loop3A_616 = arith.subi %parallel_loop3A_614, %parallel_loop3A_615 : vector<16xi32>
        %parallel_loop3A_617 = vector.bitcast %parallel_loop3A_569 : vector<16xf32> to vector<16xi32>
        %parallel_loop3A_618 = vector.broadcast %scan3A_27 : i32 to vector<16xi32>
        %parallel_loop3A_619 = arith.subi %parallel_loop3A_617, %parallel_loop3A_618 : vector<16xi32>
        %parallel_loop3A_620 = vector.bitcast %parallel_loop3A_573 : vector<16xf32> to vector<16xi32>
        %parallel_loop3A_621 = vector.broadcast %scan3A_27 : i32 to vector<16xi32>
        %parallel_loop3A_622 = arith.subi %parallel_loop3A_620, %parallel_loop3A_621 : vector<16xi32>
        %parallel_loop3A_623 = vector.bitcast %parallel_loop3A_577 : vector<16xf32> to vector<16xi32>
        %parallel_loop3A_624 = vector.broadcast %scan3A_27 : i32 to vector<16xi32>
        %parallel_loop3A_625 = arith.subi %parallel_loop3A_623, %parallel_loop3A_624 : vector<16xi32>
        %parallel_loop3A_626 = vector.bitcast %parallel_loop3A_581 : vector<16xf32> to vector<16xi32>
        %parallel_loop3A_627 = vector.broadcast %scan3A_27 : i32 to vector<16xi32>
        %parallel_loop3A_628 = arith.subi %parallel_loop3A_626, %parallel_loop3A_627 : vector<16xi32>
        %parallel_loop3A_629 = vector.bitcast %parallel_loop3A_585 : vector<16xf32> to vector<16xi32>
        %parallel_loop3A_630 = vector.broadcast %scan3A_27 : i32 to vector<16xi32>
        %parallel_loop3A_631 = arith.subi %parallel_loop3A_629, %parallel_loop3A_630 : vector<16xi32>
        %parallel_loop3A_632 = vector.bitcast %parallel_loop3A_589 : vector<16xf32> to vector<16xi32>
        %parallel_loop3A_633 = vector.broadcast %scan3A_27 : i32 to vector<16xi32>
        %parallel_loop3A_634 = arith.subi %parallel_loop3A_632, %parallel_loop3A_633 : vector<16xi32>
        %parallel_loop3A_635 = vector.bitcast %parallel_loop3A_593 : vector<16xf32> to vector<16xi32>
        %parallel_loop3A_636 = vector.broadcast %scan3A_27 : i32 to vector<16xi32>
        %parallel_loop3A_637 = arith.subi %parallel_loop3A_635, %parallel_loop3A_636 : vector<16xi32>
        %parallel_loop3A_638 = vector.bitcast %parallel_loop3A_597 : vector<16xf32> to vector<16xi32>
        %parallel_loop3A_639 = vector.broadcast %scan3A_27 : i32 to vector<16xi32>
        %parallel_loop3A_640 = arith.subi %parallel_loop3A_638, %parallel_loop3A_639 : vector<16xi32>
        %parallel_loop3A_641 = vector.bitcast %parallel_loop3A_601 : vector<16xf32> to vector<16xi32>
        %parallel_loop3A_642 = vector.broadcast %scan3A_27 : i32 to vector<16xi32>
        %parallel_loop3A_643 = arith.subi %parallel_loop3A_641, %parallel_loop3A_642 : vector<16xi32>
        tpu.vector_store_idx %arg7[%parallel_loop3A_604], %broadcast_in_dim3A_11 {add = true} : memref<8448xf32, #tpu.memory_space<vmem>>[vector<16xi32>], vector<16xf32>,
        tpu.vector_store_idx %arg7[%parallel_loop3A_607], %broadcast_in_dim3A_11 {add = true} : memref<8448xf32, #tpu.memory_space<vmem>>[vector<16xi32>], vector<16xf32>,
        tpu.vector_store_idx %arg7[%parallel_loop3A_610], %broadcast_in_dim3A_11 {add = true} : memref<8448xf32, #tpu.memory_space<vmem>>[vector<16xi32>], vector<16xf32>,
        tpu.vector_store_idx %arg7[%parallel_loop3A_613], %broadcast_in_dim3A_11 {add = true} : memref<8448xf32, #tpu.memory_space<vmem>>[vector<16xi32>], vector<16xf32>,
        tpu.vector_store_idx %arg7[%parallel_loop3A_616], %broadcast_in_dim3A_11 {add = true} : memref<8448xf32, #tpu.memory_space<vmem>>[vector<16xi32>], vector<16xf32>,
        tpu.vector_store_idx %arg7[%parallel_loop3A_619], %broadcast_in_dim3A_11 {add = true} : memref<8448xf32, #tpu.memory_space<vmem>>[vector<16xi32>], vector<16xf32>,
        tpu.vector_store_idx %arg7[%parallel_loop3A_622], %broadcast_in_dim3A_11 {add = true} : memref<8448xf32, #tpu.memory_space<vmem>>[vector<16xi32>], vector<16xf32>,
        tpu.vector_store_idx %arg7[%parallel_loop3A_625], %broadcast_in_dim3A_11 {add = true} : memref<8448xf32, #tpu.memory_space<vmem>>[vector<16xi32>], vector<16xf32>,
        tpu.vector_store_idx %arg7[%parallel_loop3A_628], %broadcast_in_dim3A_11 {add = true} : memref<8448xf32, #tpu.memory_space<vmem>>[vector<16xi32>], vector<16xf32>,
        tpu.vector_store_idx %arg7[%parallel_loop3A_631], %broadcast_in_dim3A_11 {add = true} : memref<8448xf32, #tpu.memory_space<vmem>>[vector<16xi32>], vector<16xf32>,
        tpu.vector_store_idx %arg7[%parallel_loop3A_634], %broadcast_in_dim3A_11 {add = true} : memref<8448xf32, #tpu.memory_space<vmem>>[vector<16xi32>], vector<16xf32>,
        tpu.vector_store_idx %arg7[%parallel_loop3A_637], %broadcast_in_dim3A_11 {add = true} : memref<8448xf32, #tpu.memory_space<vmem>>[vector<16xi32>], vector<16xf32>,
        tpu.vector_store_idx %arg7[%parallel_loop3A_640], %broadcast_in_dim3A_11 {add = true} : memref<8448xf32, #tpu.memory_space<vmem>>[vector<16xi32>], vector<16xf32>,
        tpu.vector_store_idx %arg7[%parallel_loop3A_643], %broadcast_in_dim3A_11 {add = true} : memref<8448xf32, #tpu.memory_space<vmem>>[vector<16xi32>], vector<16xf32>,
      } {sc.loop_unroll_factor = 2 : i64, sc.parallel_access}
      %get3A_100 = arith.constant 512 : index
      %get3A_101 = tpu.vector_load %arg7[%get3A_100] {strides = array<i32>} : memref<8448xf32, #tpu.memory_space<vmem>>, vector<16xf32>,
      %broadcast_in_dim3A_102 = arith.constant 0.000000e+00 : f32
      %broadcast_in_dim3A_103 = vector.broadcast %broadcast_in_dim3A_102 : f32 to vector<16xf32>
      %swap3A = arith.constant 512 : index
      %swap3A_104 = tpu.vector_load %arg7[%swap3A] {strides = array<i32>} : memref<8448xf32, #tpu.memory_space<vmem>>, vector<16xf32>,
      tpu.vector_store %arg7[%swap3A], %broadcast_in_dim3A_103 {strides = array<i32>} : memref<8448xf32, #tpu.memory_space<vmem>>, vector<16xf32>,
      %get3A_105 = arith.constant 1040 : index
      %get3A_106 = tpu.vector_load %arg7[%get3A_105] {strides = array<i32>} : memref<8448xf32, #tpu.memory_space<vmem>>, vector<16xf32>,
      %add3A_107 = arith.addf %get3A_101, %get3A_106 : vector<16xf32>
      %broadcast_in_dim3A_108 = arith.constant 0.000000e+00 : f32
      %broadcast_in_dim3A_109 = vector.broadcast %broadcast_in_dim3A_108 : f32 to vector<16xf32>
      %swap3A_110 = arith.constant 1040 : index
      %swap3A_111 = tpu.vector_load %arg7[%swap3A_110] {strides = array<i32>} : memref<8448xf32, #tpu.memory_space<vmem>>, vector<16xf32>,
      tpu.vector_store %arg7[%swap3A_110], %broadcast_in_dim3A_109 {strides = array<i32>} : memref<8448xf32, #tpu.memory_space<vmem>>, vector<16xf32>,
      %get3A_112 = arith.constant 1568 : index
      %get3A_113 = tpu.vector_load %arg7[%get3A_112] {strides = array<i32>} : memref<8448xf32, #tpu.memory_space<vmem>>, vector<16xf32>,
      %add3A_114 = arith.addf %add3A_107, %get3A_113 : vector<16xf32>
      %broadcast_in_dim3A_115 = arith.constant 0.000000e+00 : f32
      %broadcast_in_dim3A_116 = vector.broadcast %broadcast_in_dim3A_115 : f32 to vector<16xf32>
      %swap3A_117 = arith.constant 1568 : index
      %swap3A_118 = tpu.vector_load %arg7[%swap3A_117] {strides = array<i32>} : memref<8448xf32, #tpu.memory_space<vmem>>, vector<16xf32>,
      tpu.vector_store %arg7[%swap3A_117], %broadcast_in_dim3A_116 {strides = array<i32>} : memref<8448xf32, #tpu.memory_space<vmem>>, vector<16xf32>,
      %get3A_119 = arith.constant 2096 : index
      %get3A_120 = tpu.vector_load %arg7[%get3A_119] {strides = array<i32>} : memref<8448xf32, #tpu.memory_space<vmem>>, vector<16xf32>,
      %add3A_121 = arith.addf %add3A_114, %get3A_120 : vector<16xf32>
      %broadcast_in_dim3A_122 = arith.constant 0.000000e+00 : f32
      %broadcast_in_dim3A_123 = vector.broadcast %broadcast_in_dim3A_122 : f32 to vector<16xf32>
      %swap3A_124 = arith.constant 2096 : index
      %swap3A_125 = tpu.vector_load %arg7[%swap3A_124] {strides = array<i32>} : memref<8448xf32, #tpu.memory_space<vmem>>, vector<16xf32>,
      tpu.vector_store %arg7[%swap3A_124], %broadcast_in_dim3A_123 {strides = array<i32>} : memref<8448xf32, #tpu.memory_space<vmem>>, vector<16xf32>,
      %get3A_126 = arith.constant 2624 : index
      %get3A_127 = tpu.vector_load %arg7[%get3A_126] {strides = array<i32>} : memref<8448xf32, #tpu.memory_space<vmem>>, vector<16xf32>,
      %add3A_128 = arith.addf %add3A_121, %get3A_127 : vector<16xf32>
      %broadcast_in_dim3A_129 = arith.constant 0.000000e+00 : f32
      %broadcast_in_dim3A_130 = vector.broadcast %broadcast_in_dim3A_129 : f32 to vector<16xf32>
      %swap3A_131 = arith.constant 2624 : index
      %swap3A_132 = tpu.vector_load %arg7[%swap3A_131] {strides = array<i32>} : memref<8448xf32, #tpu.memory_space<vmem>>, vector<16xf32>,
      tpu.vector_store %arg7[%swap3A_131], %broadcast_in_dim3A_130 {strides = array<i32>} : memref<8448xf32, #tpu.memory_space<vmem>>, vector<16xf32>,
      %get3A_133 = arith.constant 3152 : index
      %get3A_134 = tpu.vector_load %arg7[%get3A_133] {strides = array<i32>} : memref<8448xf32, #tpu.memory_space<vmem>>, vector<16xf32>,
      %add3A_135 = arith.addf %add3A_128, %get3A_134 : vector<16xf32>
      %broadcast_in_dim3A_136 = arith.constant 0.000000e+00 : f32
      %broadcast_in_dim3A_137 = vector.broadcast %broadcast_in_dim3A_136 : f32 to vector<16xf32>
      %swap3A_138 = arith.constant 3152 : index
      %swap3A_139 = tpu.vector_load %arg7[%swap3A_138] {strides = array<i32>} : memref<8448xf32, #tpu.memory_space<vmem>>, vector<16xf32>,
      tpu.vector_store %arg7[%swap3A_138], %broadcast_in_dim3A_137 {strides = array<i32>} : memref<8448xf32, #tpu.memory_space<vmem>>, vector<16xf32>,
      %get3A_140 = arith.constant 3680 : index
      %get3A_141 = tpu.vector_load %arg7[%get3A_140] {strides = array<i32>} : memref<8448xf32, #tpu.memory_space<vmem>>, vector<16xf32>,
      %add3A_142 = arith.addf %add3A_135, %get3A_141 : vector<16xf32>
      %broadcast_in_dim3A_143 = arith.constant 0.000000e+00 : f32
      %broadcast_in_dim3A_144 = vector.broadcast %broadcast_in_dim3A_143 : f32 to vector<16xf32>
      %swap3A_145 = arith.constant 3680 : index
      %swap3A_146 = tpu.vector_load %arg7[%swap3A_145] {strides = array<i32>} : memref<8448xf32, #tpu.memory_space<vmem>>, vector<16xf32>,
      tpu.vector_store %arg7[%swap3A_145], %broadcast_in_dim3A_144 {strides = array<i32>} : memref<8448xf32, #tpu.memory_space<vmem>>, vector<16xf32>,
      %get3A_147 = arith.constant 4208 : index
      %get3A_148 = tpu.vector_load %arg7[%get3A_147] {strides = array<i32>} : memref<8448xf32, #tpu.memory_space<vmem>>, vector<16xf32>,
      %add3A_149 = arith.addf %add3A_142, %get3A_148 : vector<16xf32>
      %broadcast_in_dim3A_150 = arith.constant 0.000000e+00 : f32
      %broadcast_in_dim3A_151 = vector.broadcast %broadcast_in_dim3A_150 : f32 to vector<16xf32>
      %swap3A_152 = arith.constant 4208 : index
      %swap3A_153 = tpu.vector_load %arg7[%swap3A_152] {strides = array<i32>} : memref<8448xf32, #tpu.memory_space<vmem>>, vector<16xf32>,
      tpu.vector_store %arg7[%swap3A_152], %broadcast_in_dim3A_151 {strides = array<i32>} : memref<8448xf32, #tpu.memory_space<vmem>>, vector<16xf32>,
      %get3A_154 = arith.constant 4736 : index
      %get3A_155 = tpu.vector_load %arg7[%get3A_154] {strides = array<i32>} : memref<8448xf32, #tpu.memory_space<vmem>>, vector<16xf32>,
      %add3A_156 = arith.addf %add3A_149, %get3A_155 : vector<16xf32>
      %broadcast_in_dim3A_157 = arith.constant 0.000000e+00 : f32
      %broadcast_in_dim3A_158 = vector.broadcast %broadcast_in_dim3A_157 : f32 to vector<16xf32>
      %swap3A_159 = arith.constant 4736 : index
      %swap3A_160 = tpu.vector_load %arg7[%swap3A_159] {strides = array<i32>} : memref<8448xf32, #tpu.memory_space<vmem>>, vector<16xf32>,
      tpu.vector_store %arg7[%swap3A_159], %broadcast_in_dim3A_158 {strides = array<i32>} : memref<8448xf32, #tpu.memory_space<vmem>>, vector<16xf32>,
      %get3A_161 = arith.constant 5264 : index
      %get3A_162 = tpu.vector_load %arg7[%get3A_161] {strides = array<i32>} : memref<8448xf32, #tpu.memory_space<vmem>>, vector<16xf32>,
      %add3A_163 = arith.addf %add3A_156, %get3A_162 : vector<16xf32>
      %broadcast_in_dim3A_164 = arith.constant 0.000000e+00 : f32
      %broadcast_in_dim3A_165 = vector.broadcast %broadcast_in_dim3A_164 : f32 to vector<16xf32>
      %swap3A_166 = arith.constant 5264 : index
      %swap3A_167 = tpu.vector_load %arg7[%swap3A_166] {strides = array<i32>} : memref<8448xf32, #tpu.memory_space<vmem>>, vector<16xf32>,
      tpu.vector_store %arg7[%swap3A_166], %broadcast_in_dim3A_165 {strides = array<i32>} : memref<8448xf32, #tpu.memory_space<vmem>>, vector<16xf32>,
      %get3A_168 = arith.constant 5792 : index
      %get3A_169 = tpu.vector_load %arg7[%get3A_168] {strides = array<i32>} : memref<8448xf32, #tpu.memory_space<vmem>>, vector<16xf32>,
      %add3A_170 = arith.addf %add3A_163, %get3A_169 : vector<16xf32>
      %broadcast_in_dim3A_171 = arith.constant 0.000000e+00 : f32
      %broadcast_in_dim3A_172 = vector.broadcast %broadcast_in_dim3A_171 : f32 to vector<16xf32>
      %swap3A_173 = arith.constant 5792 : index
      %swap3A_174 = tpu.vector_load %arg7[%swap3A_173] {strides = array<i32>} : memref<8448xf32, #tpu.memory_space<vmem>>, vector<16xf32>,
      tpu.vector_store %arg7[%swap3A_173], %broadcast_in_dim3A_172 {strides = array<i32>} : memref<8448xf32, #tpu.memory_space<vmem>>, vector<16xf32>,
      %get3A_175 = arith.constant 6320 : index
      %get3A_176 = tpu.vector_load %arg7[%get3A_175] {strides = array<i32>} : memref<8448xf32, #tpu.memory_space<vmem>>, vector<16xf32>,
      %add3A_177 = arith.addf %add3A_170, %get3A_176 : vector<16xf32>
      %broadcast_in_dim3A_178 = arith.constant 0.000000e+00 : f32
      %broadcast_in_dim3A_179 = vector.broadcast %broadcast_in_dim3A_178 : f32 to vector<16xf32>
      %swap3A_180 = arith.constant 6320 : index
      %swap3A_181 = tpu.vector_load %arg7[%swap3A_180] {strides = array<i32>} : memref<8448xf32, #tpu.memory_space<vmem>>, vector<16xf32>,
      tpu.vector_store %arg7[%swap3A_180], %broadcast_in_dim3A_179 {strides = array<i32>} : memref<8448xf32, #tpu.memory_space<vmem>>, vector<16xf32>,
      %get3A_182 = arith.constant 6848 : index
      %get3A_183 = tpu.vector_load %arg7[%get3A_182] {strides = array<i32>} : memref<8448xf32, #tpu.memory_space<vmem>>, vector<16xf32>,
      %add3A_184 = arith.addf %add3A_177, %get3A_183 : vector<16xf32>
      %broadcast_in_dim3A_185 = arith.constant 0.000000e+00 : f32
      %broadcast_in_dim3A_186 = vector.broadcast %broadcast_in_dim3A_185 : f32 to vector<16xf32>
      %swap3A_187 = arith.constant 6848 : index
      %swap3A_188 = tpu.vector_load %arg7[%swap3A_187] {strides = array<i32>} : memref<8448xf32, #tpu.memory_space<vmem>>, vector<16xf32>,
      tpu.vector_store %arg7[%swap3A_187], %broadcast_in_dim3A_186 {strides = array<i32>} : memref<8448xf32, #tpu.memory_space<vmem>>, vector<16xf32>,
      %get3A_189 = arith.constant 7376 : index
      %get3A_190 = tpu.vector_load %arg7[%get3A_189] {strides = array<i32>} : memref<8448xf32, #tpu.memory_space<vmem>>, vector<16xf32>,
      %add3A_191 = arith.addf %add3A_184, %get3A_190 : vector<16xf32>
      %broadcast_in_dim3A_192 = arith.constant 0.000000e+00 : f32
      %broadcast_in_dim3A_193 = vector.broadcast %broadcast_in_dim3A_192 : f32 to vector<16xf32>
      %swap3A_194 = arith.constant 7376 : index
      %swap3A_195 = tpu.vector_load %arg7[%swap3A_194] {strides = array<i32>} : memref<8448xf32, #tpu.memory_space<vmem>>, vector<16xf32>,
      tpu.vector_store %arg7[%swap3A_194], %broadcast_in_dim3A_193 {strides = array<i32>} : memref<8448xf32, #tpu.memory_space<vmem>>, vector<16xf32>,
      %get3A_196 = arith.constant 7904 : index
      %get3A_197 = tpu.vector_load %arg7[%get3A_196] {strides = array<i32>} : memref<8448xf32, #tpu.memory_space<vmem>>, vector<16xf32>,
      %add3A_198 = arith.addf %add3A_191, %get3A_197 : vector<16xf32>
      %broadcast_in_dim3A_199 = arith.constant 0.000000e+00 : f32
      %broadcast_in_dim3A_200 = vector.broadcast %broadcast_in_dim3A_199 : f32 to vector<16xf32>
      %swap3A_201 = arith.constant 7904 : index
      %swap3A_202 = tpu.vector_load %arg7[%swap3A_201] {strides = array<i32>} : memref<8448xf32, #tpu.memory_space<vmem>>, vector<16xf32>,
      tpu.vector_store %arg7[%swap3A_201], %broadcast_in_dim3A_200 {strides = array<i32>} : memref<8448xf32, #tpu.memory_space<vmem>>, vector<16xf32>,
      %get3A_203 = arith.constant 8432 : index
      %get3A_204 = tpu.vector_load %arg7[%get3A_203] {strides = array<i32>} : memref<8448xf32, #tpu.memory_space<vmem>>, vector<16xf32>,
      %add3A_205 = arith.addf %add3A_198, %get3A_204 : vector<16xf32>
      %broadcast_in_dim3A_206 = arith.constant 0.000000e+00 : f32
      %broadcast_in_dim3A_207 = vector.broadcast %broadcast_in_dim3A_206 : f32 to vector<16xf32>
      %swap3A_208 = arith.constant 8432 : index
      %swap3A_209 = tpu.vector_load %arg7[%swap3A_208] {strides = array<i32>} : memref<8448xf32, #tpu.memory_space<vmem>>, vector<16xf32>,
      tpu.vector_store %arg7[%swap3A_208], %broadcast_in_dim3A_207 {strides = array<i32>} : memref<8448xf32, #tpu.memory_space<vmem>>, vector<16xf32>,
      %slice3A_210 = vector.extract_strided_slice %add3A_205 {offsets = [0], sizes = [1], strides = [1]} : vector<16xf32> to vector<1xf32>
      %squeeze3A_211 = vector.extract %slice3A_210[0] : f32 from vector<1xf32>
      %get3A_212 = arith.constant 496 : index
      %get3A_213 = tpu.vector_load %arg7[%get3A_212] {strides = array<i32>} : memref<8448xf32, #tpu.memory_space<vmem>>, vector<16xf32>,
      %eq3A = arith.constant 15 : i32
      %eq3A_214 = vector.broadcast %eq3A : i32 to vector<16xi32>
      %eq3A_215 = arith.cmpi eq, %iota3A, %eq3A_214 : vector<16xi32>
      %jit3A = arith.constant 0.000000e+00 : f32
      %broadcast_in_dim3A_216 = vector.broadcast %squeeze3A_211 : f32 to vector<16xf32>
      %broadcast_in_dim3A_217 = vector.broadcast %jit3A : f32 to vector<16xf32>
      %select_n3A = arith.select %eq3A_215, %broadcast_in_dim3A_216, %broadcast_in_dim3A_217 : vector<16xi1>, vector<16xf32>
      %add3A_218 = arith.addf %get3A_213, %select_n3A : vector<16xf32>
      %swap3A_219 = arith.constant 496 : index
      %swap3A_220 = tpu.vector_load %arg7[%swap3A_219] {strides = array<i32>} : memref<8448xf32, #tpu.memory_space<vmem>>, vector<16xf32>,
      tpu.vector_store %arg7[%swap3A_219], %add3A_218 {strides = array<i32>} : memref<8448xf32, #tpu.memory_space<vmem>>, vector<16xf32>,
      %parallel_loop3A_221 = arith.constant 0 : i32
      %parallel_loop3A_222 = arith.constant 32 : i32
      %parallel_loop3A_223 = arith.constant 1 : i32
      %parallel_loop3A_224 = arith.constant 0.000000e+00 : f32
      %parallel_loop3A_225:2 = scf.for %parallel_loop3A_503 = %parallel_loop3A_221 to %parallel_loop3A_222 step %parallel_loop3A_223 iter_args(%parallel_loop3A_504 = %broadcast_in_dim3A_13, %parallel_loop3A_505 = %parallel_loop3A_224) -> (vector<16xf32>, f32)  : i32 {
        %parallel_loop3A_506 = arith.constant 31 : i32
        %parallel_loop3A_507 = arith.subi %parallel_loop3A_506, %parallel_loop3A_503 : i32
        %parallel_loop3A_508 = arith.constant 16 : i32
        %parallel_loop3A_509 = arith.muli %parallel_loop3A_507, %parallel_loop3A_508 : i32
        %parallel_loop3A_510 = arith.index_cast %parallel_loop3A_509 : i32 to index
        %parallel_loop3A_511 = tpu.vector_load %arg7[%parallel_loop3A_510] {strides = array<i32>} : memref<8448xf32, #tpu.memory_space<vmem>>, vector<16xf32>,
        %parallel_loop3A_512 = arith.index_cast %parallel_loop3A_509 : i32 to index
        %parallel_loop3A_513 = tpu.vector_load %arg7[%parallel_loop3A_512] {strides = array<i32>} : memref<8448xf32, #tpu.memory_space<vmem>>, vector<16xf32>,
        tpu.vector_store %arg7[%parallel_loop3A_512], %broadcast_in_dim3A_13 {strides = array<i32>} : memref<8448xf32, #tpu.memory_space<vmem>>, vector<16xf32>,
        %parallel_loop3A_514 = arith.constant 528 : i32
        %parallel_loop3A_515 = arith.addi %parallel_loop3A_514, %parallel_loop3A_509 : i32
        %parallel_loop3A_516 = arith.index_cast %parallel_loop3A_515 : i32 to index
        %parallel_loop3A_517 = tpu.vector_load %arg7[%parallel_loop3A_516] {strides = array<i32>} : memref<8448xf32, #tpu.memory_space<vmem>>, vector<16xf32>,
        %parallel_loop3A_518 = arith.addf %parallel_loop3A_511, %parallel_loop3A_517 : vector<16xf32>
        %parallel_loop3A_519 = arith.index_cast %parallel_loop3A_515 : i32 to index
        %parallel_loop3A_520 = tpu.vector_load %arg7[%parallel_loop3A_519] {strides = array<i32>} : memref<8448xf32, #tpu.memory_space<vmem>>, vector<16xf32>,
        tpu.vector_store %arg7[%parallel_loop3A_519], %broadcast_in_dim3A_13 {strides = array<i32>} : memref<8448xf32, #tpu.memory_space<vmem>>, vector<16xf32>,
        %parallel_loop3A_521 = arith.constant 1056 : i32
        %parallel_loop3A_522 = arith.addi %parallel_loop3A_521, %parallel_loop3A_509 : i32
        %parallel_loop3A_523 = arith.index_cast %parallel_loop3A_522 : i32 to index
        %parallel_loop3A_524 = tpu.vector_load %arg7[%parallel_loop3A_523] {strides = array<i32>} : memref<8448xf32, #tpu.memory_space<vmem>>, vector<16xf32>,
        %parallel_loop3A_525 = arith.addf %parallel_loop3A_518, %parallel_loop3A_524 : vector<16xf32>
        %parallel_loop3A_526 = arith.index_cast %parallel_loop3A_522 : i32 to index
        %parallel_loop3A_527 = tpu.vector_load %arg7[%parallel_loop3A_526] {strides = array<i32>} : memref<8448xf32, #tpu.memory_space<vmem>>, vector<16xf32>,
        tpu.vector_store %arg7[%parallel_loop3A_526], %broadcast_in_dim3A_13 {strides = array<i32>} : memref<8448xf32, #tpu.memory_space<vmem>>, vector<16xf32>,
        %parallel_loop3A_528 = arith.constant 1584 : i32
        %parallel_loop3A_529 = arith.addi %parallel_loop3A_528, %parallel_loop3A_509 : i32
        %parallel_loop3A_530 = arith.index_cast %parallel_loop3A_529 : i32 to index
        %parallel_loop3A_531 = tpu.vector_load %arg7[%parallel_loop3A_530] {strides = array<i32>} : memref<8448xf32, #tpu.memory_space<vmem>>, vector<16xf32>,
        %parallel_loop3A_532 = arith.addf %parallel_loop3A_525, %parallel_loop3A_531 : vector<16xf32>
        %parallel_loop3A_533 = arith.index_cast %parallel_loop3A_529 : i32 to index
        %parallel_loop3A_534 = tpu.vector_load %arg7[%parallel_loop3A_533] {strides = array<i32>} : memref<8448xf32, #tpu.memory_space<vmem>>, vector<16xf32>,
        tpu.vector_store %arg7[%parallel_loop3A_533], %broadcast_in_dim3A_13 {strides = array<i32>} : memref<8448xf32, #tpu.memory_space<vmem>>, vector<16xf32>,
        %parallel_loop3A_535 = arith.constant 2112 : i32
        %parallel_loop3A_536 = arith.addi %parallel_loop3A_535, %parallel_loop3A_509 : i32
        %parallel_loop3A_537 = arith.index_cast %parallel_loop3A_536 : i32 to index
        %parallel_loop3A_538 = tpu.vector_load %arg7[%parallel_loop3A_537] {strides = array<i32>} : memref<8448xf32, #tpu.memory_space<vmem>>, vector<16xf32>,
        %parallel_loop3A_539 = arith.addf %parallel_loop3A_532, %parallel_loop3A_538 : vector<16xf32>
        %parallel_loop3A_540 = arith.index_cast %parallel_loop3A_536 : i32 to index
        %parallel_loop3A_541 = tpu.vector_load %arg7[%parallel_loop3A_540] {strides = array<i32>} : memref<8448xf32, #tpu.memory_space<vmem>>, vector<16xf32>,
        tpu.vector_store %arg7[%parallel_loop3A_540], %broadcast_in_dim3A_13 {strides = array<i32>} : memref<8448xf32, #tpu.memory_space<vmem>>, vector<16xf32>,
        %parallel_loop3A_542 = arith.constant 2640 : i32
        %parallel_loop3A_543 = arith.addi %parallel_loop3A_542, %parallel_loop3A_509 : i32
        %parallel_loop3A_544 = arith.index_cast %parallel_loop3A_543 : i32 to index
        %parallel_loop3A_545 = tpu.vector_load %arg7[%parallel_loop3A_544] {strides = array<i32>} : memref<8448xf32, #tpu.memory_space<vmem>>, vector<16xf32>,
        %parallel_loop3A_546 = arith.addf %parallel_loop3A_539, %parallel_loop3A_545 : vector<16xf32>
        %parallel_loop3A_547 = arith.index_cast %parallel_loop3A_543 : i32 to index
        %parallel_loop3A_548 = tpu.vector_load %arg7[%parallel_loop3A_547] {strides = array<i32>} : memref<8448xf32, #tpu.memory_space<vmem>>, vector<16xf32>,
        tpu.vector_store %arg7[%parallel_loop3A_547], %broadcast_in_dim3A_13 {strides = array<i32>} : memref<8448xf32, #tpu.memory_space<vmem>>, vector<16xf32>,
        %parallel_loop3A_549 = arith.constant 3168 : i32
        %parallel_loop3A_550 = arith.addi %parallel_loop3A_549, %parallel_loop3A_509 : i32
        %parallel_loop3A_551 = arith.index_cast %parallel_loop3A_550 : i32 to index
        %parallel_loop3A_552 = tpu.vector_load %arg7[%parallel_loop3A_551] {strides = array<i32>} : memref<8448xf32, #tpu.memory_space<vmem>>, vector<16xf32>,
        %parallel_loop3A_553 = arith.addf %parallel_loop3A_546, %parallel_loop3A_552 : vector<16xf32>
        %parallel_loop3A_554 = arith.index_cast %parallel_loop3A_550 : i32 to index
        %parallel_loop3A_555 = tpu.vector_load %arg7[%parallel_loop3A_554] {strides = array<i32>} : memref<8448xf32, #tpu.memory_space<vmem>>, vector<16xf32>,
        tpu.vector_store %arg7[%parallel_loop3A_554], %broadcast_in_dim3A_13 {strides = array<i32>} : memref<8448xf32, #tpu.memory_space<vmem>>, vector<16xf32>,
        %parallel_loop3A_556 = arith.constant 3696 : i32
        %parallel_loop3A_557 = arith.addi %parallel_loop3A_556, %parallel_loop3A_509 : i32
        %parallel_loop3A_558 = arith.index_cast %parallel_loop3A_557 : i32 to index
        %parallel_loop3A_559 = tpu.vector_load %arg7[%parallel_loop3A_558] {strides = array<i32>} : memref<8448xf32, #tpu.memory_space<vmem>>, vector<16xf32>,
        %parallel_loop3A_560 = arith.addf %parallel_loop3A_553, %parallel_loop3A_559 : vector<16xf32>
        %parallel_loop3A_561 = arith.index_cast %parallel_loop3A_557 : i32 to index
        %parallel_loop3A_562 = tpu.vector_load %arg7[%parallel_loop3A_561] {strides = array<i32>} : memref<8448xf32, #tpu.memory_space<vmem>>, vector<16xf32>,
        tpu.vector_store %arg7[%parallel_loop3A_561], %broadcast_in_dim3A_13 {strides = array<i32>} : memref<8448xf32, #tpu.memory_space<vmem>>, vector<16xf32>,
        %parallel_loop3A_563 = arith.constant 4224 : i32
        %parallel_loop3A_564 = arith.addi %parallel_loop3A_563, %parallel_loop3A_509 : i32
        %parallel_loop3A_565 = arith.index_cast %parallel_loop3A_564 : i32 to index
        %parallel_loop3A_566 = tpu.vector_load %arg7[%parallel_loop3A_565] {strides = array<i32>} : memref<8448xf32, #tpu.memory_space<vmem>>, vector<16xf32>,
        %parallel_loop3A_567 = arith.addf %parallel_loop3A_560, %parallel_loop3A_566 : vector<16xf32>
        %parallel_loop3A_568 = arith.index_cast %parallel_loop3A_564 : i32 to index
        %parallel_loop3A_569 = tpu.vector_load %arg7[%parallel_loop3A_568] {strides = array<i32>} : memref<8448xf32, #tpu.memory_space<vmem>>, vector<16xf32>,
        tpu.vector_store %arg7[%parallel_loop3A_568], %broadcast_in_dim3A_13 {strides = array<i32>} : memref<8448xf32, #tpu.memory_space<vmem>>, vector<16xf32>,
        %parallel_loop3A_570 = arith.constant 4752 : i32
        %parallel_loop3A_571 = arith.addi %parallel_loop3A_570, %parallel_loop3A_509 : i32
        %parallel_loop3A_572 = arith.index_cast %parallel_loop3A_571 : i32 to index
        %parallel_loop3A_573 = tpu.vector_load %arg7[%parallel_loop3A_572] {strides = array<i32>} : memref<8448xf32, #tpu.memory_space<vmem>>, vector<16xf32>,
        %parallel_loop3A_574 = arith.addf %parallel_loop3A_567, %parallel_loop3A_573 : vector<16xf32>
        %parallel_loop3A_575 = arith.index_cast %parallel_loop3A_571 : i32 to index
        %parallel_loop3A_576 = tpu.vector_load %arg7[%parallel_loop3A_575] {strides = array<i32>} : memref<8448xf32, #tpu.memory_space<vmem>>, vector<16xf32>,
        tpu.vector_store %arg7[%parallel_loop3A_575], %broadcast_in_dim3A_13 {strides = array<i32>} : memref<8448xf32, #tpu.memory_space<vmem>>, vector<16xf32>,
        %parallel_loop3A_577 = arith.constant 5280 : i32
        %parallel_loop3A_578 = arith.addi %parallel_loop3A_577, %parallel_loop3A_509 : i32
        %parallel_loop3A_579 = arith.index_cast %parallel_loop3A_578 : i32 to index
        %parallel_loop3A_580 = tpu.vector_load %arg7[%parallel_loop3A_579] {strides = array<i32>} : memref<8448xf32, #tpu.memory_space<vmem>>, vector<16xf32>,
        %parallel_loop3A_581 = arith.addf %parallel_loop3A_574, %parallel_loop3A_580 : vector<16xf32>
        %parallel_loop3A_582 = arith.index_cast %parallel_loop3A_578 : i32 to index
        %parallel_loop3A_583 = tpu.vector_load %arg7[%parallel_loop3A_582] {strides = array<i32>} : memref<8448xf32, #tpu.memory_space<vmem>>, vector<16xf32>,
        tpu.vector_store %arg7[%parallel_loop3A_582], %broadcast_in_dim3A_13 {strides = array<i32>} : memref<8448xf32, #tpu.memory_space<vmem>>, vector<16xf32>,
        %parallel_loop3A_584 = arith.constant 5808 : i32
        %parallel_loop3A_585 = arith.addi %parallel_loop3A_584, %parallel_loop3A_509 : i32
        %parallel_loop3A_586 = arith.index_cast %parallel_loop3A_585 : i32 to index
        %parallel_loop3A_587 = tpu.vector_load %arg7[%parallel_loop3A_586] {strides = array<i32>} : memref<8448xf32, #tpu.memory_space<vmem>>, vector<16xf32>,
        %parallel_loop3A_588 = arith.addf %parallel_loop3A_581, %parallel_loop3A_587 : vector<16xf32>
        %parallel_loop3A_589 = arith.index_cast %parallel_loop3A_585 : i32 to index
        %parallel_loop3A_590 = tpu.vector_load %arg7[%parallel_loop3A_589] {strides = array<i32>} : memref<8448xf32, #tpu.memory_space<vmem>>, vector<16xf32>,
        tpu.vector_store %arg7[%parallel_loop3A_589], %broadcast_in_dim3A_13 {strides = array<i32>} : memref<8448xf32, #tpu.memory_space<vmem>>, vector<16xf32>,
        %parallel_loop3A_591 = arith.constant 6336 : i32
        %parallel_loop3A_592 = arith.addi %parallel_loop3A_591, %parallel_loop3A_509 : i32
        %parallel_loop3A_593 = arith.index_cast %parallel_loop3A_592 : i32 to index
        %parallel_loop3A_594 = tpu.vector_load %arg7[%parallel_loop3A_593] {strides = array<i32>} : memref<8448xf32, #tpu.memory_space<vmem>>, vector<16xf32>,
        %parallel_loop3A_595 = arith.addf %parallel_loop3A_588, %parallel_loop3A_594 : vector<16xf32>
        %parallel_loop3A_596 = arith.index_cast %parallel_loop3A_592 : i32 to index
        %parallel_loop3A_597 = tpu.vector_load %arg7[%parallel_loop3A_596] {strides = array<i32>} : memref<8448xf32, #tpu.memory_space<vmem>>, vector<16xf32>,
        tpu.vector_store %arg7[%parallel_loop3A_596], %broadcast_in_dim3A_13 {strides = array<i32>} : memref<8448xf32, #tpu.memory_space<vmem>>, vector<16xf32>,
        %parallel_loop3A_598 = arith.constant 6864 : i32
        %parallel_loop3A_599 = arith.addi %parallel_loop3A_598, %parallel_loop3A_509 : i32
        %parallel_loop3A_600 = arith.index_cast %parallel_loop3A_599 : i32 to index
        %parallel_loop3A_601 = tpu.vector_load %arg7[%parallel_loop3A_600] {strides = array<i32>} : memref<8448xf32, #tpu.memory_space<vmem>>, vector<16xf32>,
        %parallel_loop3A_602 = arith.addf %parallel_loop3A_595, %parallel_loop3A_601 : vector<16xf32>
        %parallel_loop3A_603 = arith.index_cast %parallel_loop3A_599 : i32 to index
        %parallel_loop3A_604 = tpu.vector_load %arg7[%parallel_loop3A_603] {strides = array<i32>} : memref<8448xf32, #tpu.memory_space<vmem>>, vector<16xf32>,
        tpu.vector_store %arg7[%parallel_loop3A_603], %broadcast_in_dim3A_13 {strides = array<i32>} : memref<8448xf32, #tpu.memory_space<vmem>>, vector<16xf32>,
        %parallel_loop3A_605 = arith.constant 7392 : i32
        %parallel_loop3A_606 = arith.addi %parallel_loop3A_605, %parallel_loop3A_509 : i32
        %parallel_loop3A_607 = arith.index_cast %parallel_loop3A_606 : i32 to index
        %parallel_loop3A_608 = tpu.vector_load %arg7[%parallel_loop3A_607] {strides = array<i32>} : memref<8448xf32, #tpu.memory_space<vmem>>, vector<16xf32>,
        %parallel_loop3A_609 = arith.addf %parallel_loop3A_602, %parallel_loop3A_608 : vector<16xf32>
        %parallel_loop3A_610 = arith.index_cast %parallel_loop3A_606 : i32 to index
        %parallel_loop3A_611 = tpu.vector_load %arg7[%parallel_loop3A_610] {strides = array<i32>} : memref<8448xf32, #tpu.memory_space<vmem>>, vector<16xf32>,
        tpu.vector_store %arg7[%parallel_loop3A_610], %broadcast_in_dim3A_13 {strides = array<i32>} : memref<8448xf32, #tpu.memory_space<vmem>>, vector<16xf32>,
        %parallel_loop3A_612 = arith.constant 7920 : i32
        %parallel_loop3A_613 = arith.addi %parallel_loop3A_612, %parallel_loop3A_509 : i32
        %parallel_loop3A_614 = arith.index_cast %parallel_loop3A_613 : i32 to index
        %parallel_loop3A_615 = tpu.vector_load %arg7[%parallel_loop3A_614] {strides = array<i32>} : memref<8448xf32, #tpu.memory_space<vmem>>, vector<16xf32>,
        %parallel_loop3A_616 = arith.addf %parallel_loop3A_609, %parallel_loop3A_615 : vector<16xf32>
        %parallel_loop3A_617 = arith.index_cast %parallel_loop3A_613 : i32 to index
        %parallel_loop3A_618 = tpu.vector_load %arg7[%parallel_loop3A_617] {strides = array<i32>} : memref<8448xf32, #tpu.memory_space<vmem>>, vector<16xf32>,
        tpu.vector_store %arg7[%parallel_loop3A_617], %broadcast_in_dim3A_13 {strides = array<i32>} : memref<8448xf32, #tpu.memory_space<vmem>>, vector<16xf32>,
        %parallel_loop3A_619 = arith.constant 15 : i32
        %parallel_loop3A_620 = vector.broadcast %parallel_loop3A_619 : i32 to vector<16xi32>
        %parallel_loop3A_621 = tpu.iota {dimensions = array<i32: 0>} : vector<16xi32>
        %parallel_loop3A_622 = arith.subi %parallel_loop3A_620, %parallel_loop3A_621 : vector<16xi32>
        %parallel_loop3A_623 = tpu.dynamic_gather %parallel_loop3A_616[%parallel_loop3A_622] in [0] : vector<16xf32>, vector<16xi32> -> vector<16xf32>
        %parallel_loop3A_624 = arith.constant true
        %parallel_loop3A_625 = vector.broadcast %parallel_loop3A_624 : i1 to vector<16xi1>
        %parallel_loop3A_626 = tpu.scan <sum>, %parallel_loop3A_623 masked %parallel_loop3A_625 : vector<16xf32>, vector<16xi1> -> vector<16xf32>
        %parallel_loop3A_627 = arith.subf %parallel_loop3A_626, %parallel_loop3A_623 : vector<16xf32>
        %parallel_loop3A_628 = vector.broadcast %parallel_loop3A_505 : f32 to vector<16xf32>
        %parallel_loop3A_629 = arith.addf %parallel_loop3A_627, %parallel_loop3A_628 : vector<16xf32>
        %parallel_loop3A_630 = vector.broadcast %scan3A_28 : f32 to vector<16xf32>
        %parallel_loop3A_631 = arith.subf %parallel_loop3A_630, %parallel_loop3A_629 : vector<16xf32>
        %parallel_loop3A_632 = arith.constant 0.000000e+00 : f32
        %parallel_loop3A_633 = vector.broadcast %parallel_loop3A_632 : f32 to vector<16xf32>
        %parallel_loop3A_634 = arith.maximumf %parallel_loop3A_633, %parallel_loop3A_631 : vector<16xf32>
        %parallel_loop3A_635 = arith.minimumf %parallel_loop3A_623, %parallel_loop3A_634 : vector<16xf32>
        %parallel_loop3A_636 = vector.broadcast %squeeze3A : f32 to vector<16xf32>
        %parallel_loop3A_637 = arith.mulf %parallel_loop3A_636, %parallel_loop3A_629 : vector<16xf32>
        %parallel_loop3A_638 = math.exp %parallel_loop3A_637 : vector<16xf32>
        %parallel_loop3A_639 = arith.addf %parallel_loop3A_629, %parallel_loop3A_635 : vector<16xf32>
        %parallel_loop3A_640 = vector.broadcast %squeeze3A : f32 to vector<16xf32>
        %parallel_loop3A_641 = arith.mulf %parallel_loop3A_640, %parallel_loop3A_639 : vector<16xf32>
        %parallel_loop3A_642 = math.exp %parallel_loop3A_641 : vector<16xf32>
        %parallel_loop3A_643 = arith.subf %parallel_loop3A_638, %parallel_loop3A_642 : vector<16xf32>
        %parallel_loop3A_644 = vector.broadcast %squeeze3A_5 : f32 to vector<16xf32>
        %parallel_loop3A_645 = arith.mulf %parallel_loop3A_643, %parallel_loop3A_644 : vector<16xf32>
        %parallel_loop3A_646 = arith.sitofp %parallel_loop3A_509 : i32 to f32
        %parallel_loop3A_647 = vector.broadcast %parallel_loop3A_646 : f32 to vector<16xf32>
        %parallel_loop3A_648 = arith.addf %parallel_loop3A_647, %sub3A_15 : vector<16xf32>
        %parallel_loop3A_649 = vector.broadcast %mul3A_93 : f32 to vector<16xf32>
        %parallel_loop3A_650 = arith.mulf %parallel_loop3A_648, %parallel_loop3A_649 : vector<16xf32>
        %parallel_loop3A_651 = vector.broadcast %neg3A_81 : f32 to vector<16xf32>
        %parallel_loop3A_652 = arith.addf %parallel_loop3A_651, %parallel_loop3A_650 : vector<16xf32>
        %parallel_loop3A_653 = arith.mulf %parallel_loop3A_645, %parallel_loop3A_652 : vector<16xf32>
        %parallel_loop3A_654 = arith.addf %parallel_loop3A_504, %parallel_loop3A_653 : vector<16xf32>
        %parallel_loop3A_655 = vector.extract_strided_slice %parallel_loop3A_626 {offsets = [15], sizes = [1], strides = [1]} : vector<16xf32> to vector<1xf32>
        %parallel_loop3A_656 = vector.extract %parallel_loop3A_655[0] : f32 from vector<1xf32>
        %parallel_loop3A_657 = arith.addf %parallel_loop3A_505, %parallel_loop3A_656 : f32
        scf.yield %parallel_loop3A_654, %parallel_loop3A_657 : vector<16xf32>, f32
      } {sc.loop_unroll_factor = 2 : i64, sc.parallel_access}
      %reduce_sum3A = arith.constant true
      %reduce_sum3A_226 = vector.broadcast %reduce_sum3A : i1 to vector<16xi1>
      %reduce_sum3A_227 = tpu.scan <sum>, %parallel_loop3A_225#0 masked %reduce_sum3A_226 : vector<16xf32>, vector<16xi1> -> vector<16xf32>
      %reduce_sum3A_228 = vector.extract %reduce_sum3A_227[15] : f32 from vector<16xf32>
      %mul3A_229 = arith.mulf %reduce_sum3A_228, %squeeze3A_7 : f32
      %mul3A_230 = arith.constant 2 : i32
      %mul3A_231 = arith.muli %mul3A_230, %scan3A_35 : i32
      %add3A_232 = arith.constant 2 : i32
      %add3A_233 = arith.addi %mul3A_231, %add3A_232 : i32
      %lt3A = arith.constant 48 : i32
      %lt3A_234 = arith.cmpi slt, %add3A_233, %lt3A : i32
      %convert_element_type3A_235 = arith.extui %lt3A_234 : i1 to i32
      %cond3A = arith.constant 0 : i32
      %cond3A_236 = arith.cmpi ne, %convert_element_type3A_235, %cond3A : i32
      scf.if %cond3A_236 {
        %add3A_503 = arith.constant 2 : i32
        %add3A_504 = arith.addi %add3A_39, %add3A_503 : i32
        %dma_start3A_505 = arith.constant 0 : i32
        %dma_start3A_506 = arith.constant 0 : i32
        %dma_start3A_507 = tpu.memref_slice %arg2[%add3A_504, %dma_start3A_505, %dma_start3A_506] : memref<1536x224x224xf32, #tpu.memory_space<hbm>> -> memref<1x224x224xf32, #tpu.memory_space<hbm>>
        %dma_start3A_508 = tpu.memref_squeeze %dma_start3A_507 : memref<1x224x224xf32, #tpu.memory_space<hbm>> -> memref<224x224xf32, #tpu.memory_space<hbm>>
        %dma_start3A_509 = arith.constant 0 : i32
        %dma_start3A_510 = arith.constant 0 : i32
        %dma_start3A_511 = tpu.memref_slice %arg2[%add3A_504, %dma_start3A_509, %dma_start3A_510] : memref<1536x224x224xf32, #tpu.memory_space<hbm>> -> memref<1x224x224xf32, #tpu.memory_space<hbm>>
        %dma_start3A_512 = tpu.memref_squeeze %dma_start3A_511 : memref<1x224x224xf32, #tpu.memory_space<hbm>> -> memref<224x224xf32, #tpu.memory_space<hbm>>
        tpu.enqueue_dma source(%dma_start3A_512 : memref<224x224xf32, #tpu.memory_space<hbm>>) target(%arg5 : memref<224x224xf32, #tpu.memory_space<vmem>>) target_semaphore(%arg10 : memref<!tpu.dma_semaphore, #tpu.memory_space<semaphore_mem>>)
      } else {
      }
      %add3A_237 = arith.constant 1 : i32
      %add3A_238 = arith.addi %add3A_39, %add3A_237 : i32
      %dma_wait3A_239 = arith.constant 0 : i32
      %dma_wait3A_240 = arith.constant 0 : i32
      %dma_wait3A_241 = tpu.memref_slice %arg2[%add3A_238, %dma_wait3A_239, %dma_wait3A_240] : memref<1536x224x224xf32, #tpu.memory_space<hbm>> -> memref<1x224x224xf32, #tpu.memory_space<hbm>>
      %dma_wait3A_242 = tpu.memref_squeeze %dma_wait3A_241 : memref<1x224x224xf32, #tpu.memory_space<hbm>> -> memref<224x224xf32, #tpu.memory_space<hbm>>
      %dma_wait3A_243 = arith.constant 0 : i32
      %dma_wait3A_244 = arith.constant 0 : i32
      %dma_wait3A_245 = tpu.memref_slice %arg2[%add3A_238, %dma_wait3A_243, %dma_wait3A_244] : memref<1536x224x224xf32, #tpu.memory_space<hbm>> -> memref<1x224x224xf32, #tpu.memory_space<hbm>>
      %dma_wait3A_246 = tpu.memref_squeeze %dma_wait3A_245 : memref<1x224x224xf32, #tpu.memory_space<hbm>> -> memref<224x224xf32, #tpu.memory_space<hbm>>
      tpu.wait_dma2 semaphore(%arg11 : memref<!tpu.dma_semaphore, #tpu.memory_space<semaphore_mem>>) src(%dma_wait3A_246 : memref<224x224xf32, #tpu.memory_space<hbm>>) dst(%arg6 : memref<224x224xf32, #tpu.memory_space<vmem>>)
      %get3A_247 = arith.constant 0 : i32
      %get3A_248 = arith.index_cast %get3A_247 : i32 to index
      %get3A_249 = arith.constant 0 : index
      %get3A_250 = tpu.vector_load %arg6[%get3A_248, %get3A_249] {strides = array<i32>} : memref<224x224xf32, #tpu.memory_space<vmem>>, vector<16xf32>,
      %parallel_loop3A_251 = arith.constant 0 : i32
      %parallel_loop3A_252 = arith.constant 224 : i32
      %parallel_loop3A_253 = arith.constant 1 : i32
      %parallel_loop3A_254:14 = scf.for %parallel_loop3A_503 = %parallel_loop3A_251 to %parallel_loop3A_252 step %parallel_loop3A_253 iter_args(%parallel_loop3A_504 = %get3A_250, %parallel_loop3A_505 = %get3A_250, %parallel_loop3A_506 = %get3A_250, %parallel_loop3A_507 = %get3A_250, %parallel_loop3A_508 = %get3A_250, %parallel_loop3A_509 = %get3A_250, %parallel_loop3A_510 = %get3A_250, %parallel_loop3A_511 = %get3A_250, %parallel_loop3A_512 = %get3A_250, %parallel_loop3A_513 = %get3A_250, %parallel_loop3A_514 = %get3A_250, %parallel_loop3A_515 = %get3A_250, %parallel_loop3A_516 = %get3A_250, %parallel_loop3A_517 = %get3A_250) -> (vector<16xf32>, vector<16xf32>, vector<16xf32>, vector<16xf32>, vector<16xf32>, vector<16xf32>, vector<16xf32>, vector<16xf32>, vector<16xf32>, vector<16xf32>, vector<16xf32>, vector<16xf32>, vector<16xf32>, vector<16xf32>)  : i32 {
        %parallel_loop3A_518 = arith.index_cast %parallel_loop3A_503 : i32 to index
        %parallel_loop3A_519 = arith.constant 0 : index
        %parallel_loop3A_520 = tpu.vector_load %arg6[%parallel_loop3A_518, %parallel_loop3A_519] {strides = array<i32>} : memref<224x224xf32, #tpu.memory_space<vmem>>, vector<16xf32>,
        %parallel_loop3A_521 = arith.index_cast %parallel_loop3A_503 : i32 to index
        %parallel_loop3A_522 = arith.constant 16 : index
        %parallel_loop3A_523 = tpu.vector_load %arg6[%parallel_loop3A_521, %parallel_loop3A_522] {strides = array<i32>} : memref<224x224xf32, #tpu.memory_space<vmem>>, vector<16xf32>,
        %parallel_loop3A_524 = arith.index_cast %parallel_loop3A_503 : i32 to index
        %parallel_loop3A_525 = arith.constant 32 : index
        %parallel_loop3A_526 = tpu.vector_load %arg6[%parallel_loop3A_524, %parallel_loop3A_525] {strides = array<i32>} : memref<224x224xf32, #tpu.memory_space<vmem>>, vector<16xf32>,
        %parallel_loop3A_527 = arith.index_cast %parallel_loop3A_503 : i32 to index
        %parallel_loop3A_528 = arith.constant 48 : index
        %parallel_loop3A_529 = tpu.vector_load %arg6[%parallel_loop3A_527, %parallel_loop3A_528] {strides = array<i32>} : memref<224x224xf32, #tpu.memory_space<vmem>>, vector<16xf32>,
        %parallel_loop3A_530 = arith.index_cast %parallel_loop3A_503 : i32 to index
        %parallel_loop3A_531 = arith.constant 64 : index
        %parallel_loop3A_532 = tpu.vector_load %arg6[%parallel_loop3A_530, %parallel_loop3A_531] {strides = array<i32>} : memref<224x224xf32, #tpu.memory_space<vmem>>, vector<16xf32>,
        %parallel_loop3A_533 = arith.index_cast %parallel_loop3A_503 : i32 to index
        %parallel_loop3A_534 = arith.constant 80 : index
        %parallel_loop3A_535 = tpu.vector_load %arg6[%parallel_loop3A_533, %parallel_loop3A_534] {strides = array<i32>} : memref<224x224xf32, #tpu.memory_space<vmem>>, vector<16xf32>,
        %parallel_loop3A_536 = arith.index_cast %parallel_loop3A_503 : i32 to index
        %parallel_loop3A_537 = arith.constant 96 : index
        %parallel_loop3A_538 = tpu.vector_load %arg6[%parallel_loop3A_536, %parallel_loop3A_537] {strides = array<i32>} : memref<224x224xf32, #tpu.memory_space<vmem>>, vector<16xf32>,
        %parallel_loop3A_539 = arith.index_cast %parallel_loop3A_503 : i32 to index
        %parallel_loop3A_540 = arith.constant 112 : index
        %parallel_loop3A_541 = tpu.vector_load %arg6[%parallel_loop3A_539, %parallel_loop3A_540] {strides = array<i32>} : memref<224x224xf32, #tpu.memory_space<vmem>>, vector<16xf32>,
        %parallel_loop3A_542 = arith.index_cast %parallel_loop3A_503 : i32 to index
        %parallel_loop3A_543 = arith.constant 128 : index
        %parallel_loop3A_544 = tpu.vector_load %arg6[%parallel_loop3A_542, %parallel_loop3A_543] {strides = array<i32>} : memref<224x224xf32, #tpu.memory_space<vmem>>, vector<16xf32>,
        %parallel_loop3A_545 = arith.index_cast %parallel_loop3A_503 : i32 to index
        %parallel_loop3A_546 = arith.constant 144 : index
        %parallel_loop3A_547 = tpu.vector_load %arg6[%parallel_loop3A_545, %parallel_loop3A_546] {strides = array<i32>} : memref<224x224xf32, #tpu.memory_space<vmem>>, vector<16xf32>,
        %parallel_loop3A_548 = arith.index_cast %parallel_loop3A_503 : i32 to index
        %parallel_loop3A_549 = arith.constant 160 : index
        %parallel_loop3A_550 = tpu.vector_load %arg6[%parallel_loop3A_548, %parallel_loop3A_549] {strides = array<i32>} : memref<224x224xf32, #tpu.memory_space<vmem>>, vector<16xf32>,
        %parallel_loop3A_551 = arith.index_cast %parallel_loop3A_503 : i32 to index
        %parallel_loop3A_552 = arith.constant 176 : index
        %parallel_loop3A_553 = tpu.vector_load %arg6[%parallel_loop3A_551, %parallel_loop3A_552] {strides = array<i32>} : memref<224x224xf32, #tpu.memory_space<vmem>>, vector<16xf32>,
        %parallel_loop3A_554 = arith.index_cast %parallel_loop3A_503 : i32 to index
        %parallel_loop3A_555 = arith.constant 192 : index
        %parallel_loop3A_556 = tpu.vector_load %arg6[%parallel_loop3A_554, %parallel_loop3A_555] {strides = array<i32>} : memref<224x224xf32, #tpu.memory_space<vmem>>, vector<16xf32>,
        %parallel_loop3A_557 = arith.index_cast %parallel_loop3A_503 : i32 to index
        %parallel_loop3A_558 = arith.constant 208 : index
        %parallel_loop3A_559 = tpu.vector_load %arg6[%parallel_loop3A_557, %parallel_loop3A_558] {strides = array<i32>} : memref<224x224xf32, #tpu.memory_space<vmem>>, vector<16xf32>,
        %parallel_loop3A_560 = arith.minimumf %parallel_loop3A_520, %parallel_loop3A_523 : vector<16xf32>
        %parallel_loop3A_561 = arith.minimumf %parallel_loop3A_526, %parallel_loop3A_529 : vector<16xf32>
        %parallel_loop3A_562 = arith.minimumf %parallel_loop3A_532, %parallel_loop3A_535 : vector<16xf32>
        %parallel_loop3A_563 = arith.minimumf %parallel_loop3A_538, %parallel_loop3A_541 : vector<16xf32>
        %parallel_loop3A_564 = arith.minimumf %parallel_loop3A_544, %parallel_loop3A_547 : vector<16xf32>
        %parallel_loop3A_565 = arith.minimumf %parallel_loop3A_550, %parallel_loop3A_553 : vector<16xf32>
        %parallel_loop3A_566 = arith.minimumf %parallel_loop3A_556, %parallel_loop3A_559 : vector<16xf32>
        %parallel_loop3A_567 = arith.maximumf %parallel_loop3A_520, %parallel_loop3A_523 : vector<16xf32>
        %parallel_loop3A_568 = arith.maximumf %parallel_loop3A_526, %parallel_loop3A_529 : vector<16xf32>
        %parallel_loop3A_569 = arith.maximumf %parallel_loop3A_532, %parallel_loop3A_535 : vector<16xf32>
        %parallel_loop3A_570 = arith.maximumf %parallel_loop3A_538, %parallel_loop3A_541 : vector<16xf32>
        %parallel_loop3A_571 = arith.maximumf %parallel_loop3A_544, %parallel_loop3A_547 : vector<16xf32>
        %parallel_loop3A_572 = arith.maximumf %parallel_loop3A_550, %parallel_loop3A_553 : vector<16xf32>
        %parallel_loop3A_573 = arith.maximumf %parallel_loop3A_556, %parallel_loop3A_559 : vector<16xf32>
        %parallel_loop3A_574 = arith.minimumf %parallel_loop3A_504, %parallel_loop3A_560 : vector<16xf32>
        %parallel_loop3A_575 = arith.minimumf %parallel_loop3A_505, %parallel_loop3A_561 : vector<16xf32>
        %parallel_loop3A_576 = arith.minimumf %parallel_loop3A_506, %parallel_loop3A_562 : vector<16xf32>
        %parallel_loop3A_577 = arith.minimumf %parallel_loop3A_507, %parallel_loop3A_563 : vector<16xf32>
        %parallel_loop3A_578 = arith.minimumf %parallel_loop3A_508, %parallel_loop3A_564 : vector<16xf32>
        %parallel_loop3A_579 = arith.minimumf %parallel_loop3A_509, %parallel_loop3A_565 : vector<16xf32>
        %parallel_loop3A_580 = arith.minimumf %parallel_loop3A_510, %parallel_loop3A_566 : vector<16xf32>
        %parallel_loop3A_581 = arith.maximumf %parallel_loop3A_511, %parallel_loop3A_567 : vector<16xf32>
        %parallel_loop3A_582 = arith.maximumf %parallel_loop3A_512, %parallel_loop3A_568 : vector<16xf32>
        %parallel_loop3A_583 = arith.maximumf %parallel_loop3A_513, %parallel_loop3A_569 : vector<16xf32>
        %parallel_loop3A_584 = arith.maximumf %parallel_loop3A_514, %parallel_loop3A_570 : vector<16xf32>
        %parallel_loop3A_585 = arith.maximumf %parallel_loop3A_515, %parallel_loop3A_571 : vector<16xf32>
        %parallel_loop3A_586 = arith.maximumf %parallel_loop3A_516, %parallel_loop3A_572 : vector<16xf32>
        %parallel_loop3A_587 = arith.maximumf %parallel_loop3A_517, %parallel_loop3A_573 : vector<16xf32>
        scf.yield %parallel_loop3A_574, %parallel_loop3A_575, %parallel_loop3A_576, %parallel_loop3A_577, %parallel_loop3A_578, %parallel_loop3A_579, %parallel_loop3A_580, %parallel_loop3A_581, %parallel_loop3A_582, %parallel_loop3A_583, %parallel_loop3A_584, %parallel_loop3A_585, %parallel_loop3A_586, %parallel_loop3A_587 : vector<16xf32>, vector<16xf32>, vector<16xf32>, vector<16xf32>, vector<16xf32>, vector<16xf32>, vector<16xf32>, vector<16xf32>, vector<16xf32>, vector<16xf32>, vector<16xf32>, vector<16xf32>, vector<16xf32>, vector<16xf32>
      } {sc.loop_unroll_factor = 2 : i64, sc.parallel_access}
      %min3A_255 = arith.minimumf %parallel_loop3A_254#0, %parallel_loop3A_254#1 : vector<16xf32>
      %max3A_256 = arith.maximumf %parallel_loop3A_254#7, %parallel_loop3A_254#8 : vector<16xf32>
      %min3A_257 = arith.minimumf %min3A_255, %parallel_loop3A_254#2 : vector<16xf32>
      %max3A_258 = arith.maximumf %max3A_256, %parallel_loop3A_254#9 : vector<16xf32>
      %min3A_259 = arith.minimumf %min3A_257, %parallel_loop3A_254#3 : vector<16xf32>
      %max3A_260 = arith.maximumf %max3A_258, %parallel_loop3A_254#10 : vector<16xf32>
      %min3A_261 = arith.minimumf %min3A_259, %parallel_loop3A_254#4 : vector<16xf32>
      %max3A_262 = arith.maximumf %max3A_260, %parallel_loop3A_254#11 : vector<16xf32>
      %min3A_263 = arith.minimumf %min3A_261, %parallel_loop3A_254#5 : vector<16xf32>
      %max3A_264 = arith.maximumf %max3A_262, %parallel_loop3A_254#12 : vector<16xf32>
      %min3A_265 = arith.minimumf %min3A_263, %parallel_loop3A_254#6 : vector<16xf32>
      %max3A_266 = arith.maximumf %max3A_264, %parallel_loop3A_254#13 : vector<16xf32>
      %neg3A_267 = arith.constant 0.000000e+00 : f32
      %neg3A_268 = vector.broadcast %neg3A_267 : f32 to vector<16xf32>
      %neg3A_269 = arith.subf %neg3A_268, %min3A_265 : vector<16xf32>
      %reduce_max3A_270 = arith.constant true
      %reduce_max3A_271 = vector.broadcast %reduce_max3A_270 : i1 to vector<16xi1>
      %reduce_max3A_272 = tpu.scan <max>, %neg3A_269 masked %reduce_max3A_271 : vector<16xf32>, vector<16xi1> -> vector<16xf32>
      %reduce_max3A_273 = vector.extract %reduce_max3A_272[15] : f32 from vector<16xf32>
      %neg3A_274 = arith.constant 0.000000e+00 : f32
      %neg3A_275 = arith.subf %neg3A_274, %reduce_max3A_273 : f32
      %reduce_max3A_276 = arith.constant true
      %reduce_max3A_277 = vector.broadcast %reduce_max3A_276 : i1 to vector<16xi1>
      %reduce_max3A_278 = tpu.scan <max>, %max3A_266 masked %reduce_max3A_277 : vector<16xf32>, vector<16xi1> -> vector<16xf32>
      %reduce_max3A_279 = vector.extract %reduce_max3A_278[15] : f32 from vector<16xf32>
      %sub3A_280 = arith.subf %reduce_max3A_279, %neg3A_275 : f32
      %max3A_281 = arith.constant 1.000000e-30 : f32
      %max3A_282 = arith.maximumf %sub3A_280, %max3A_281 : f32
      %broadcast_in_dim3A_283 = arith.constant 5.120000e+02 : f32
      %broadcast_in_dim3A_284 = vector.broadcast %broadcast_in_dim3A_283 : f32 to vector<16xf32>
      %div3A_285 = vector.broadcast %max3A_282 : f32 to vector<16xf32>
      %div3A_286 = arith.divf %broadcast_in_dim3A_284, %div3A_285 : vector<16xf32>
      %mul3A_287 = arith.constant 0.001953125 : f32
      %mul3A_288 = arith.mulf %max3A_282, %mul3A_287 : f32
      %convert_element_type3A_289 = arith.sitofp %mul3A_10 : vector<16xi32> to vector<16xf32>
      %add3A_290 = vector.broadcast %scan3A : f32 to vector<16xf32>
      %add3A_291 = arith.addf %add3A_290, %convert_element_type3A_289 : vector<16xf32>
      %parallel_loop3A_292 = arith.constant 0 : i32
      %parallel_loop3A_293 = arith.constant 224 : i32
      %parallel_loop3A_294 = arith.constant 1 : i32
      scf.for %parallel_loop3A_503 = %parallel_loop3A_292 to %parallel_loop3A_293 step %parallel_loop3A_294  : i32 {
        %parallel_loop3A_504 = arith.index_cast %parallel_loop3A_503 : i32 to index
        %parallel_loop3A_505 = arith.constant 0 : index
        %parallel_loop3A_506 = tpu.vector_load %arg6[%parallel_loop3A_504, %parallel_loop3A_505] {strides = array<i32>} : memref<224x224xf32, #tpu.memory_space<vmem>>, vector<16xf32>,
        %parallel_loop3A_507 = arith.index_cast %parallel_loop3A_503 : i32 to index
        %parallel_loop3A_508 = arith.constant 16 : index
        %parallel_loop3A_509 = tpu.vector_load %arg6[%parallel_loop3A_507, %parallel_loop3A_508] {strides = array<i32>} : memref<224x224xf32, #tpu.memory_space<vmem>>, vector<16xf32>,
        %parallel_loop3A_510 = arith.index_cast %parallel_loop3A_503 : i32 to index
        %parallel_loop3A_511 = arith.constant 32 : index
        %parallel_loop3A_512 = tpu.vector_load %arg6[%parallel_loop3A_510, %parallel_loop3A_511] {strides = array<i32>} : memref<224x224xf32, #tpu.memory_space<vmem>>, vector<16xf32>,
        %parallel_loop3A_513 = arith.index_cast %parallel_loop3A_503 : i32 to index
        %parallel_loop3A_514 = arith.constant 48 : index
        %parallel_loop3A_515 = tpu.vector_load %arg6[%parallel_loop3A_513, %parallel_loop3A_514] {strides = array<i32>} : memref<224x224xf32, #tpu.memory_space<vmem>>, vector<16xf32>,
        %parallel_loop3A_516 = arith.index_cast %parallel_loop3A_503 : i32 to index
        %parallel_loop3A_517 = arith.constant 64 : index
        %parallel_loop3A_518 = tpu.vector_load %arg6[%parallel_loop3A_516, %parallel_loop3A_517] {strides = array<i32>} : memref<224x224xf32, #tpu.memory_space<vmem>>, vector<16xf32>,
        %parallel_loop3A_519 = arith.index_cast %parallel_loop3A_503 : i32 to index
        %parallel_loop3A_520 = arith.constant 80 : index
        %parallel_loop3A_521 = tpu.vector_load %arg6[%parallel_loop3A_519, %parallel_loop3A_520] {strides = array<i32>} : memref<224x224xf32, #tpu.memory_space<vmem>>, vector<16xf32>,
        %parallel_loop3A_522 = arith.index_cast %parallel_loop3A_503 : i32 to index
        %parallel_loop3A_523 = arith.constant 96 : index
        %parallel_loop3A_524 = tpu.vector_load %arg6[%parallel_loop3A_522, %parallel_loop3A_523] {strides = array<i32>} : memref<224x224xf32, #tpu.memory_space<vmem>>, vector<16xf32>,
        %parallel_loop3A_525 = arith.index_cast %parallel_loop3A_503 : i32 to index
        %parallel_loop3A_526 = arith.constant 112 : index
        %parallel_loop3A_527 = tpu.vector_load %arg6[%parallel_loop3A_525, %parallel_loop3A_526] {strides = array<i32>} : memref<224x224xf32, #tpu.memory_space<vmem>>, vector<16xf32>,
        %parallel_loop3A_528 = arith.index_cast %parallel_loop3A_503 : i32 to index
        %parallel_loop3A_529 = arith.constant 128 : index
        %parallel_loop3A_530 = tpu.vector_load %arg6[%parallel_loop3A_528, %parallel_loop3A_529] {strides = array<i32>} : memref<224x224xf32, #tpu.memory_space<vmem>>, vector<16xf32>,
        %parallel_loop3A_531 = arith.index_cast %parallel_loop3A_503 : i32 to index
        %parallel_loop3A_532 = arith.constant 144 : index
        %parallel_loop3A_533 = tpu.vector_load %arg6[%parallel_loop3A_531, %parallel_loop3A_532] {strides = array<i32>} : memref<224x224xf32, #tpu.memory_space<vmem>>, vector<16xf32>,
        %parallel_loop3A_534 = arith.index_cast %parallel_loop3A_503 : i32 to index
        %parallel_loop3A_535 = arith.constant 160 : index
        %parallel_loop3A_536 = tpu.vector_load %arg6[%parallel_loop3A_534, %parallel_loop3A_535] {strides = array<i32>} : memref<224x224xf32, #tpu.memory_space<vmem>>, vector<16xf32>,
        %parallel_loop3A_537 = arith.index_cast %parallel_loop3A_503 : i32 to index
        %parallel_loop3A_538 = arith.constant 176 : index
        %parallel_loop3A_539 = tpu.vector_load %arg6[%parallel_loop3A_537, %parallel_loop3A_538] {strides = array<i32>} : memref<224x224xf32, #tpu.memory_space<vmem>>, vector<16xf32>,
        %parallel_loop3A_540 = arith.index_cast %parallel_loop3A_503 : i32 to index
        %parallel_loop3A_541 = arith.constant 192 : index
        %parallel_loop3A_542 = tpu.vector_load %arg6[%parallel_loop3A_540, %parallel_loop3A_541] {strides = array<i32>} : memref<224x224xf32, #tpu.memory_space<vmem>>, vector<16xf32>,
        %parallel_loop3A_543 = arith.index_cast %parallel_loop3A_503 : i32 to index
        %parallel_loop3A_544 = arith.constant 208 : index
        %parallel_loop3A_545 = tpu.vector_load %arg6[%parallel_loop3A_543, %parallel_loop3A_544] {strides = array<i32>} : memref<224x224xf32, #tpu.memory_space<vmem>>, vector<16xf32>,
        %parallel_loop3A_546 = vector.broadcast %neg3A_275 : f32 to vector<16xf32>
        %parallel_loop3A_547 = arith.subf %parallel_loop3A_506, %parallel_loop3A_546 : vector<16xf32>
        %parallel_loop3A_548 = arith.mulf %parallel_loop3A_547, %div3A_286 : vector<16xf32>
        %parallel_loop3A_549 = arith.addf %parallel_loop3A_548, %add3A_291 : vector<16xf32>
        %parallel_loop3A_550 = vector.broadcast %neg3A_275 : f32 to vector<16xf32>
        %parallel_loop3A_551 = arith.subf %parallel_loop3A_509, %parallel_loop3A_550 : vector<16xf32>
        %parallel_loop3A_552 = arith.mulf %parallel_loop3A_551, %div3A_286 : vector<16xf32>
        %parallel_loop3A_553 = arith.addf %parallel_loop3A_552, %add3A_291 : vector<16xf32>
        %parallel_loop3A_554 = vector.broadcast %neg3A_275 : f32 to vector<16xf32>
        %parallel_loop3A_555 = arith.subf %parallel_loop3A_512, %parallel_loop3A_554 : vector<16xf32>
        %parallel_loop3A_556 = arith.mulf %parallel_loop3A_555, %div3A_286 : vector<16xf32>
        %parallel_loop3A_557 = arith.addf %parallel_loop3A_556, %add3A_291 : vector<16xf32>
        %parallel_loop3A_558 = vector.broadcast %neg3A_275 : f32 to vector<16xf32>
        %parallel_loop3A_559 = arith.subf %parallel_loop3A_515, %parallel_loop3A_558 : vector<16xf32>
        %parallel_loop3A_560 = arith.mulf %parallel_loop3A_559, %div3A_286 : vector<16xf32>
        %parallel_loop3A_561 = arith.addf %parallel_loop3A_560, %add3A_291 : vector<16xf32>
        %parallel_loop3A_562 = vector.broadcast %neg3A_275 : f32 to vector<16xf32>
        %parallel_loop3A_563 = arith.subf %parallel_loop3A_518, %parallel_loop3A_562 : vector<16xf32>
        %parallel_loop3A_564 = arith.mulf %parallel_loop3A_563, %div3A_286 : vector<16xf32>
        %parallel_loop3A_565 = arith.addf %parallel_loop3A_564, %add3A_291 : vector<16xf32>
        %parallel_loop3A_566 = vector.broadcast %neg3A_275 : f32 to vector<16xf32>
        %parallel_loop3A_567 = arith.subf %parallel_loop3A_521, %parallel_loop3A_566 : vector<16xf32>
        %parallel_loop3A_568 = arith.mulf %parallel_loop3A_567, %div3A_286 : vector<16xf32>
        %parallel_loop3A_569 = arith.addf %parallel_loop3A_568, %add3A_291 : vector<16xf32>
        %parallel_loop3A_570 = vector.broadcast %neg3A_275 : f32 to vector<16xf32>
        %parallel_loop3A_571 = arith.subf %parallel_loop3A_524, %parallel_loop3A_570 : vector<16xf32>
        %parallel_loop3A_572 = arith.mulf %parallel_loop3A_571, %div3A_286 : vector<16xf32>
        %parallel_loop3A_573 = arith.addf %parallel_loop3A_572, %add3A_291 : vector<16xf32>
        %parallel_loop3A_574 = vector.broadcast %neg3A_275 : f32 to vector<16xf32>
        %parallel_loop3A_575 = arith.subf %parallel_loop3A_527, %parallel_loop3A_574 : vector<16xf32>
        %parallel_loop3A_576 = arith.mulf %parallel_loop3A_575, %div3A_286 : vector<16xf32>
        %parallel_loop3A_577 = arith.addf %parallel_loop3A_576, %add3A_291 : vector<16xf32>
        %parallel_loop3A_578 = vector.broadcast %neg3A_275 : f32 to vector<16xf32>
        %parallel_loop3A_579 = arith.subf %parallel_loop3A_530, %parallel_loop3A_578 : vector<16xf32>
        %parallel_loop3A_580 = arith.mulf %parallel_loop3A_579, %div3A_286 : vector<16xf32>
        %parallel_loop3A_581 = arith.addf %parallel_loop3A_580, %add3A_291 : vector<16xf32>
        %parallel_loop3A_582 = vector.broadcast %neg3A_275 : f32 to vector<16xf32>
        %parallel_loop3A_583 = arith.subf %parallel_loop3A_533, %parallel_loop3A_582 : vector<16xf32>
        %parallel_loop3A_584 = arith.mulf %parallel_loop3A_583, %div3A_286 : vector<16xf32>
        %parallel_loop3A_585 = arith.addf %parallel_loop3A_584, %add3A_291 : vector<16xf32>
        %parallel_loop3A_586 = vector.broadcast %neg3A_275 : f32 to vector<16xf32>
        %parallel_loop3A_587 = arith.subf %parallel_loop3A_536, %parallel_loop3A_586 : vector<16xf32>
        %parallel_loop3A_588 = arith.mulf %parallel_loop3A_587, %div3A_286 : vector<16xf32>
        %parallel_loop3A_589 = arith.addf %parallel_loop3A_588, %add3A_291 : vector<16xf32>
        %parallel_loop3A_590 = vector.broadcast %neg3A_275 : f32 to vector<16xf32>
        %parallel_loop3A_591 = arith.subf %parallel_loop3A_539, %parallel_loop3A_590 : vector<16xf32>
        %parallel_loop3A_592 = arith.mulf %parallel_loop3A_591, %div3A_286 : vector<16xf32>
        %parallel_loop3A_593 = arith.addf %parallel_loop3A_592, %add3A_291 : vector<16xf32>
        %parallel_loop3A_594 = vector.broadcast %neg3A_275 : f32 to vector<16xf32>
        %parallel_loop3A_595 = arith.subf %parallel_loop3A_542, %parallel_loop3A_594 : vector<16xf32>
        %parallel_loop3A_596 = arith.mulf %parallel_loop3A_595, %div3A_286 : vector<16xf32>
        %parallel_loop3A_597 = arith.addf %parallel_loop3A_596, %add3A_291 : vector<16xf32>
        %parallel_loop3A_598 = vector.broadcast %neg3A_275 : f32 to vector<16xf32>
        %parallel_loop3A_599 = arith.subf %parallel_loop3A_545, %parallel_loop3A_598 : vector<16xf32>
        %parallel_loop3A_600 = arith.mulf %parallel_loop3A_599, %div3A_286 : vector<16xf32>
        %parallel_loop3A_601 = arith.addf %parallel_loop3A_600, %add3A_291 : vector<16xf32>
        %parallel_loop3A_602 = vector.bitcast %parallel_loop3A_549 : vector<16xf32> to vector<16xi32>
        %parallel_loop3A_603 = vector.broadcast %scan3A_27 : i32 to vector<16xi32>
        %parallel_loop3A_604 = arith.subi %parallel_loop3A_602, %parallel_loop3A_603 : vector<16xi32>
        %parallel_loop3A_605 = vector.bitcast %parallel_loop3A_553 : vector<16xf32> to vector<16xi32>
        %parallel_loop3A_606 = vector.broadcast %scan3A_27 : i32 to vector<16xi32>
        %parallel_loop3A_607 = arith.subi %parallel_loop3A_605, %parallel_loop3A_606 : vector<16xi32>
        %parallel_loop3A_608 = vector.bitcast %parallel_loop3A_557 : vector<16xf32> to vector<16xi32>
        %parallel_loop3A_609 = vector.broadcast %scan3A_27 : i32 to vector<16xi32>
        %parallel_loop3A_610 = arith.subi %parallel_loop3A_608, %parallel_loop3A_609 : vector<16xi32>
        %parallel_loop3A_611 = vector.bitcast %parallel_loop3A_561 : vector<16xf32> to vector<16xi32>
        %parallel_loop3A_612 = vector.broadcast %scan3A_27 : i32 to vector<16xi32>
        %parallel_loop3A_613 = arith.subi %parallel_loop3A_611, %parallel_loop3A_612 : vector<16xi32>
        %parallel_loop3A_614 = vector.bitcast %parallel_loop3A_565 : vector<16xf32> to vector<16xi32>
        %parallel_loop3A_615 = vector.broadcast %scan3A_27 : i32 to vector<16xi32>
        %parallel_loop3A_616 = arith.subi %parallel_loop3A_614, %parallel_loop3A_615 : vector<16xi32>
        %parallel_loop3A_617 = vector.bitcast %parallel_loop3A_569 : vector<16xf32> to vector<16xi32>
        %parallel_loop3A_618 = vector.broadcast %scan3A_27 : i32 to vector<16xi32>
        %parallel_loop3A_619 = arith.subi %parallel_loop3A_617, %parallel_loop3A_618 : vector<16xi32>
        %parallel_loop3A_620 = vector.bitcast %parallel_loop3A_573 : vector<16xf32> to vector<16xi32>
        %parallel_loop3A_621 = vector.broadcast %scan3A_27 : i32 to vector<16xi32>
        %parallel_loop3A_622 = arith.subi %parallel_loop3A_620, %parallel_loop3A_621 : vector<16xi32>
        %parallel_loop3A_623 = vector.bitcast %parallel_loop3A_577 : vector<16xf32> to vector<16xi32>
        %parallel_loop3A_624 = vector.broadcast %scan3A_27 : i32 to vector<16xi32>
        %parallel_loop3A_625 = arith.subi %parallel_loop3A_623, %parallel_loop3A_624 : vector<16xi32>
        %parallel_loop3A_626 = vector.bitcast %parallel_loop3A_581 : vector<16xf32> to vector<16xi32>
        %parallel_loop3A_627 = vector.broadcast %scan3A_27 : i32 to vector<16xi32>
        %parallel_loop3A_628 = arith.subi %parallel_loop3A_626, %parallel_loop3A_627 : vector<16xi32>
        %parallel_loop3A_629 = vector.bitcast %parallel_loop3A_585 : vector<16xf32> to vector<16xi32>
        %parallel_loop3A_630 = vector.broadcast %scan3A_27 : i32 to vector<16xi32>
        %parallel_loop3A_631 = arith.subi %parallel_loop3A_629, %parallel_loop3A_630 : vector<16xi32>
        %parallel_loop3A_632 = vector.bitcast %parallel_loop3A_589 : vector<16xf32> to vector<16xi32>
        %parallel_loop3A_633 = vector.broadcast %scan3A_27 : i32 to vector<16xi32>
        %parallel_loop3A_634 = arith.subi %parallel_loop3A_632, %parallel_loop3A_633 : vector<16xi32>
        %parallel_loop3A_635 = vector.bitcast %parallel_loop3A_593 : vector<16xf32> to vector<16xi32>
        %parallel_loop3A_636 = vector.broadcast %scan3A_27 : i32 to vector<16xi32>
        %parallel_loop3A_637 = arith.subi %parallel_loop3A_635, %parallel_loop3A_636 : vector<16xi32>
        %parallel_loop3A_638 = vector.bitcast %parallel_loop3A_597 : vector<16xf32> to vector<16xi32>
        %parallel_loop3A_639 = vector.broadcast %scan3A_27 : i32 to vector<16xi32>
        %parallel_loop3A_640 = arith.subi %parallel_loop3A_638, %parallel_loop3A_639 : vector<16xi32>
        %parallel_loop3A_641 = vector.bitcast %parallel_loop3A_601 : vector<16xf32> to vector<16xi32>
        %parallel_loop3A_642 = vector.broadcast %scan3A_27 : i32 to vector<16xi32>
        %parallel_loop3A_643 = arith.subi %parallel_loop3A_641, %parallel_loop3A_642 : vector<16xi32>
        tpu.vector_store_idx %arg7[%parallel_loop3A_604], %broadcast_in_dim3A_11 {add = true} : memref<8448xf32, #tpu.memory_space<vmem>>[vector<16xi32>], vector<16xf32>,
        tpu.vector_store_idx %arg7[%parallel_loop3A_607], %broadcast_in_dim3A_11 {add = true} : memref<8448xf32, #tpu.memory_space<vmem>>[vector<16xi32>], vector<16xf32>,
        tpu.vector_store_idx %arg7[%parallel_loop3A_610], %broadcast_in_dim3A_11 {add = true} : memref<8448xf32, #tpu.memory_space<vmem>>[vector<16xi32>], vector<16xf32>,
        tpu.vector_store_idx %arg7[%parallel_loop3A_613], %broadcast_in_dim3A_11 {add = true} : memref<8448xf32, #tpu.memory_space<vmem>>[vector<16xi32>], vector<16xf32>,
        tpu.vector_store_idx %arg7[%parallel_loop3A_616], %broadcast_in_dim3A_11 {add = true} : memref<8448xf32, #tpu.memory_space<vmem>>[vector<16xi32>], vector<16xf32>,
        tpu.vector_store_idx %arg7[%parallel_loop3A_619], %broadcast_in_dim3A_11 {add = true} : memref<8448xf32, #tpu.memory_space<vmem>>[vector<16xi32>], vector<16xf32>,
        tpu.vector_store_idx %arg7[%parallel_loop3A_622], %broadcast_in_dim3A_11 {add = true} : memref<8448xf32, #tpu.memory_space<vmem>>[vector<16xi32>], vector<16xf32>,
        tpu.vector_store_idx %arg7[%parallel_loop3A_625], %broadcast_in_dim3A_11 {add = true} : memref<8448xf32, #tpu.memory_space<vmem>>[vector<16xi32>], vector<16xf32>,
        tpu.vector_store_idx %arg7[%parallel_loop3A_628], %broadcast_in_dim3A_11 {add = true} : memref<8448xf32, #tpu.memory_space<vmem>>[vector<16xi32>], vector<16xf32>,
        tpu.vector_store_idx %arg7[%parallel_loop3A_631], %broadcast_in_dim3A_11 {add = true} : memref<8448xf32, #tpu.memory_space<vmem>>[vector<16xi32>], vector<16xf32>,
        tpu.vector_store_idx %arg7[%parallel_loop3A_634], %broadcast_in_dim3A_11 {add = true} : memref<8448xf32, #tpu.memory_space<vmem>>[vector<16xi32>], vector<16xf32>,
        tpu.vector_store_idx %arg7[%parallel_loop3A_637], %broadcast_in_dim3A_11 {add = true} : memref<8448xf32, #tpu.memory_space<vmem>>[vector<16xi32>], vector<16xf32>,
        tpu.vector_store_idx %arg7[%parallel_loop3A_640], %broadcast_in_dim3A_11 {add = true} : memref<8448xf32, #tpu.memory_space<vmem>>[vector<16xi32>], vector<16xf32>,
        tpu.vector_store_idx %arg7[%parallel_loop3A_643], %broadcast_in_dim3A_11 {add = true} : memref<8448xf32, #tpu.memory_space<vmem>>[vector<16xi32>], vector<16xf32>,
      } {sc.loop_unroll_factor = 2 : i64, sc.parallel_access}
      %get3A_295 = arith.constant 512 : index
      %get3A_296 = tpu.vector_load %arg7[%get3A_295] {strides = array<i32>} : memref<8448xf32, #tpu.memory_space<vmem>>, vector<16xf32>,
      %broadcast_in_dim3A_297 = arith.constant 0.000000e+00 : f32
      %broadcast_in_dim3A_298 = vector.broadcast %broadcast_in_dim3A_297 : f32 to vector<16xf32>
      %swap3A_299 = arith.constant 512 : index
      %swap3A_300 = tpu.vector_load %arg7[%swap3A_299] {strides = array<i32>} : memref<8448xf32, #tpu.memory_space<vmem>>, vector<16xf32>,
      tpu.vector_store %arg7[%swap3A_299], %broadcast_in_dim3A_298 {strides = array<i32>} : memref<8448xf32, #tpu.memory_space<vmem>>, vector<16xf32>,
      %get3A_301 = arith.constant 1040 : index
      %get3A_302 = tpu.vector_load %arg7[%get3A_301] {strides = array<i32>} : memref<8448xf32, #tpu.memory_space<vmem>>, vector<16xf32>,
      %add3A_303 = arith.addf %get3A_296, %get3A_302 : vector<16xf32>
      %broadcast_in_dim3A_304 = arith.constant 0.000000e+00 : f32
      %broadcast_in_dim3A_305 = vector.broadcast %broadcast_in_dim3A_304 : f32 to vector<16xf32>
      %swap3A_306 = arith.constant 1040 : index
      %swap3A_307 = tpu.vector_load %arg7[%swap3A_306] {strides = array<i32>} : memref<8448xf32, #tpu.memory_space<vmem>>, vector<16xf32>,
      tpu.vector_store %arg7[%swap3A_306], %broadcast_in_dim3A_305 {strides = array<i32>} : memref<8448xf32, #tpu.memory_space<vmem>>, vector<16xf32>,
      %get3A_308 = arith.constant 1568 : index
      %get3A_309 = tpu.vector_load %arg7[%get3A_308] {strides = array<i32>} : memref<8448xf32, #tpu.memory_space<vmem>>, vector<16xf32>,
      %add3A_310 = arith.addf %add3A_303, %get3A_309 : vector<16xf32>
      %broadcast_in_dim3A_311 = arith.constant 0.000000e+00 : f32
      %broadcast_in_dim3A_312 = vector.broadcast %broadcast_in_dim3A_311 : f32 to vector<16xf32>
      %swap3A_313 = arith.constant 1568 : index
      %swap3A_314 = tpu.vector_load %arg7[%swap3A_313] {strides = array<i32>} : memref<8448xf32, #tpu.memory_space<vmem>>, vector<16xf32>,
      tpu.vector_store %arg7[%swap3A_313], %broadcast_in_dim3A_312 {strides = array<i32>} : memref<8448xf32, #tpu.memory_space<vmem>>, vector<16xf32>,
      %get3A_315 = arith.constant 2096 : index
      %get3A_316 = tpu.vector_load %arg7[%get3A_315] {strides = array<i32>} : memref<8448xf32, #tpu.memory_space<vmem>>, vector<16xf32>,
      %add3A_317 = arith.addf %add3A_310, %get3A_316 : vector<16xf32>
      %broadcast_in_dim3A_318 = arith.constant 0.000000e+00 : f32
      %broadcast_in_dim3A_319 = vector.broadcast %broadcast_in_dim3A_318 : f32 to vector<16xf32>
      %swap3A_320 = arith.constant 2096 : index
      %swap3A_321 = tpu.vector_load %arg7[%swap3A_320] {strides = array<i32>} : memref<8448xf32, #tpu.memory_space<vmem>>, vector<16xf32>,
      tpu.vector_store %arg7[%swap3A_320], %broadcast_in_dim3A_319 {strides = array<i32>} : memref<8448xf32, #tpu.memory_space<vmem>>, vector<16xf32>,
      %get3A_322 = arith.constant 2624 : index
      %get3A_323 = tpu.vector_load %arg7[%get3A_322] {strides = array<i32>} : memref<8448xf32, #tpu.memory_space<vmem>>, vector<16xf32>,
      %add3A_324 = arith.addf %add3A_317, %get3A_323 : vector<16xf32>
      %broadcast_in_dim3A_325 = arith.constant 0.000000e+00 : f32
      %broadcast_in_dim3A_326 = vector.broadcast %broadcast_in_dim3A_325 : f32 to vector<16xf32>
      %swap3A_327 = arith.constant 2624 : index
      %swap3A_328 = tpu.vector_load %arg7[%swap3A_327] {strides = array<i32>} : memref<8448xf32, #tpu.memory_space<vmem>>, vector<16xf32>,
      tpu.vector_store %arg7[%swap3A_327], %broadcast_in_dim3A_326 {strides = array<i32>} : memref<8448xf32, #tpu.memory_space<vmem>>, vector<16xf32>,
      %get3A_329 = arith.constant 3152 : index
      %get3A_330 = tpu.vector_load %arg7[%get3A_329] {strides = array<i32>} : memref<8448xf32, #tpu.memory_space<vmem>>, vector<16xf32>,
      %add3A_331 = arith.addf %add3A_324, %get3A_330 : vector<16xf32>
      %broadcast_in_dim3A_332 = arith.constant 0.000000e+00 : f32
      %broadcast_in_dim3A_333 = vector.broadcast %broadcast_in_dim3A_332 : f32 to vector<16xf32>
      %swap3A_334 = arith.constant 3152 : index
      %swap3A_335 = tpu.vector_load %arg7[%swap3A_334] {strides = array<i32>} : memref<8448xf32, #tpu.memory_space<vmem>>, vector<16xf32>,
      tpu.vector_store %arg7[%swap3A_334], %broadcast_in_dim3A_333 {strides = array<i32>} : memref<8448xf32, #tpu.memory_space<vmem>>, vector<16xf32>,
      %get3A_336 = arith.constant 3680 : index
      %get3A_337 = tpu.vector_load %arg7[%get3A_336] {strides = array<i32>} : memref<8448xf32, #tpu.memory_space<vmem>>, vector<16xf32>,
      %add3A_338 = arith.addf %add3A_331, %get3A_337 : vector<16xf32>
      %broadcast_in_dim3A_339 = arith.constant 0.000000e+00 : f32
      %broadcast_in_dim3A_340 = vector.broadcast %broadcast_in_dim3A_339 : f32 to vector<16xf32>
      %swap3A_341 = arith.constant 3680 : index
      %swap3A_342 = tpu.vector_load %arg7[%swap3A_341] {strides = array<i32>} : memref<8448xf32, #tpu.memory_space<vmem>>, vector<16xf32>,
      tpu.vector_store %arg7[%swap3A_341], %broadcast_in_dim3A_340 {strides = array<i32>} : memref<8448xf32, #tpu.memory_space<vmem>>, vector<16xf32>,
      %get3A_343 = arith.constant 4208 : index
      %get3A_344 = tpu.vector_load %arg7[%get3A_343] {strides = array<i32>} : memref<8448xf32, #tpu.memory_space<vmem>>, vector<16xf32>,
      %add3A_345 = arith.addf %add3A_338, %get3A_344 : vector<16xf32>
      %broadcast_in_dim3A_346 = arith.constant 0.000000e+00 : f32
      %broadcast_in_dim3A_347 = vector.broadcast %broadcast_in_dim3A_346 : f32 to vector<16xf32>
      %swap3A_348 = arith.constant 4208 : index
      %swap3A_349 = tpu.vector_load %arg7[%swap3A_348] {strides = array<i32>} : memref<8448xf32, #tpu.memory_space<vmem>>, vector<16xf32>,
      tpu.vector_store %arg7[%swap3A_348], %broadcast_in_dim3A_347 {strides = array<i32>} : memref<8448xf32, #tpu.memory_space<vmem>>, vector<16xf32>,
      %get3A_350 = arith.constant 4736 : index
      %get3A_351 = tpu.vector_load %arg7[%get3A_350] {strides = array<i32>} : memref<8448xf32, #tpu.memory_space<vmem>>, vector<16xf32>,
      %add3A_352 = arith.addf %add3A_345, %get3A_351 : vector<16xf32>
      %broadcast_in_dim3A_353 = arith.constant 0.000000e+00 : f32
      %broadcast_in_dim3A_354 = vector.broadcast %broadcast_in_dim3A_353 : f32 to vector<16xf32>
      %swap3A_355 = arith.constant 4736 : index
      %swap3A_356 = tpu.vector_load %arg7[%swap3A_355] {strides = array<i32>} : memref<8448xf32, #tpu.memory_space<vmem>>, vector<16xf32>,
      tpu.vector_store %arg7[%swap3A_355], %broadcast_in_dim3A_354 {strides = array<i32>} : memref<8448xf32, #tpu.memory_space<vmem>>, vector<16xf32>,
      %get3A_357 = arith.constant 5264 : index
      %get3A_358 = tpu.vector_load %arg7[%get3A_357] {strides = array<i32>} : memref<8448xf32, #tpu.memory_space<vmem>>, vector<16xf32>,
      %add3A_359 = arith.addf %add3A_352, %get3A_358 : vector<16xf32>
      %broadcast_in_dim3A_360 = arith.constant 0.000000e+00 : f32
      %broadcast_in_dim3A_361 = vector.broadcast %broadcast_in_dim3A_360 : f32 to vector<16xf32>
      %swap3A_362 = arith.constant 5264 : index
      %swap3A_363 = tpu.vector_load %arg7[%swap3A_362] {strides = array<i32>} : memref<8448xf32, #tpu.memory_space<vmem>>, vector<16xf32>,
      tpu.vector_store %arg7[%swap3A_362], %broadcast_in_dim3A_361 {strides = array<i32>} : memref<8448xf32, #tpu.memory_space<vmem>>, vector<16xf32>,
      %get3A_364 = arith.constant 5792 : index
      %get3A_365 = tpu.vector_load %arg7[%get3A_364] {strides = array<i32>} : memref<8448xf32, #tpu.memory_space<vmem>>, vector<16xf32>,
      %add3A_366 = arith.addf %add3A_359, %get3A_365 : vector<16xf32>
      %broadcast_in_dim3A_367 = arith.constant 0.000000e+00 : f32
      %broadcast_in_dim3A_368 = vector.broadcast %broadcast_in_dim3A_367 : f32 to vector<16xf32>
      %swap3A_369 = arith.constant 5792 : index
      %swap3A_370 = tpu.vector_load %arg7[%swap3A_369] {strides = array<i32>} : memref<8448xf32, #tpu.memory_space<vmem>>, vector<16xf32>,
      tpu.vector_store %arg7[%swap3A_369], %broadcast_in_dim3A_368 {strides = array<i32>} : memref<8448xf32, #tpu.memory_space<vmem>>, vector<16xf32>,
      %get3A_371 = arith.constant 6320 : index
      %get3A_372 = tpu.vector_load %arg7[%get3A_371] {strides = array<i32>} : memref<8448xf32, #tpu.memory_space<vmem>>, vector<16xf32>,
      %add3A_373 = arith.addf %add3A_366, %get3A_372 : vector<16xf32>
      %broadcast_in_dim3A_374 = arith.constant 0.000000e+00 : f32
      %broadcast_in_dim3A_375 = vector.broadcast %broadcast_in_dim3A_374 : f32 to vector<16xf32>
      %swap3A_376 = arith.constant 6320 : index
      %swap3A_377 = tpu.vector_load %arg7[%swap3A_376] {strides = array<i32>} : memref<8448xf32, #tpu.memory_space<vmem>>, vector<16xf32>,
      tpu.vector_store %arg7[%swap3A_376], %broadcast_in_dim3A_375 {strides = array<i32>} : memref<8448xf32, #tpu.memory_space<vmem>>, vector<16xf32>,
      %get3A_378 = arith.constant 6848 : index
      %get3A_379 = tpu.vector_load %arg7[%get3A_378] {strides = array<i32>} : memref<8448xf32, #tpu.memory_space<vmem>>, vector<16xf32>,
      %add3A_380 = arith.addf %add3A_373, %get3A_379 : vector<16xf32>
      %broadcast_in_dim3A_381 = arith.constant 0.000000e+00 : f32
      %broadcast_in_dim3A_382 = vector.broadcast %broadcast_in_dim3A_381 : f32 to vector<16xf32>
      %swap3A_383 = arith.constant 6848 : index
      %swap3A_384 = tpu.vector_load %arg7[%swap3A_383] {strides = array<i32>} : memref<8448xf32, #tpu.memory_space<vmem>>, vector<16xf32>,
      tpu.vector_store %arg7[%swap3A_383], %broadcast_in_dim3A_382 {strides = array<i32>} : memref<8448xf32, #tpu.memory_space<vmem>>, vector<16xf32>,
      %get3A_385 = arith.constant 7376 : index
      %get3A_386 = tpu.vector_load %arg7[%get3A_385] {strides = array<i32>} : memref<8448xf32, #tpu.memory_space<vmem>>, vector<16xf32>,
      %add3A_387 = arith.addf %add3A_380, %get3A_386 : vector<16xf32>
      %broadcast_in_dim3A_388 = arith.constant 0.000000e+00 : f32
      %broadcast_in_dim3A_389 = vector.broadcast %broadcast_in_dim3A_388 : f32 to vector<16xf32>
      %swap3A_390 = arith.constant 7376 : index
      %swap3A_391 = tpu.vector_load %arg7[%swap3A_390] {strides = array<i32>} : memref<8448xf32, #tpu.memory_space<vmem>>, vector<16xf32>,
      tpu.vector_store %arg7[%swap3A_390], %broadcast_in_dim3A_389 {strides = array<i32>} : memref<8448xf32, #tpu.memory_space<vmem>>, vector<16xf32>,
      %get3A_392 = arith.constant 7904 : index
      %get3A_393 = tpu.vector_load %arg7[%get3A_392] {strides = array<i32>} : memref<8448xf32, #tpu.memory_space<vmem>>, vector<16xf32>,
      %add3A_394 = arith.addf %add3A_387, %get3A_393 : vector<16xf32>
      %broadcast_in_dim3A_395 = arith.constant 0.000000e+00 : f32
      %broadcast_in_dim3A_396 = vector.broadcast %broadcast_in_dim3A_395 : f32 to vector<16xf32>
      %swap3A_397 = arith.constant 7904 : index
      %swap3A_398 = tpu.vector_load %arg7[%swap3A_397] {strides = array<i32>} : memref<8448xf32, #tpu.memory_space<vmem>>, vector<16xf32>,
      tpu.vector_store %arg7[%swap3A_397], %broadcast_in_dim3A_396 {strides = array<i32>} : memref<8448xf32, #tpu.memory_space<vmem>>, vector<16xf32>,
      %get3A_399 = arith.constant 8432 : index
      %get3A_400 = tpu.vector_load %arg7[%get3A_399] {strides = array<i32>} : memref<8448xf32, #tpu.memory_space<vmem>>, vector<16xf32>,
      %add3A_401 = arith.addf %add3A_394, %get3A_400 : vector<16xf32>
      %broadcast_in_dim3A_402 = arith.constant 0.000000e+00 : f32
      %broadcast_in_dim3A_403 = vector.broadcast %broadcast_in_dim3A_402 : f32 to vector<16xf32>
      %swap3A_404 = arith.constant 8432 : index
      %swap3A_405 = tpu.vector_load %arg7[%swap3A_404] {strides = array<i32>} : memref<8448xf32, #tpu.memory_space<vmem>>, vector<16xf32>,
      tpu.vector_store %arg7[%swap3A_404], %broadcast_in_dim3A_403 {strides = array<i32>} : memref<8448xf32, #tpu.memory_space<vmem>>, vector<16xf32>,
      %slice3A_406 = vector.extract_strided_slice %add3A_401 {offsets = [0], sizes = [1], strides = [1]} : vector<16xf32> to vector<1xf32>
      %squeeze3A_407 = vector.extract %slice3A_406[0] : f32 from vector<1xf32>
      %get3A_408 = arith.constant 496 : index
      %get3A_409 = tpu.vector_load %arg7[%get3A_408] {strides = array<i32>} : memref<8448xf32, #tpu.memory_space<vmem>>, vector<16xf32>,
      %eq3A_410 = arith.constant 15 : i32
      %eq3A_411 = vector.broadcast %eq3A_410 : i32 to vector<16xi32>
      %eq3A_412 = arith.cmpi eq, %iota3A, %eq3A_411 : vector<16xi32>
      %jit3A_413 = arith.constant 0.000000e+00 : f32
      %broadcast_in_dim3A_414 = vector.broadcast %squeeze3A_407 : f32 to vector<16xf32>
      %broadcast_in_dim3A_415 = vector.broadcast %jit3A_413 : f32 to vector<16xf32>
      %select_n3A_416 = arith.select %eq3A_412, %broadcast_in_dim3A_414, %broadcast_in_dim3A_415 : vector<16xi1>, vector<16xf32>
      %add3A_417 = arith.addf %get3A_409, %select_n3A_416 : vector<16xf32>
      %swap3A_418 = arith.constant 496 : index
      %swap3A_419 = tpu.vector_load %arg7[%swap3A_418] {strides = array<i32>} : memref<8448xf32, #tpu.memory_space<vmem>>, vector<16xf32>,
      tpu.vector_store %arg7[%swap3A_418], %add3A_417 {strides = array<i32>} : memref<8448xf32, #tpu.memory_space<vmem>>, vector<16xf32>,
      %parallel_loop3A_420 = arith.constant 0 : i32
      %parallel_loop3A_421 = arith.constant 32 : i32
      %parallel_loop3A_422 = arith.constant 1 : i32
      %parallel_loop3A_423 = arith.constant 0.000000e+00 : f32
      %parallel_loop3A_424:2 = scf.for %parallel_loop3A_503 = %parallel_loop3A_420 to %parallel_loop3A_421 step %parallel_loop3A_422 iter_args(%parallel_loop3A_504 = %broadcast_in_dim3A_13, %parallel_loop3A_505 = %parallel_loop3A_423) -> (vector<16xf32>, f32)  : i32 {
        %parallel_loop3A_506 = arith.constant 31 : i32
        %parallel_loop3A_507 = arith.subi %parallel_loop3A_506, %parallel_loop3A_503 : i32
        %parallel_loop3A_508 = arith.constant 16 : i32
        %parallel_loop3A_509 = arith.muli %parallel_loop3A_507, %parallel_loop3A_508 : i32
        %parallel_loop3A_510 = arith.index_cast %parallel_loop3A_509 : i32 to index
        %parallel_loop3A_511 = tpu.vector_load %arg7[%parallel_loop3A_510] {strides = array<i32>} : memref<8448xf32, #tpu.memory_space<vmem>>, vector<16xf32>,
        %parallel_loop3A_512 = arith.index_cast %parallel_loop3A_509 : i32 to index
        %parallel_loop3A_513 = tpu.vector_load %arg7[%parallel_loop3A_512] {strides = array<i32>} : memref<8448xf32, #tpu.memory_space<vmem>>, vector<16xf32>,
        tpu.vector_store %arg7[%parallel_loop3A_512], %broadcast_in_dim3A_13 {strides = array<i32>} : memref<8448xf32, #tpu.memory_space<vmem>>, vector<16xf32>,
        %parallel_loop3A_514 = arith.constant 528 : i32
        %parallel_loop3A_515 = arith.addi %parallel_loop3A_514, %parallel_loop3A_509 : i32
        %parallel_loop3A_516 = arith.index_cast %parallel_loop3A_515 : i32 to index
        %parallel_loop3A_517 = tpu.vector_load %arg7[%parallel_loop3A_516] {strides = array<i32>} : memref<8448xf32, #tpu.memory_space<vmem>>, vector<16xf32>,
        %parallel_loop3A_518 = arith.addf %parallel_loop3A_511, %parallel_loop3A_517 : vector<16xf32>
        %parallel_loop3A_519 = arith.index_cast %parallel_loop3A_515 : i32 to index
        %parallel_loop3A_520 = tpu.vector_load %arg7[%parallel_loop3A_519] {strides = array<i32>} : memref<8448xf32, #tpu.memory_space<vmem>>, vector<16xf32>,
        tpu.vector_store %arg7[%parallel_loop3A_519], %broadcast_in_dim3A_13 {strides = array<i32>} : memref<8448xf32, #tpu.memory_space<vmem>>, vector<16xf32>,
        %parallel_loop3A_521 = arith.constant 1056 : i32
        %parallel_loop3A_522 = arith.addi %parallel_loop3A_521, %parallel_loop3A_509 : i32
        %parallel_loop3A_523 = arith.index_cast %parallel_loop3A_522 : i32 to index
        %parallel_loop3A_524 = tpu.vector_load %arg7[%parallel_loop3A_523] {strides = array<i32>} : memref<8448xf32, #tpu.memory_space<vmem>>, vector<16xf32>,
        %parallel_loop3A_525 = arith.addf %parallel_loop3A_518, %parallel_loop3A_524 : vector<16xf32>
        %parallel_loop3A_526 = arith.index_cast %parallel_loop3A_522 : i32 to index
        %parallel_loop3A_527 = tpu.vector_load %arg7[%parallel_loop3A_526] {strides = array<i32>} : memref<8448xf32, #tpu.memory_space<vmem>>, vector<16xf32>,
        tpu.vector_store %arg7[%parallel_loop3A_526], %broadcast_in_dim3A_13 {strides = array<i32>} : memref<8448xf32, #tpu.memory_space<vmem>>, vector<16xf32>,
        %parallel_loop3A_528 = arith.constant 1584 : i32
        %parallel_loop3A_529 = arith.addi %parallel_loop3A_528, %parallel_loop3A_509 : i32
        %parallel_loop3A_530 = arith.index_cast %parallel_loop3A_529 : i32 to index
        %parallel_loop3A_531 = tpu.vector_load %arg7[%parallel_loop3A_530] {strides = array<i32>} : memref<8448xf32, #tpu.memory_space<vmem>>, vector<16xf32>,
        %parallel_loop3A_532 = arith.addf %parallel_loop3A_525, %parallel_loop3A_531 : vector<16xf32>
        %parallel_loop3A_533 = arith.index_cast %parallel_loop3A_529 : i32 to index
        %parallel_loop3A_534 = tpu.vector_load %arg7[%parallel_loop3A_533] {strides = array<i32>} : memref<8448xf32, #tpu.memory_space<vmem>>, vector<16xf32>,
        tpu.vector_store %arg7[%parallel_loop3A_533], %broadcast_in_dim3A_13 {strides = array<i32>} : memref<8448xf32, #tpu.memory_space<vmem>>, vector<16xf32>,
        %parallel_loop3A_535 = arith.constant 2112 : i32
        %parallel_loop3A_536 = arith.addi %parallel_loop3A_535, %parallel_loop3A_509 : i32
        %parallel_loop3A_537 = arith.index_cast %parallel_loop3A_536 : i32 to index
        %parallel_loop3A_538 = tpu.vector_load %arg7[%parallel_loop3A_537] {strides = array<i32>} : memref<8448xf32, #tpu.memory_space<vmem>>, vector<16xf32>,
        %parallel_loop3A_539 = arith.addf %parallel_loop3A_532, %parallel_loop3A_538 : vector<16xf32>
        %parallel_loop3A_540 = arith.index_cast %parallel_loop3A_536 : i32 to index
        %parallel_loop3A_541 = tpu.vector_load %arg7[%parallel_loop3A_540] {strides = array<i32>} : memref<8448xf32, #tpu.memory_space<vmem>>, vector<16xf32>,
        tpu.vector_store %arg7[%parallel_loop3A_540], %broadcast_in_dim3A_13 {strides = array<i32>} : memref<8448xf32, #tpu.memory_space<vmem>>, vector<16xf32>,
        %parallel_loop3A_542 = arith.constant 2640 : i32
        %parallel_loop3A_543 = arith.addi %parallel_loop3A_542, %parallel_loop3A_509 : i32
        %parallel_loop3A_544 = arith.index_cast %parallel_loop3A_543 : i32 to index
        %parallel_loop3A_545 = tpu.vector_load %arg7[%parallel_loop3A_544] {strides = array<i32>} : memref<8448xf32, #tpu.memory_space<vmem>>, vector<16xf32>,
        %parallel_loop3A_546 = arith.addf %parallel_loop3A_539, %parallel_loop3A_545 : vector<16xf32>
        %parallel_loop3A_547 = arith.index_cast %parallel_loop3A_543 : i32 to index
        %parallel_loop3A_548 = tpu.vector_load %arg7[%parallel_loop3A_547] {strides = array<i32>} : memref<8448xf32, #tpu.memory_space<vmem>>, vector<16xf32>,
        tpu.vector_store %arg7[%parallel_loop3A_547], %broadcast_in_dim3A_13 {strides = array<i32>} : memref<8448xf32, #tpu.memory_space<vmem>>, vector<16xf32>,
        %parallel_loop3A_549 = arith.constant 3168 : i32
        %parallel_loop3A_550 = arith.addi %parallel_loop3A_549, %parallel_loop3A_509 : i32
        %parallel_loop3A_551 = arith.index_cast %parallel_loop3A_550 : i32 to index
        %parallel_loop3A_552 = tpu.vector_load %arg7[%parallel_loop3A_551] {strides = array<i32>} : memref<8448xf32, #tpu.memory_space<vmem>>, vector<16xf32>,
        %parallel_loop3A_553 = arith.addf %parallel_loop3A_546, %parallel_loop3A_552 : vector<16xf32>
        %parallel_loop3A_554 = arith.index_cast %parallel_loop3A_550 : i32 to index
        %parallel_loop3A_555 = tpu.vector_load %arg7[%parallel_loop3A_554] {strides = array<i32>} : memref<8448xf32, #tpu.memory_space<vmem>>, vector<16xf32>,
        tpu.vector_store %arg7[%parallel_loop3A_554], %broadcast_in_dim3A_13 {strides = array<i32>} : memref<8448xf32, #tpu.memory_space<vmem>>, vector<16xf32>,
        %parallel_loop3A_556 = arith.constant 3696 : i32
        %parallel_loop3A_557 = arith.addi %parallel_loop3A_556, %parallel_loop3A_509 : i32
        %parallel_loop3A_558 = arith.index_cast %parallel_loop3A_557 : i32 to index
        %parallel_loop3A_559 = tpu.vector_load %arg7[%parallel_loop3A_558] {strides = array<i32>} : memref<8448xf32, #tpu.memory_space<vmem>>, vector<16xf32>,
        %parallel_loop3A_560 = arith.addf %parallel_loop3A_553, %parallel_loop3A_559 : vector<16xf32>
        %parallel_loop3A_561 = arith.index_cast %parallel_loop3A_557 : i32 to index
        %parallel_loop3A_562 = tpu.vector_load %arg7[%parallel_loop3A_561] {strides = array<i32>} : memref<8448xf32, #tpu.memory_space<vmem>>, vector<16xf32>,
        tpu.vector_store %arg7[%parallel_loop3A_561], %broadcast_in_dim3A_13 {strides = array<i32>} : memref<8448xf32, #tpu.memory_space<vmem>>, vector<16xf32>,
        %parallel_loop3A_563 = arith.constant 4224 : i32
        %parallel_loop3A_564 = arith.addi %parallel_loop3A_563, %parallel_loop3A_509 : i32
        %parallel_loop3A_565 = arith.index_cast %parallel_loop3A_564 : i32 to index
        %parallel_loop3A_566 = tpu.vector_load %arg7[%parallel_loop3A_565] {strides = array<i32>} : memref<8448xf32, #tpu.memory_space<vmem>>, vector<16xf32>,
        %parallel_loop3A_567 = arith.addf %parallel_loop3A_560, %parallel_loop3A_566 : vector<16xf32>
        %parallel_loop3A_568 = arith.index_cast %parallel_loop3A_564 : i32 to index
        %parallel_loop3A_569 = tpu.vector_load %arg7[%parallel_loop3A_568] {strides = array<i32>} : memref<8448xf32, #tpu.memory_space<vmem>>, vector<16xf32>,
        tpu.vector_store %arg7[%parallel_loop3A_568], %broadcast_in_dim3A_13 {strides = array<i32>} : memref<8448xf32, #tpu.memory_space<vmem>>, vector<16xf32>,
        %parallel_loop3A_570 = arith.constant 4752 : i32
        %parallel_loop3A_571 = arith.addi %parallel_loop3A_570, %parallel_loop3A_509 : i32
        %parallel_loop3A_572 = arith.index_cast %parallel_loop3A_571 : i32 to index
        %parallel_loop3A_573 = tpu.vector_load %arg7[%parallel_loop3A_572] {strides = array<i32>} : memref<8448xf32, #tpu.memory_space<vmem>>, vector<16xf32>,
        %parallel_loop3A_574 = arith.addf %parallel_loop3A_567, %parallel_loop3A_573 : vector<16xf32>
        %parallel_loop3A_575 = arith.index_cast %parallel_loop3A_571 : i32 to index
        %parallel_loop3A_576 = tpu.vector_load %arg7[%parallel_loop3A_575] {strides = array<i32>} : memref<8448xf32, #tpu.memory_space<vmem>>, vector<16xf32>,
        tpu.vector_store %arg7[%parallel_loop3A_575], %broadcast_in_dim3A_13 {strides = array<i32>} : memref<8448xf32, #tpu.memory_space<vmem>>, vector<16xf32>,
        %parallel_loop3A_577 = arith.constant 5280 : i32
        %parallel_loop3A_578 = arith.addi %parallel_loop3A_577, %parallel_loop3A_509 : i32
        %parallel_loop3A_579 = arith.index_cast %parallel_loop3A_578 : i32 to index
        %parallel_loop3A_580 = tpu.vector_load %arg7[%parallel_loop3A_579] {strides = array<i32>} : memref<8448xf32, #tpu.memory_space<vmem>>, vector<16xf32>,
        %parallel_loop3A_581 = arith.addf %parallel_loop3A_574, %parallel_loop3A_580 : vector<16xf32>
        %parallel_loop3A_582 = arith.index_cast %parallel_loop3A_578 : i32 to index
        %parallel_loop3A_583 = tpu.vector_load %arg7[%parallel_loop3A_582] {strides = array<i32>} : memref<8448xf32, #tpu.memory_space<vmem>>, vector<16xf32>,
        tpu.vector_store %arg7[%parallel_loop3A_582], %broadcast_in_dim3A_13 {strides = array<i32>} : memref<8448xf32, #tpu.memory_space<vmem>>, vector<16xf32>,
        %parallel_loop3A_584 = arith.constant 5808 : i32
        %parallel_loop3A_585 = arith.addi %parallel_loop3A_584, %parallel_loop3A_509 : i32
        %parallel_loop3A_586 = arith.index_cast %parallel_loop3A_585 : i32 to index
        %parallel_loop3A_587 = tpu.vector_load %arg7[%parallel_loop3A_586] {strides = array<i32>} : memref<8448xf32, #tpu.memory_space<vmem>>, vector<16xf32>,
        %parallel_loop3A_588 = arith.addf %parallel_loop3A_581, %parallel_loop3A_587 : vector<16xf32>
        %parallel_loop3A_589 = arith.index_cast %parallel_loop3A_585 : i32 to index
        %parallel_loop3A_590 = tpu.vector_load %arg7[%parallel_loop3A_589] {strides = array<i32>} : memref<8448xf32, #tpu.memory_space<vmem>>, vector<16xf32>,
        tpu.vector_store %arg7[%parallel_loop3A_589], %broadcast_in_dim3A_13 {strides = array<i32>} : memref<8448xf32, #tpu.memory_space<vmem>>, vector<16xf32>,
        %parallel_loop3A_591 = arith.constant 6336 : i32
        %parallel_loop3A_592 = arith.addi %parallel_loop3A_591, %parallel_loop3A_509 : i32
        %parallel_loop3A_593 = arith.index_cast %parallel_loop3A_592 : i32 to index
        %parallel_loop3A_594 = tpu.vector_load %arg7[%parallel_loop3A_593] {strides = array<i32>} : memref<8448xf32, #tpu.memory_space<vmem>>, vector<16xf32>,
        %parallel_loop3A_595 = arith.addf %parallel_loop3A_588, %parallel_loop3A_594 : vector<16xf32>
        %parallel_loop3A_596 = arith.index_cast %parallel_loop3A_592 : i32 to index
        %parallel_loop3A_597 = tpu.vector_load %arg7[%parallel_loop3A_596] {strides = array<i32>} : memref<8448xf32, #tpu.memory_space<vmem>>, vector<16xf32>,
        tpu.vector_store %arg7[%parallel_loop3A_596], %broadcast_in_dim3A_13 {strides = array<i32>} : memref<8448xf32, #tpu.memory_space<vmem>>, vector<16xf32>,
        %parallel_loop3A_598 = arith.constant 6864 : i32
        %parallel_loop3A_599 = arith.addi %parallel_loop3A_598, %parallel_loop3A_509 : i32
        %parallel_loop3A_600 = arith.index_cast %parallel_loop3A_599 : i32 to index
        %parallel_loop3A_601 = tpu.vector_load %arg7[%parallel_loop3A_600] {strides = array<i32>} : memref<8448xf32, #tpu.memory_space<vmem>>, vector<16xf32>,
        %parallel_loop3A_602 = arith.addf %parallel_loop3A_595, %parallel_loop3A_601 : vector<16xf32>
        %parallel_loop3A_603 = arith.index_cast %parallel_loop3A_599 : i32 to index
        %parallel_loop3A_604 = tpu.vector_load %arg7[%parallel_loop3A_603] {strides = array<i32>} : memref<8448xf32, #tpu.memory_space<vmem>>, vector<16xf32>,
        tpu.vector_store %arg7[%parallel_loop3A_603], %broadcast_in_dim3A_13 {strides = array<i32>} : memref<8448xf32, #tpu.memory_space<vmem>>, vector<16xf32>,
        %parallel_loop3A_605 = arith.constant 7392 : i32
        %parallel_loop3A_606 = arith.addi %parallel_loop3A_605, %parallel_loop3A_509 : i32
        %parallel_loop3A_607 = arith.index_cast %parallel_loop3A_606 : i32 to index
        %parallel_loop3A_608 = tpu.vector_load %arg7[%parallel_loop3A_607] {strides = array<i32>} : memref<8448xf32, #tpu.memory_space<vmem>>, vector<16xf32>,
        %parallel_loop3A_609 = arith.addf %parallel_loop3A_602, %parallel_loop3A_608 : vector<16xf32>
        %parallel_loop3A_610 = arith.index_cast %parallel_loop3A_606 : i32 to index
        %parallel_loop3A_611 = tpu.vector_load %arg7[%parallel_loop3A_610] {strides = array<i32>} : memref<8448xf32, #tpu.memory_space<vmem>>, vector<16xf32>,
        tpu.vector_store %arg7[%parallel_loop3A_610], %broadcast_in_dim3A_13 {strides = array<i32>} : memref<8448xf32, #tpu.memory_space<vmem>>, vector<16xf32>,
        %parallel_loop3A_612 = arith.constant 7920 : i32
        %parallel_loop3A_613 = arith.addi %parallel_loop3A_612, %parallel_loop3A_509 : i32
        %parallel_loop3A_614 = arith.index_cast %parallel_loop3A_613 : i32 to index
        %parallel_loop3A_615 = tpu.vector_load %arg7[%parallel_loop3A_614] {strides = array<i32>} : memref<8448xf32, #tpu.memory_space<vmem>>, vector<16xf32>,
        %parallel_loop3A_616 = arith.addf %parallel_loop3A_609, %parallel_loop3A_615 : vector<16xf32>
        %parallel_loop3A_617 = arith.index_cast %parallel_loop3A_613 : i32 to index
        %parallel_loop3A_618 = tpu.vector_load %arg7[%parallel_loop3A_617] {strides = array<i32>} : memref<8448xf32, #tpu.memory_space<vmem>>, vector<16xf32>,
        tpu.vector_store %arg7[%parallel_loop3A_617], %broadcast_in_dim3A_13 {strides = array<i32>} : memref<8448xf32, #tpu.memory_space<vmem>>, vector<16xf32>,
        %parallel_loop3A_619 = arith.constant 15 : i32
        %parallel_loop3A_620 = vector.broadcast %parallel_loop3A_619 : i32 to vector<16xi32>
        %parallel_loop3A_621 = tpu.iota {dimensions = array<i32: 0>} : vector<16xi32>
        %parallel_loop3A_622 = arith.subi %parallel_loop3A_620, %parallel_loop3A_621 : vector<16xi32>
        %parallel_loop3A_623 = tpu.dynamic_gather %parallel_loop3A_616[%parallel_loop3A_622] in [0] : vector<16xf32>, vector<16xi32> -> vector<16xf32>
        %parallel_loop3A_624 = arith.constant true
        %parallel_loop3A_625 = vector.broadcast %parallel_loop3A_624 : i1 to vector<16xi1>
        %parallel_loop3A_626 = tpu.scan <sum>, %parallel_loop3A_623 masked %parallel_loop3A_625 : vector<16xf32>, vector<16xi1> -> vector<16xf32>
        %parallel_loop3A_627 = arith.subf %parallel_loop3A_626, %parallel_loop3A_623 : vector<16xf32>
        %parallel_loop3A_628 = vector.broadcast %parallel_loop3A_505 : f32 to vector<16xf32>
        %parallel_loop3A_629 = arith.addf %parallel_loop3A_627, %parallel_loop3A_628 : vector<16xf32>
        %parallel_loop3A_630 = vector.broadcast %scan3A_28 : f32 to vector<16xf32>
        %parallel_loop3A_631 = arith.subf %parallel_loop3A_630, %parallel_loop3A_629 : vector<16xf32>
        %parallel_loop3A_632 = arith.constant 0.000000e+00 : f32
        %parallel_loop3A_633 = vector.broadcast %parallel_loop3A_632 : f32 to vector<16xf32>
        %parallel_loop3A_634 = arith.maximumf %parallel_loop3A_633, %parallel_loop3A_631 : vector<16xf32>
        %parallel_loop3A_635 = arith.minimumf %parallel_loop3A_623, %parallel_loop3A_634 : vector<16xf32>
        %parallel_loop3A_636 = vector.broadcast %squeeze3A : f32 to vector<16xf32>
        %parallel_loop3A_637 = arith.mulf %parallel_loop3A_636, %parallel_loop3A_629 : vector<16xf32>
        %parallel_loop3A_638 = math.exp %parallel_loop3A_637 : vector<16xf32>
        %parallel_loop3A_639 = arith.addf %parallel_loop3A_629, %parallel_loop3A_635 : vector<16xf32>
        %parallel_loop3A_640 = vector.broadcast %squeeze3A : f32 to vector<16xf32>
        %parallel_loop3A_641 = arith.mulf %parallel_loop3A_640, %parallel_loop3A_639 : vector<16xf32>
        %parallel_loop3A_642 = math.exp %parallel_loop3A_641 : vector<16xf32>
        %parallel_loop3A_643 = arith.subf %parallel_loop3A_638, %parallel_loop3A_642 : vector<16xf32>
        %parallel_loop3A_644 = vector.broadcast %squeeze3A_5 : f32 to vector<16xf32>
        %parallel_loop3A_645 = arith.mulf %parallel_loop3A_643, %parallel_loop3A_644 : vector<16xf32>
        %parallel_loop3A_646 = arith.sitofp %parallel_loop3A_509 : i32 to f32
        %parallel_loop3A_647 = vector.broadcast %parallel_loop3A_646 : f32 to vector<16xf32>
        %parallel_loop3A_648 = arith.addf %parallel_loop3A_647, %sub3A_15 : vector<16xf32>
        %parallel_loop3A_649 = vector.broadcast %mul3A_288 : f32 to vector<16xf32>
        %parallel_loop3A_650 = arith.mulf %parallel_loop3A_648, %parallel_loop3A_649 : vector<16xf32>
        %parallel_loop3A_651 = vector.broadcast %neg3A_275 : f32 to vector<16xf32>
        %parallel_loop3A_652 = arith.addf %parallel_loop3A_651, %parallel_loop3A_650 : vector<16xf32>
        %parallel_loop3A_653 = arith.mulf %parallel_loop3A_645, %parallel_loop3A_652 : vector<16xf32>
        %parallel_loop3A_654 = arith.addf %parallel_loop3A_504, %parallel_loop3A_653 : vector<16xf32>
        %parallel_loop3A_655 = vector.extract_strided_slice %parallel_loop3A_626 {offsets = [15], sizes = [1], strides = [1]} : vector<16xf32> to vector<1xf32>
        %parallel_loop3A_656 = vector.extract %parallel_loop3A_655[0] : f32 from vector<1xf32>
        %parallel_loop3A_657 = arith.addf %parallel_loop3A_505, %parallel_loop3A_656 : f32
        scf.yield %parallel_loop3A_654, %parallel_loop3A_657 : vector<16xf32>, f32
      } {sc.loop_unroll_factor = 2 : i64, sc.parallel_access}
      %reduce_sum3A_425 = arith.constant true
      %reduce_sum3A_426 = vector.broadcast %reduce_sum3A_425 : i1 to vector<16xi1>
      %reduce_sum3A_427 = tpu.scan <sum>, %parallel_loop3A_424#0 masked %reduce_sum3A_426 : vector<16xf32>, vector<16xi1> -> vector<16xf32>
      %reduce_sum3A_428 = vector.extract %reduce_sum3A_427[15] : f32 from vector<16xf32>
      %mul3A_429 = arith.mulf %reduce_sum3A_428, %squeeze3A_7 : f32
      %mul3A_430 = arith.constant 2 : i32
      %mul3A_431 = arith.muli %mul3A_430, %scan3A_35 : i32
      %jit3A_432 = arith.constant 16 : i32
      %eq3A_433 = arith.constant 0 : i32
      %eq3A_434 = arith.cmpi eq, %jit3A_432, %eq3A_433 : i32
      %jit3A_435 = arith.constant 1 : i32
      %select_n3A_436 = arith.select %eq3A_434, %jit3A_435, %jit3A_432 : i32
      %rem3A = arith.remsi %mul3A_431, %select_n3A_436 : i32
      %ne3A = arith.constant 0 : i32
      %ne3A_437 = arith.cmpi ne, %rem3A, %ne3A : i32
      %lt3A_438 = arith.constant 0 : i32
      %lt3A_439 = arith.cmpi slt, %rem3A, %lt3A_438 : i32
      %lt3A_440 = arith.constant 0 : i32
      %lt3A_441 = arith.cmpi slt, %select_n3A_436, %lt3A_440 : i32
      %ne3A_442 = arith.xori %lt3A_439, %lt3A_441 : i1
      %and3A = arith.andi %ne3A_442, %ne3A_437 : i1
      %add3A_443 = arith.addi %rem3A, %select_n3A_436 : i32
      %select_n3A_444 = arith.select %and3A, %add3A_443, %rem3A : i32
      %eq3A_445 = vector.broadcast %select_n3A_444 : i32 to vector<16xi32>
      %eq3A_446 = arith.cmpi eq, %iota3A, %eq3A_445 : vector<16xi32>
      %jit3A_447 = arith.constant 0.000000e+00 : f32
      %broadcast_in_dim3A_448 = vector.broadcast %mul3A_229 : f32 to vector<16xf32>
      %broadcast_in_dim3A_449 = vector.broadcast %jit3A_447 : f32 to vector<16xf32>
      %select_n3A_450 = arith.select %eq3A_446, %broadcast_in_dim3A_448, %broadcast_in_dim3A_449 : vector<16xi1>, vector<16xf32>
      %add3A_451 = arith.addf %scan3A_36, %select_n3A_450 : vector<16xf32>
      %add3A_452 = arith.constant 1 : i32
      %add3A_453 = arith.addi %select_n3A_444, %add3A_452 : i32
      %eq3A_454 = vector.broadcast %add3A_453 : i32 to vector<16xi32>
      %eq3A_455 = arith.cmpi eq, %iota3A, %eq3A_454 : vector<16xi32>
      %jit3A_456 = arith.constant 0.000000e+00 : f32
      %broadcast_in_dim3A_457 = vector.broadcast %mul3A_429 : f32 to vector<16xf32>
      %broadcast_in_dim3A_458 = vector.broadcast %jit3A_456 : f32 to vector<16xf32>
      %select_n3A_459 = arith.select %eq3A_455, %broadcast_in_dim3A_457, %broadcast_in_dim3A_458 : vector<16xi1>, vector<16xf32>
      %add3A_460 = arith.addf %add3A_451, %select_n3A_459 : vector<16xf32>
      %jit3A_461 = arith.constant 8 : i32
      %eq3A_462 = arith.constant 0 : i32
      %eq3A_463 = arith.cmpi eq, %jit3A_461, %eq3A_462 : i32
      %jit3A_464 = arith.constant 1 : i32
      %select_n3A_465 = arith.select %eq3A_463, %jit3A_464, %jit3A_461 : i32
      %rem3A_466 = arith.remsi %scan3A_35, %select_n3A_465 : i32
      %ne3A_467 = arith.constant 0 : i32
      %ne3A_468 = arith.cmpi ne, %rem3A_466, %ne3A_467 : i32
      %lt3A_469 = arith.constant 0 : i32
      %lt3A_470 = arith.cmpi slt, %rem3A_466, %lt3A_469 : i32
      %lt3A_471 = arith.constant 0 : i32
      %lt3A_472 = arith.cmpi slt, %select_n3A_465, %lt3A_471 : i32
      %ne3A_473 = arith.xori %lt3A_470, %lt3A_472 : i1
      %and3A_474 = arith.andi %ne3A_473, %ne3A_468 : i1
      %add3A_475 = arith.addi %rem3A_466, %select_n3A_465 : i32
      %select_n3A_476 = arith.select %and3A_474, %add3A_475, %rem3A_466 : i32
      %eq3A_477 = arith.constant 7 : i32
      %eq3A_478 = arith.cmpi eq, %select_n3A_476, %eq3A_477 : i32
      %convert_element_type3A_479 = arith.extui %eq3A_478 : i1 to i32
      %cond3A_480 = arith.constant 0 : i32
      %cond3A_481 = arith.cmpi ne, %convert_element_type3A_479, %cond3A_480 : i32
      scf.if %cond3A_481 {
        %sub3A_503 = arith.constant 7 : i32
        %sub3A_504 = arith.subi %scan3A_35, %sub3A_503 : i32
        %mul3A_505 = arith.constant 2 : i32
        %mul3A_506 = arith.muli %sub3A_504, %mul3A_505 : i32
        %swap3A_507 = arith.index_cast %mul3A_506 : i32 to index
        %swap3A_508 = tpu.vector_load %arg8[%swap3A_507] {strides = array<i32>} : memref<48xf32, #tpu.memory_space<vmem>>, vector<16xf32>,
        tpu.vector_store %arg8[%swap3A_507], %add3A_460 {strides = array<i32>} : memref<48xf32, #tpu.memory_space<vmem>>, vector<16xf32>,
      } else {
      }
      %jit3A_482 = arith.constant 8 : i32
      %eq3A_483 = arith.constant 0 : i32
      %eq3A_484 = arith.cmpi eq, %jit3A_482, %eq3A_483 : i32
      %jit3A_485 = arith.constant 1 : i32
      %select_n3A_486 = arith.select %eq3A_484, %jit3A_485, %jit3A_482 : i32
      %rem3A_487 = arith.remsi %scan3A_35, %select_n3A_486 : i32
      %ne3A_488 = arith.constant 0 : i32
      %ne3A_489 = arith.cmpi ne, %rem3A_487, %ne3A_488 : i32
      %lt3A_490 = arith.constant 0 : i32
      %lt3A_491 = arith.cmpi slt, %rem3A_487, %lt3A_490 : i32
      %lt3A_492 = arith.constant 0 : i32
      %lt3A_493 = arith.cmpi slt, %select_n3A_486, %lt3A_492 : i32
      %ne3A_494 = arith.xori %lt3A_491, %lt3A_493 : i1
      %and3A_495 = arith.andi %ne3A_494, %ne3A_489 : i1
      %add3A_496 = arith.addi %rem3A_487, %select_n3A_486 : i32
      %select_n3A_497 = arith.select %and3A_495, %add3A_496, %rem3A_487 : i32
      %eq3A_498 = arith.constant 7 : i32
      %eq3A_499 = arith.cmpi eq, %select_n3A_497, %eq3A_498 : i32
      %broadcast_in_dim3A_500 = arith.constant 0.000000e+00 : f32
      %broadcast_in_dim3A_501 = vector.broadcast %broadcast_in_dim3A_500 : f32 to vector<16xf32>
      %select_n3A_502 = arith.select %eq3A_499, %broadcast_in_dim3A_501, %add3A_460 : vector<16xf32>
      scf.yield %select_n3A_502 : vector<16xf32>
    }
    %scan3A_34 = arith.constant 24 : i32
    "tpu.region"() ({
      %run_scoped3A = tpu.sem_alloc : memref<!tpu.dma_semaphore, #tpu.memory_space<semaphore_mem>>
      %dma_start3A_35 = tpu.memref_slice %arg4[%mul3A_2] : memref<1536xf32, #tpu.memory_space<hbm>> -> memref<48xf32, #tpu.memory_space<hbm>>
      %dma_start3A_36 = tpu.memref_slice %arg4[%mul3A_2] : memref<1536xf32, #tpu.memory_space<hbm>> -> memref<48xf32, #tpu.memory_space<hbm>>
      tpu.enqueue_dma source(%arg8 : memref<48xf32, #tpu.memory_space<vmem>>) target(%dma_start3A_36 : memref<48xf32, #tpu.memory_space<hbm>>) target_semaphore(%run_scoped3A : memref<!tpu.dma_semaphore, #tpu.memory_space<semaphore_mem>>)
      %dma_wait3A = tpu.memref_slice %arg4[%mul3A_2] : memref<1536xf32, #tpu.memory_space<hbm>> -> memref<48xf32, #tpu.memory_space<hbm>>
      %dma_wait3A_37 = tpu.memref_slice %arg4[%mul3A_2] : memref<1536xf32, #tpu.memory_space<hbm>> -> memref<48xf32, #tpu.memory_space<hbm>>
      tpu.wait_dma2 semaphore(%run_scoped3A : memref<!tpu.dma_semaphore, #tpu.memory_space<semaphore_mem>>) src(%arg8 : memref<48xf32, #tpu.memory_space<vmem>>) dst(%dma_wait3A_37 : memref<48xf32, #tpu.memory_space<hbm>>)
      tpu.yield
    }) : () -> ()
    return
  }
}

</mosaic_0001>

<sc_bundles>
// kernel: kernel.3.cloned.1.call-start
scs
__scs_entry_jumppad:
0x0: {  	(pc) =	sbr.rel $0x88, $3  }
0x1: {  	(tag) =	ssettag $0x0;
	lr =	simm.s32 $0x1  }
0x2: {  	[smem:$0x3F9F] =	sst lr;
	_ =	strace $0xD0000000  }
0x3: {  	_ = 	snop  }
0x4: {  	_ = 	snop  }
0x5: {  	_ = 	snop  }
0x6: {  	_ = 	snop  }
0x7: {  	_ = 	snop  }
__scs_overlays_trampoline_lowered:
0x8: {  	[smem:$0x3FAE] =	sst s0  }
0x9: {  	[smem:$0x3FAF] =	sst s1  }
0xa: {  	[smem:$0x3FB0] =	sst s2  }
0xb: {  	[smem:$0x3FB1] =	sst s3  }
0xc: {  	[smem:$0x3FB2] =	sst s4  }
0xd: {  	[smem:$0x3FB3] =	sst s5  }
0xe: {  	[smem:$0x3FB4] =	sst s6  }
0xf: {  	[smem:$0x3FB5] =	sst s7  }
0x10: {  	[smem:$0x3FB6] =	sst s8  }
0x11: {  	[smem:$0x3FB7] =	sst s9;
	s0 =	simm.s32 @!p0 $0x0  }
0x12: {  	s1 =	sld [smem:$0x3F9D];
	s0 =	simm.s32 @p0 $0x1  }
0x13: {  	[smem:$0x3FB8] =	sst s0;
	s0 =	simm.s32 @!p1 $0x0  }
0x14: {  	s2 =	sld [smem:$0x3F9C];
	s0 =	simm.s32 @p1 $0x1  }
0x15: {  	[smem:$0x3FB9] =	sst s0;
	s0 =	simm.s32 @!p2 $0x0  }
0x16: {  	s3 =	sld [smem:$0x3FDB];
	s0 =	simm.s32 @p2 $0x1  }
0x17: {  	s4 =	simm.s32 $0x1BF5;
	[smem:$0x3FBB] =	sst s0  }
0x18: {  	s0 =	sld [smem:$0x3F9E];
	_ =	swait.ge [sflag:s4], $0x0  }
0x19: {  	s7 =	sld [smem:$0x3F9F]  }
0x1a: {  	s8 =	sadd.s32 $0xFFFFE003, lr  }
0x1b: {  	s9 =	sadd.s32 $0xFFFFFEF7, lr;
	s5 =	simm.s32 $0xFFFFFFFF;
	p2 =	slt.u32 s8, $0xFFFFF086  }
0x1c: {  	p1 =	slt.u32 s9, $0xF7A;
	s5 =	simm.s32 @!p2 $0x0  }
0x1d: {  	s5 =	simm.s32 @p1 $0x1;
	p0 =	seq.s32 s7, s2  }
0x1e: {  	s7 =	smul.u32 @!p0 $0xF7A, s2;
	p2 =	seq.s32 @!p0 s5, $0x0  }
0x1f: {  	s9 =	smul.u32 $0xF7A, s1;
	s8 =	simm.s32 @!p0 $0x1BF5;
	p2 =	por !p2, p0  }
0x20: {  	[sflag:s8] =	ssyncset.s32 @!p0 $0xFFFFF086;
	s6 =	sadd.s32 @!p0 s3, s7;
	s7 =	simm.s32 @!p0 $0x108  }
0x21: {  	s3 =	sadd.s32 s3, s9;
	s6 =	sadd.s32 @!p0 $0x88, s6;
	s7 =	simm.s32 @p2 $0x1082  }
0x22: {  	[simem:s7], [sflag:s8] =	dma.local @!p0 [hbm:s6], $0xF7A  }
0x23: {  	s9 =	sor.u32 $0xD0000000, s2;
	s6 =	simm.s32 $0x108;
	_ =	swait.ge @!p0 [sflag:s8], $0x0  }
0x24: {  	s3 =	sadd.s32 $0x88, s3;
	s6 =	simm.s32 @!p1 $0x1082;
	[sflag:s4] =	ssyncset.s32 $0xFFFFF086  }
0x25: {  	[simem:s6], [sflag:s4] =	dma.local [hbm:s3], $0xF7A  }
0x26: {  	[smem:$0x3F9F] =	sst s1;
	(tag) =	ssettag s2;
	_ =	strace s9  }
0x27: {  	s1 =	sld [smem:$0x3FAF]  }
0x28: {  	s2 =	sld [smem:$0x3FB0]  }
0x29: {  	s4 =	sld [smem:$0x3FB2]  }
0x2a: {  	p0 =	seq.s32 s5, $0x0;
	s5 =	sld [smem:$0x3FB3]  }
0x2b: {  	s6 =	sld [smem:$0x3FB4]  }
0x2c: {  	s7 =	sld [smem:$0x3FB5]  }
0x2d: {  	s3 =	simm.s32 $0x108;
	s8 =	sld [smem:$0x3FB6]  }
0x2e: {  	s3 =	simm.s32 @!p0 $0x1082;
	s9 =	sld [smem:$0x3FB7]  }
0x2f: {  	lr =	sadd.s32 s0, s3;
	s0 =	sld [smem:$0x3FAE]  }
0x30: {  	s3 =	sld [smem:$0x3FB1]  }
0x31: {  	[smem:$0x3FBA] =	sst s10  }
0x32: {  	s10 =	sld [smem:$0x3FB8];
	_ =	sdelay $0x3  }
0x33: {  	p0 =	seq.s32 s10, $0x1;
	s10 =	sld [smem:$0x3FBA];
	_ =	sdelay $0x3  }
0x34: {  	[smem:$0x3FBA] =	sst s10  }
0x35: {  	s10 =	sld [smem:$0x3FB9];
	_ =	sdelay $0x3  }
0x36: {  	p1 =	seq.s32 s10, $0x1;
	s10 =	sld [smem:$0x3FBA];
	_ =	sdelay $0x3  }
0x37: {  	[smem:$0x3FBA] =	sst s10  }
0x38: {  	s10 =	sld [smem:$0x3FBB]  }
0x39: {  	_ = 	snop;
	(pc) =	sbr.ind lr, $3  }
0x3a: {  	_ = 	snop  }
0x3b: {  	_ = 	snop  }
0x3c: {  	p2 =	seq.s32 s10, $0x1;
	s10 =	sld [smem:$0x3FBA]  }
0x3d: {  	_ =	shalt  }
0x3e: {  	_ =	shalt  }
0x3f: {  	_ =	shalt  }
0x40: {  	_ =	shalt  }
0x41: {  	_ =	shalt  }
0x42: {  	_ =	shalt  }
0x43: {  	_ =	shalt  }
0x44: {  	_ =	shalt  }
0x45: {  	_ =	shalt  }
0x46: {  	_ =	shalt  }
0x47: {  	_ =	shalt  }
0x48: {  	_ =	shalt  }
0x49: {  	_ =	shalt  }
0x4a: {  	_ =	shalt  }
0x4b: {  	_ =	shalt  }
0x4c: {  	_ =	shalt  }
0x4d: {  	_ =	shalt  }
0x4e: {  	_ =	shalt  }
0x4f: {  	_ =	shalt  }
0x50: {  	_ =	shalt  }
0x51: {  	_ =	shalt  }
0x52: {  	_ =	shalt  }
0x53: {  	_ =	shalt  }
0x54: {  	_ =	shalt  }
0x55: {  	_ =	shalt  }
0x56: {  	_ =	shalt  }
0x57: {  	_ =	shalt  }
0x58: {  	_ =	shalt  }
0x59: {  	_ =	shalt  }
0x5a: {  	_ =	shalt  }
0x5b: {  	_ =	shalt  }
0x5c: {  	_ =	shalt  }
0x5d: {  	_ =	shalt  }
0x5e: {  	_ =	shalt  }
0x5f: {  	_ =	shalt  }
0x60: {  	_ =	shalt  }
0x61: {  	_ =	shalt  }
0x62: {  	_ =	shalt  }
0x63: {  	_ =	shalt  }
0x64: {  	_ =	shalt  }
0x65: {  	_ =	shalt  }
0x66: {  	_ =	shalt  }
0x67: {  	_ =	shalt  }
0x68: {  	_ =	shalt  }
0x69: {  	_ =	shalt  }
0x6a: {  	_ =	shalt  }
0x6b: {  	_ =	shalt  }
0x6c: {  	_ =	shalt  }
0x6d: {  	_ =	shalt  }
0x6e: {  	_ =	shalt  }
0x6f: {  	_ =	shalt  }
0x70: {  	_ =	shalt  }
0x71: {  	_ =	shalt  }
0x72: {  	_ =	shalt  }
0x73: {  	_ =	shalt  }
0x74: {  	_ =	shalt  }
0x75: {  	_ =	shalt  }
0x76: {  	_ =	shalt  }
0x77: {  	_ =	shalt  }
0x78: {  	_ =	shalt  }
0x79: {  	_ =	shalt  }
0x7a: {  	_ =	shalt  }
0x7b: {  	_ =	shalt  }
0x7c: {  	_ =	shalt  }
0x7d: {  	_ =	shalt  }
0x7e: {  	_ =	shalt  }
0x7f: {  	_ =	shalt  }
0x80: {  	_ =	shalt  }
0x81: {  	_ =	shalt  }
0x82: {  	_ =	shalt  }
0x83: {  	_ =	shalt  }
0x84: {  	_ =	shalt  }
0x85: {  	_ =	shalt  }
0x86: {  	_ =	shalt  }
0x87: {  	_ =	shalt  }
.Lfunc_end0:
.L_simem_size_0:
called_computation_lowered:
.L_overlay_start_0:
0x88: {  	s2 =	sld [smem:$0x3FD9]  }
0x89: {  	s3 =	sld [smem:$0x3FFE];
	_ =	sdelay $0x1  }
0x8a: {  	s1 =	srdreg.scid  }
0x8b: {  	s0 =	sand.u32 $0x1, s1  }
0x8c: {  	s17 =	sshll.u32 s0, $0xA;
	s2 =	sadd.s32 s3, s2  }
0x8d: {  	s2 =	sadd.s32 s2, s17  }
0x8e: {  	[smem:$0x3FC6] =	sst s2  }
0x8f: {  	_ = 	snop  }
0x90: {  	s2 =	sld [smem:$0x3FC9]  }
0x91: {  	s18 =	sld [smem:$0x3FD0];
	(tm) =	ssettm $0x1  }
0x92: {  	s4 =	sld [smem:$0x3FFB];
	_ =	sdelay $0x3  }
0x93: {  	_ =	strace s4  }
0x94: {  	s4 =	sld [smem:$0x3FFC];
	_ =	sdelay $0x3  }
0x95: {  	_ =	strace s4  }
0x96: {  	s4 =	sld [smem:$0x3FFD];
	_ =	sdelay $0x3  }
0x97: {  	_ =	strace s4  }
0x98: {  	_ =	strace $0x8FFFFFFF  }
0x99: {  	s19 =	sld [smem:$0x3FDB];
	_ =	sdelay $0x1  }
0x9a: {  	s5 =	simm.s32 $_scs_section_size  }
0x9b: {  	s6 =	simm.s32 $_size__tile_overlayer_lowered;
	s7 =	simm.s32 $_tile_overlayer_lowered  }
0x9c: {  	s22 =	simm.s32 $0x1BFF;
	s21 =	sshll.u32 s7, $0x1;
	s4 =	sadd.s32 s5, s19  }
0x9d: {  	s8 =	simm.s32 $0x0;
	s20 =	sshll.u32 s6, $0x1;
	s6 =	sadd.s32 s21, s4  }
0x9e: {  	[timem:s8], [sflag:s22] =	dma.local [hbm:s6], s20  }
0x9f: {  	_ =	swait.ge [sflag:s22], s20  }
0xa0: {  	s5 =	ssub.s32 $0x0, s20;
	[sflag:s22] =	ssyncset.done $0x0  }
0xa1: {  	[sflag:s22] =	ssyncadd.s32 s5;
	_ =	sdelay $0x1  }
0xa2: {  	s23 =	simm.s32 $0x1B8B  }
0xa3: {  	_ =	swait.ge [sflag:s23], $0x1  }
0xa4: {  	[sflag:s23] =	ssyncset.done $0x0  }
0xa5: {  	s25 =	simm.s32 $0x1B8E;
	s24 =	sld [smem:$0x3FFE];
	[sflag:s23] =	ssyncadd.s32 $0xFFFFFFFF  }
0xa6: {  	s26 =	simm.s32 $execute0_lowered;
	[smem:$0x3FD2] =	sst s25  }
0xa7: {  	s6 =	sshll.u32 s26, $0x1;
	_ =	strace $0x80000046;
	[dreg:$0x1] =	wrdreg $0xFFFFFFFF  }
0xa8: {  	s28 =	simm.s32 $_size_execute0_lowered;
	s4 =	sadd.s32 s4, s6;
	[dreg:$0x0] =	wrdreg $0x0  }
0xa9: {  	s6 =	sshll.u32 s28, $0x1;
	[dreg:$0x2] =	wrdreg s4  }
0xaa: {  	[dreg:$0x3] =	wrdreg s6  }
0xab: {  	[dreg:$0x4] =	wrdreg $0xC0  }
0xac: {  	_ =	task [dreg:s8], $0x5FFFF  }
0xad: {  	[dreg:$0x1] =	wrdreg $0xFFFFFFFF  }
0xae: {  	[dreg:$0x0] =	wrdreg $0x60  }
0xaf: {  	[dreg:$0x2] =	wrdreg s2  }
0xb0: {  	[dreg:$0x3] =	wrdreg s18  }
0xb1: {  	[dreg:$0x4] =	wrdreg s24  }
0xb2: {  	[dreg:$0x5] =	wrdreg $0x9  }
0xb3: {  	_ =	task.clear_ibuf [dreg:s8], $0x6FFFF;
	_ =	strace $0x90000046  }
0xb4: {  	s29 =	simm.s32 $0x9;
	_ =	strace $0x80000048  }
0xb5: {  	_ =	swait.ge [sflag:s29], $0x1  }
0xb6: {  	[sflag:s29] =	ssyncadd.s32 $0xFFFFFFFF  }
0xb7: {  	_ =	strace $0x90000048  }
0xb8: {  	_ =	sfence  }
0xb9: {  	s30 =	sld [smem:$0x0];
	_ =	sdelay $0x2  }
0xba: {  	s31 =	sshll.u32 s1, $0xD;
	s1 =	sshrl.u32 s1, $0x2  }
0xbb: {  	s3 =	sand.u32 $0x4000, s31;
	s1 =	sadd.s32 s1, s30  }
0xbc: {  	s0 =	sor.u32 s3, s0;
	s1 =	sshll.u32 s1, $0x11  }
0xbd: {  	s0 =	sor.u32 s1, s0  }
0xbe: {  	s0 =	sadd.s32 $0x8F2B, s0  }
0xbf: {  	[sflag:s0] =	ssyncadd.remote.s32 $0x1  }
0xc0: {  	_ =	sfence.sel $0xFFFF  }
0xc1: {  	[dreg:$0x0] =	wrdreg $0xFFFFFFFF;
	(pc) =	sbr.abs _section_cstart, $3  }
0xc2: {  	[dreg:$0x1] =	wrdreg $0xFFFFFFFF  }
0xc3: {  	_ =	task.clear_ibuf [dreg:s8], $0x2FFFF;
	_ =	strace $0x9FFFFFFF  }
0xc4: {  	(tm) =	ssettm $0x7FFFFFFF  }
0xc5: {  	_ =	shalt  }
tec
execute0_lowered:
.L_overlay_start_1:
0x0: {  	(tag) =	ssettag $0x1  }
0x1: {  	v0 =	vimm.f32 $1.259083200e+07;
	vm0 =	vcmask $0x300  }
0x2: {  	vm1 =	vcmask $0x704;
	v1 =	vsel vm0, $0x4B400000, v0  }
0x3: {  	vm2 =	vcmask $0xB08;
	v0 =	vimm.f32 $0.0e+00;
	v1 =	vsel vm1, $0x4B400210, v1  }
0x4: {  	vm3 =	vcmask $0xF0C;
	v2 =	vsel vm0, $0x41700000, v0;
	v1 =	vsel vm2, $0x4B400420, v1  }
0x5: {  	vm0 =	vcmask $0x1310;
	v2 =	vsel vm1, $0x41600000, v2;
	v1 =	vsel vm3, $0x4B400630, v1  }
0x6: {  	vm1 =	vcmask $0x1714;
	v2 =	vsel vm2, $0x41500000, v2;
	v1 =	vsel vm0, $0x4B400840, v1  }
0x7: {  	vm2 =	vcmask $0x1B18;
	v2 =	vsel vm3, $0x41400000, v2;
	v1 =	vsel vm1, $0x4B400A50, v1  }
0x8: {  	s0 =	rddreg [dreg:$0x0];
	vm3 =	vcmask $0x1F1C;
	v2 =	vsel vm0, $0x41300000, v2;
	v1 =	vsel vm2, $0x4B400C60, v1  }
0x9: {  	s3 =	srdreg.scid;
	s2 =	rddreg [dreg:$0x1];
	vm0 =	vcmask $0x2320;
	v2 =	vsel vm1, $0x41200000, v2;
	v1 =	vsel vm3, $0x4B400E70, v1  }
0xa: {  	s1 =	stileid.u32;
	s7 =	rddreg [dreg:$0x2];
	s4 =	simm.s32 $0x0;
	vm1 =	vcmask $0x2724;
	v2 =	vsel vm2, $0x41100000, v2;
	v1 =	vsel vm0, $0x4B401080, v1  }
0xb: {  	s10 =	simm.s32 $0x3;
	s11 =	simm.s32 $0xE000;
	s12 =	simm.s32 $0x1;
	vm2 =	vcmask $0x2B28;
	v2 =	vsel vm3, $0x41000000, v2;
	v1 =	vsel vm1, $0x4B401290, v1  }
0xc: {  	s13 =	simm.s32 $0x1C000;
	s6 =	sand.u32 $0x1, s3;
	s30 =	sshll.u32 s1, $0x1;
	vm3 =	vcmask $0x2F2C;
	v2 =	vsel vm0, $0x40E00000, v2;
	v1 =	vsel vm2, $0x4B4014A0, v1  }
0xd: {  	s14 =	simm.s32 $0x2;
	s15 =	simm.s32 $0x1E100;
	s8 =	sor.u32 s6, s30;
	vm0 =	vcmask $0x3330;
	v2 =	vsel vm1, $0x40C00000, v2;
	v1 =	vsel vm3, $0x4B4016B0, v1  }
0xe: {  	s16 =	simm.s32 $0x0;
	s3 =	rddreg [dreg:$0x3];
	s5 =	smul.u32 $0x30, s8;
	vm1 =	vcmask $0x3734;
	v2 =	vsel vm2, $0x40A00000, v2;
	v1 =	vsel vm0, $0x4B4018C0, v1  }
0xf: {  	[smem:$0x7FF] =	sst s4;
	s6 =	ssub.s32 $0x2, s6;
	s8 =	smul.u32 $0x54000, s8;
	v2 =	vsel vm3, $0x40800000, v2;
	v3 =	vsel vm1, $0x4B401AD0, v1;
	v1 =	vlaneseq.u32  }
0x10: {  	_ =	strace $0x80000047;
	s31 =	sshrl.u32 s6, $0x1;
	s9 =	sshrl.u32 s5, $0x3;
	vm2 =	vcmask $0x3B38;
	v5 =	vsel vm0, $0x40400000, v2;
	v4 =	vmul.u32 $0xFFFFFFFF, v1  }
0x11: {  	s7 =	sadd.s32 s9, s7;
	s9 =	ssub.s32 s6, s31;
	s6 =	sadd.s32 s0, s8;
	vm0 =	vcmask $0x3B00;
	v2 =	vsel vm2, $0x4B401CE0, v3;
	v5 =	vsel vm1, $0x40000000, v5  }
0x12: {  	s7 =	sadd.s32 $0x200, s7;
	s8 =	smax.u32 s9, $0x1;
	s9 =	simm.s32 $0x1E180;
	v3 =	vimm.f32 $1.000000000e+00;
	v5 =	vsel vm2, $0x3F800000, v5;
	v4 =	vadd.s32 $0xF, v4  }
.LBB2_1:
0x13: {  	[tilespmem:s9], [sflag:$0x3] =	stream.linear.gather [hbm4b:s2+s4], $0x80, $0x38;
	[tilespmem:$0x1E200] =	vst v63  }
0x14: {  	_ =	swait.ge [sflag:s10], $0x80  }
0x15: {  	[sflag:s10] =	ssyncset.done $0x0  }
0x16: {  	s17 =	simm.s32 $0x1C080;
	[sflag:s10] =	ssyncadd.s32 $0xFFFFFF80  }
0x17: {  	v7 =	vld [tilespmem:$0x1E180];
	[tilespmem:s17+$0xFFFFFF80] =	vst v0  }
0x18: {  	[tilespmem:s17+$0x70] =	vst v0  }
0x19: {  	[tilespmem:s17+$0x60] =	vst v0  }
0x1a: {  	[tilespmem:s17+$0x50] =	vst v0  }
0x1b: {  	[tilespmem:s17+$0x40] =	vst v0  }
0x1c: {  	[tilespmem:s17+$0x30] =	vst v0  }
0x1d: {  	[tilespmem:s17+$0x20] =	vst v0  }
0x1e: {  	[tilespmem:s17+$0x10] =	vst v0  }
0x1f: {  	[tilespmem:s17+$0x0] =	vst v0  }
0x20: {  	[tilespmem:s17+$0xFFFFFFF0] =	vst v0  }
0x21: {  	[tilespmem:s17+$0xFFFFFFE0] =	vst v0  }
0x22: {  	[tilespmem:s17+$0xFFFFFFD0] =	vst v0  }
0x23: {  	[tilespmem:s17+$0xFFFFFFC0] =	vst v0  }
0x24: {  	[tilespmem:s17+$0xFFFFFFB0] =	vst v0  }
0x25: {  	s18 =	simm.s32 $0x0;
	[tilespmem:s17+$0xFFFFFFA0] =	vst v0  }
.LBB2_2:
0x26: {  	s18 =	sadd.s32 $0x100, s18;
	[tilespmem:s17+$0xFFFFFF90] =	vst v0;
	s17 =	sadd.s32 $0x100, s17  }
0x27: {  	[tilespmem:s17+$0xFFFFFF80] =	vst v0;
	p0 =	slt.u32 s18, $0x2000  }
0x28: {  	[tilespmem:s17+$0x70] =	vst v0  }
0x29: {  	[tilespmem:s17+$0x60] =	vst v0  }
0x2a: {  	[tilespmem:s17+$0x50] =	vst v0  }
0x2b: {  	[tilespmem:s17+$0x40] =	vst v0  }
0x2c: {  	[tilespmem:s17+$0x30] =	vst v0  }
0x2d: {  	[tilespmem:s17+$0x20] =	vst v0  }
0x2e: {  	[tilespmem:s17+$0x10] =	vst v0  }
0x2f: {  	[tilespmem:s17+$0x0] =	vst v0  }
0x30: {  	[tilespmem:s17+$0xFFFFFFF0] =	vst v0  }
.Ltmp0:
0x31: {  	[tilespmem:s17+$0xFFFFFFE0] =	vst v0;
	(pc) =	sbr.rel @p0 .LBB2_2-.Ltmp0, $4  }
0x32: {  	[tilespmem:s17+$0xFFFFFFD0] =	vst v0  }
0x33: {  	[tilespmem:s17+$0xFFFFFFC0] =	vst v0  }
0x34: {  	[tilespmem:s17+$0xFFFFFFB0] =	vst v0  }
0x35: {  	[tilespmem:s17+$0xFFFFFFA0] =	vst v0  }
0x36: {  	(v2sf) =	vpush v7, $0x2;
	_ =	sdelay $0xc  }
0x37: {  	[tilespmem:s17+$0xFFFFFF90] =	vst v0;
	s17 =	simm.s32 $0x0  }
0x38: {  	[tilespmem:s17], [sflag:$0x1] =	stream.linear.gather [hbm4b:s6+s17], $0xE000, $0x38;
	[tilespmem:$0x1E200] =	vst v63  }
0x39: {  	v6 =	vbroadcast v7, $0x0;
	v7 =	vbroadcast v7, $0x1;
	v8 =	vimm.f32 $0.0e+00;
	s19 =	simm.s32 $0x0;
	s18 =	spop (v2sf)  }
.LBB2_4:
0x3a: {  	s20 =	sshll.u32 s19, $0x1  }
0x3b: {  	s21 =	sadd.s32 s5, s20  }
0x3c: {  	s21 =	smul.u32 $0xE000, s21;
	_ =	sdelay $0x1  }
0x3d: {  	s22 =	sshrl.u32 s21, $0x3  }
0x3e: {  	s22 =	sadd.s32 s0, s22  }
0x3f: {  	s22 =	sadd.s32 $0x1C00, s22  }
0x40: {  	[tilespmem:s11], [sflag:$0x2] =	stream.linear.gather [hbm4b:s22+s17], $0xE000, $0x38;
	[tilespmem:$0x1E200] =	vst v63  }
0x41: {  	_ =	swait.ge [sflag:s12], $0xE000  }
0x42: {  	[sflag:s12] =	ssyncset.done $0x0  }
0x43: {  	s31 =	sand.u32 $0xF800, s17;
	s23 =	sand.u32 $0x300, s17;
	[sflag:s12] =	ssyncadd.s32 $0xFFFF2000  }
0x44: {  	s22 =	sor.u32 s23, s31;
	v25 =	vld [tilespmem:$0x0]  }
0x45: {  	v12 =	vld [tilespmem:s22+$0xF0]  }
0x46: {  	v18 =	vld [tilespmem:s22+$0x50]  }
0x47: {  	v20 =	vld [tilespmem:s22+$0x40]  }
0x48: {  	v11 =	vld [tilespmem:s22+$0x4C0]  }
0x49: {  	v10 =	vld [tilespmem:s22+$0x410]  }
0x4a: {  	v17 =	vld [tilespmem:s22+$0x70]  }
0x4b: {  	v13 =	vld [tilespmem:s22+$0x400]  }
0x4c: {  	v9 =	vld [tilespmem:s22+$0xA0]  }
0x4d: {  	v15 =	vld [tilespmem:s22+$0x90]  }
0x4e: {  	v14 =	vld [tilespmem:s22+$0xD0]  }
0x4f: {  	v16 =	vld [tilespmem:s22+$0xC0]  }
0x50: {  	v22 =	vld [tilespmem:s22+$0x80]  }
0x51: {  	v19 =	vld [tilespmem:s22+$0x450]  }
0x52: {  	v24 =	vld [tilespmem:s22+$0x440]  }
0x53: {  	v26 =	vld [tilespmem:s22+$0x430]  }
0x54: {  	v28 =	vld [tilespmem:s22+$0x420]  }
0x55: {  	v29 =	vld [tilespmem:s22+$0x4D0]  }
0x56: {  	v23 =	vld [tilespmem:s22+$0x60]  }
0x57: {  	v37 =	vld [tilespmem:s22+$0x30];
	v30 =	vmin.f32 v16, v14;
	v14 =	vmax.f32 v16, v14  }
0x58: {  	v21 =	vld [tilespmem:s22+$0x10];
	v31 =	vmin.f32 v24, v19;
	v24 =	vmax.f32 v24, v19;
	v19 =	vmin.f32 v22, v15  }
0x59: {  	v39 =	vld [tilespmem:s22+$0x20];
	v16 =	vmax.f32 v22, v15;
	v15 =	vmin.f32 v28, v26;
	v22 =	vmax.f32 v28, v26  }
0x5a: {  	v27 =	vld [tilespmem:s22+$0x0];
	v26 =	vmax.f32 v11, v29;
	v29 =	vmin.f32 v11, v29;
	v24 =	vmax.f32 v25, v24  }
0x5b: {  	v33 =	vld [tilespmem:s22+$0x4B0];
	v28 =	vmin.f32 v25, v31;
	v11 =	vmax.f32 v24, v26;
	v24 =	vmin.f32 v20, v18  }
0x5c: {  	v36 =	vld [tilespmem:s22+$0x4A0];
	v41 =	vmax.f32 v20, v18;
	v35 =	vmov v25;
	v26 =	vmin.f32 v25, v15  }
0x5d: {  	v34 =	vld [tilespmem:s22+$0x480];
	v32 =	vmovc v25;
	v15 =	vmin.f32 v28, v29;
	v29 =	vmax.f32 v25, v22;
	v20 =	vmovc v25;
	v18 =	vmov v25  }
0x5e: {  	s24 =	simm.s32 $0x100;
	s25 =	simm.s32 $0x200;
	s23 =	simm.s32 $0x0;
	v38 =	vld [tilespmem:s22+$0xE0];
	v40 =	vmin.f32 v25, v24;
	v31 =	vmovc v25;
	v22 =	vmovc v25;
	v28 =	vmov v25;
	v24 =	vmov v25  }
.LBB2_5:
0x5f: {  	s26 =	sand.u32 $0xF800, s25;
	s28 =	sand.u32 $0x300, s24;
	s23 =	sadd.s32 $0x2, s23;
	v42 =	vmin.f32 v39, v37;
	v37 =	vmax.f32 v39, v37;
	v39 =	vmax.f32 v13, v10;
	v43 =	vld [tilespmem:s22+$0x490]  }
0x60: {  	v44 =	vmax.f32 v23, v17;
	v35 =	vmax.f32 v35, v41;
	p0 =	slt.u32 s23, $0xDE;
	v25 =	vmax.f32 v25, v37;
	v37 =	vld [tilespmem:s22+$0xB0];
	s22 =	sor.u32 s28, s26  }
0x61: {  	v17 =	vmin.f32 v23, v17;
	v23 =	vmax.f32 v32, v39;
	v41 =	vld [tilespmem:s22+$0xF0];
	v39 =	vmax.f32 v36, v33  }
0x62: {  	v40 =	vmin.f32 v40, v30;
	v31 =	vmin.f32 v31, v17;
	v17 =	vmax.f32 v28, v44;
	v45 =	vld [tilespmem:s22+$0x50]  }
0x63: {  	v30 =	vmin.f32 v27, v21;
	v33 =	vmin.f32 v36, v33;
	v44 =	vld [tilespmem:s22+$0x40];
	v32 =	vmin.f32 v38, v12  }
0x64: {  	v13 =	vmin.f32 v13, v10;
	v38 =	vmax.f32 v38, v12;
	v46 =	vld [tilespmem:s22+$0x4C0];
	v36 =	vmin.f32 v34, v43  }
0x65: {  	v13 =	vmin.f32 v22, v13;
	v34 =	vmax.f32 v34, v43;
	v28 =	vmax.f32 v17, v38;
	v10 =	vld [tilespmem:s22+$0x410]  }
0x66: {  	v21 =	vmax.f32 v27, v21;
	v27 =	vmin.f32 v9, v37;
	v22 =	vmin.f32 v13, v36;
	v17 =	vld [tilespmem:s22+$0x70];
	v12 =	vmovc v41  }
0x67: {  	v31 =	vmin.f32 v31, v32;
	v36 =	vmax.f32 v9, v37;
	v32 =	vmax.f32 v23, v34;
	v13 =	vld [tilespmem:s22+$0x400]  }
0x68: {  	v20 =	vmin.f32 v20, v30;
	v24 =	vmin.f32 v24, v42;
	v29 =	vmax.f32 v29, v39;
	v9 =	vld [tilespmem:s22+$0xA0]  }
0x69: {  	v18 =	vmax.f32 v18, v21;
	v35 =	vmax.f32 v35, v14;
	v20 =	vmin.f32 v20, v19;
	v23 =	vld [tilespmem:s22+$0x60]  }
0x6a: {  	v18 =	vmax.f32 v18, v16;
	v26 =	vmin.f32 v26, v33;
	v24 =	vmin.f32 v24, v27;
	v34 =	vld [tilespmem:s22+$0x90]  }
0x6b: {  	v25 =	vmax.f32 v25, v36;
	v14 =	vld [tilespmem:s22+$0xD0]  }
0x6c: {  	v16 =	vld [tilespmem:s22+$0xC0]  }
0x6d: {  	v27 =	vld [tilespmem:s22+$0x80]  }
0x6e: {  	v19 =	vld [tilespmem:s22+$0x450]  }
0x6f: {  	v33 =	vld [tilespmem:s22+$0x440]  }
0x70: {  	v36 =	vld [tilespmem:s22+$0x430]  }
0x71: {  	v38 =	vld [tilespmem:s22+$0x420];
	v30 =	vmin.f32 v16, v14;
	v14 =	vmax.f32 v16, v14  }
0x72: {  	v41 =	vld [tilespmem:s22+$0x4D0]  }
0x73: {  	v37 =	vld [tilespmem:s22+$0x30]  }
0x74: {  	v21 =	vld [tilespmem:s22+$0x10];
	v42 =	vmin.f32 v33, v19;
	v33 =	vmax.f32 v33, v19  }
0x75: {  	v16 =	vmax.f32 v27, v34;
	v19 =	vmin.f32 v27, v34;
	v39 =	vld [tilespmem:s22+$0x20]  }
.Ltmp1:
0x76: {  	v27 =	vld [tilespmem:s22+$0x0];
	v34 =	vmin.f32 v38, v36;
	v38 =	vmax.f32 v38, v36;
	(pc) =	sbr.rel @p0 .LBB2_5-.Ltmp1, $4  }
0x77: {  	v11 =	vmax.f32 v11, v33;
	v33 =	vld [tilespmem:s22+$0x4B0];
	v43 =	vmax.f32 v46, v41  }
0x78: {  	v15 =	vmin.f32 v15, v42;
	v41 =	vmin.f32 v46, v41;
	v36 =	vld [tilespmem:s22+$0x4A0];
	v11 =	vmax.f32 v11, v43  }
0x79: {  	v42 =	vmin.f32 v44, v45;
	v26 =	vmin.f32 v26, v34;
	v15 =	vmin.f32 v15, v41;
	v34 =	vld [tilespmem:s22+$0x480]  }
0x7a: {  	s24 =	sadd.s32 $0x100, s24;
	s25 =	sadd.s32 $0x200, s25;
	v40 =	vmin.f32 v40, v42;
	v29 =	vmax.f32 v29, v38;
	v41 =	vmax.f32 v44, v45;
	v38 =	vld [tilespmem:s22+$0xE0]  }
0x7b: {  	v42 =	vmin.f32 v39, v37  }
0x7c: {  	v59 =	vmax.f32 v39, v37;
	v60 =	vmax.f32 v13, v10;
	v44 =	vmax.f32 v23, v17  }
0x7d: {  	v35 =	vmax.f32 v35, v41;
	v61 =	vld [tilespmem:s22+$0xB0];
	v17 =	vmin.f32 v23, v17;
	v30 =	vmin.f32 v40, v30  }
0x7e: {  	v43 =	vld [tilespmem:s22+$0x490];
	v10 =	vmin.f32 v13, v10;
	v50 =	vmax.f32 v27, v21;
	v25 =	vmax.f32 v25, v59  }
0x7f: {  	v62 =	vmax.f32 v32, v60;
	v17 =	vmin.f32 v31, v17;
	v28 =	vmax.f32 v28, v44  }
0x80: {  	v44 =	vmin.f32 v27, v21;
	v10 =	vmin.f32 v22, v10;
	v24 =	vmin.f32 v24, v42  }
0x81: {  	v18 =	vmax.f32 v18, v50;
	v63 =	vmax.f32 v36, v33;
	v46 =	vmin.f32 v36, v33  }
0x82: {  	v20 =	vmin.f32 v20, v44;
	v16 =	vmax.f32 v18, v16;
	v47 =	vmin.f32 v9, v61  }
0x83: {  	v19 =	vmin.f32 v20, v19;
	v13 =	vmin.f32 v34, v43;
	v49 =	vmin.f32 v24, v47  }
0x84: {  	v45 =	vmin.f32 v38, v12;
	v10 =	vmin.f32 v10, v13;
	v13 =	vmin.f32 v19, v49  }
0x85: {  	v51 =	vmin.f32 v26, v46;
	v17 =	vmin.f32 v17, v45;
	v13 =	vmin.f32 v13, v30  }
0x86: {  	v12 =	vmax.f32 v38, v12;
	v9 =	vmax.f32 v9, v61;
	v13 =	vmin.f32 v13, v17  }
0x87: {  	v48 =	vmax.f32 v34, v43;
	v9 =	vmax.f32 v25, v9;
	v10 =	vmin.f32 v13, v10  }
0x88: {  	v9 =	vmax.f32 v16, v9;
	v13 =	vmax.f32 v35, v14;
	v10 =	vmin.f32 v10, v51  }
0x89: {  	v12 =	vmax.f32 v28, v12;
	v9 =	vmax.f32 v9, v13;
	v10 =	vmin.f32 v10, v15  }
0x8a: {  	v13 =	vmax.f32 v62, v48;
	v9 =	vmax.f32 v9, v12;
	v10 =	vsub.f32 $0.0e+00, v10  }
0x8b: {  	v12 =	vmax.f32 v29, v63;
	v9 =	vmax.f32 v9, v13  }
0x8c: {  	v9 =	vmax.f32 v9, v12;
	(xrf0) =	vmax.scan.msk.f32 $0xffff, v10  }
0x8d: {  	v9 =	vmax.f32 v9, v11  }
0x8e: {  	(xrf0) =	vmax.scan.msk.f32 $0xffff, v9;
	_ =	sdelay $0x3  }
0x8f: {  	v9, _, _ =	vpop (xrf0)  }
0x90: {  	(v2sf) =	vpush v9, $0xF  }
0x91: {  	v9, _, _ =	vpop (xrf0)  }
0x92: {  	(v2sf) =	vpush v9, $0xF;
	_ =	sdelay $0xc  }
0x93: {  	s30 =	simm.s32 $0x0;
	s29 =	spop (v2sf)  }
0x94: {  	s25 =	sand.u32 $0xF800, s30;
	s22 =	sand.u32 $0x300, s30;
	s24 =	ssub.f32 $0.0e+00, s29  }
0x95: {  	s31 =	sor.u32 s22, s25;
	s23 =	spop (v2sf)  }
0x96: {  	v52 =	vld [tilespmem:s31+$0x480];
	s26 =	ssub.f32 s23, s24  }
0x97: {  	v53 =	vld [tilespmem:s31+$0x490]  }
0x98: {  	v54 =	vld [tilespmem:s31+$0x4A0];
	s22 =	smax.f32 s26, $1.000000000e-30  }
0x99: {  	v16 =	vld [tilespmem:s31+$0xE0];
	v9 =	vmov s22  }
0x9a: {  	v14 =	vld [tilespmem:s31+$0xC0];
	(erf) = vrcp.f32 v9  }
0x9b: {  	v12 =	vld [tilespmem:s31+$0xA0]  }
0x9c: {  	v10 =	vld [tilespmem:s31+$0x80]  }
0x9d: {  	v11 =	vld [tilespmem:s31+$0x90]  }
0x9e: {  	v13 =	vld [tilespmem:s31+$0xB0]  }
0x9f: {  	v15 =	vld [tilespmem:s31+$0xD0]  }
0xa0: {  	v17 =	vld [tilespmem:s31+$0xF0];
	v9 =	vmov s24  }
0xa1: {  	v55 =	vld [tilespmem:s31+$0x4B0];
	v56 =	vsub.f32 v10, v9  }
0xa2: {  	v57 =	vld [tilespmem:s31+$0x4C0];
	v11 =	vsub.f32 v11, v9;
	v12 =	vsub.f32 v12, v9  }
0xa3: {  	v58 =	vld [tilespmem:s31+$0x4D0];
	v13 =	vsub.f32 v13, v9;
	v14 =	vsub.f32 v14, v9;
	v10 =	vpop (erf)  }
0xa4: {  	v61 =	vld [tilespmem:s31+$0x20];
	v15 =	vsub.f32 v15, v9;
	v16 =	vsub.f32 v16, v9;
	v10 =	vmul.f32 $5.120000000e+02, v10  }
0xa5: {  	v59 =	vld [tilespmem:s31+$0x0];
	v17 =	vsub.f32 v17, v9;
	v18 =	vsub.f32 v52, v9  }
0xa6: {  	v60 =	vld [tilespmem:s31+$0x10];
	v19 =	vsub.f32 v53, v9;
	v20 =	vsub.f32 v54, v9;
	v22 =	vmul.f32 v56, v10  }
0xa7: {  	v36 =	vld [tilespmem:s31+$0x50];
	v21 =	vsub.f32 v55, v9;
	v23 =	vsub.f32 v57, v9;
	v11 =	vmul.f32 v11, v10  }
0xa8: {  	v37 =	vld [tilespmem:s31+$0x60];
	v24 =	vsub.f32 v58, v9;
	v12 =	vmul.f32 v12, v10;
	v22 =	vadd.f32 v2, v22  }
0xa9: {  	v39 =	vld [tilespmem:s31+$0x400];
	v45 =	vsub.f32 v61, v9;
	v13 =	vmul.f32 v13, v10;
	v11 =	vadd.f32 v2, v11  }
0xaa: {  	v40 =	vld [tilespmem:s31+$0x410];
	v14 =	vmul.f32 v14, v10;
	v12 =	vadd.f32 v2, v12;
	v22 =	vadd.s32 $0xB4C00000, v22  }
0xab: {  	v38 =	vld [tilespmem:s31+$0x70];
	v15 =	vmul.f32 v15, v10;
	v13 =	vadd.f32 v2, v13;
	v11 =	vadd.s32 $0xB4C00000, v11  }
0xac: {  	v62 =	vld [tilespmem:s31+$0x30];
	v16 =	vmul.f32 v16, v10;
	v14 =	vadd.f32 v2, v14;
	v12 =	vadd.s32 $0xB4C00000, v12  }
0xad: {  	v63 =	vld [tilespmem:s31+$0x40];
	v17 =	vmul.f32 v17, v10;
	v15 =	vadd.f32 v2, v15;
	v13 =	vadd.s32 $0xB4C00000, v13  }
0xae: {  	v53 =	vld [tilespmem:s31+$0x420];
	v18 =	vmul.f32 v18, v10;
	v16 =	vadd.f32 v2, v16;
	v14 =	vadd.s32 $0xB4C00000, v14  }
0xaf: {  	v19 =	vmul.f32 v19, v10;
	v17 =	vadd.f32 v2, v17;
	v15 =	vadd.s32 $0xB4C00000, v15;
	[tilespmem:v22+s13+$0x0] =	vst.idx.add.f32.msk $0xffff, v3  }
0xb0: {  	v20 =	vmul.f32 v20, v10;
	v18 =	vadd.f32 v2, v18;
	[tilespmem:v11+s13+$0x0] =	vst.idx.add.f32.msk $0xffff, v3;
	v11 =	vadd.s32 $0xB4C00000, v16  }
0xb1: {  	v46 =	vsub.f32 v62, v9;
	v16 =	vadd.f32 v2, v19;
	[tilespmem:v12+s13+$0x0] =	vst.idx.add.f32.msk $0xffff, v3;
	v12 =	vadd.s32 $0xB4C00000, v17  }
0xb2: {  	v41 =	vmul.f32 v21, v10;
	v17 =	vadd.f32 v2, v20;
	[tilespmem:v13+s13+$0x0] =	vst.idx.add.f32.msk $0xffff, v3;
	v13 =	vadd.s32 $0xB4C00000, v18  }
0xb3: {  	v47 =	vsub.f32 v36, v9;
	v48 =	vsub.f32 v38, v9;
	[tilespmem:v14+s13+$0x0] =	vst.idx.add.f32.msk $0xffff, v3;
	v14 =	vadd.s32 $0xB4C00000, v16  }
0xb4: {  	v49 =	vsub.f32 v39, v9;
	v43 =	vadd.f32 v2, v41;
	[tilespmem:v15+s13+$0x0] =	vst.idx.add.f32.msk $0xffff, v3;
	v15 =	vadd.s32 $0xB4C00000, v17  }
0xb5: {  	v50 =	vsub.f32 v40, v9;
	v58 =	vsub.f32 v53, v9;
	[tilespmem:v11+s13+$0x0] =	vst.idx.add.f32.msk $0xffff, v3  }
0xb6: {  	v42 =	vmul.f32 v23, v10;
	v44 =	vmul.f32 v24, v10;
	v11 =	vadd.s32 $0xB4C00000, v43;
	[tilespmem:v12+s13+$0x0] =	vst.idx.add.f32.msk $0xffff, v3  }
0xb7: {  	v51 =	vmul.f32 v46, v10;
	v16 =	vsub.f32 v59, v9;
	[tilespmem:v13+s13+$0x0] =	vst.idx.add.f32.msk $0xffff, v3  }
0xb8: {  	v52 =	vmul.f32 v47, v10;
	v17 =	vsub.f32 v60, v9;
	[tilespmem:v14+s13+$0x0] =	vst.idx.add.f32.msk $0xffff, v3  }
0xb9: {  	v20 =	vadd.f32 v2, v42;
	[tilespmem:v15+s13+$0x0] =	vst.idx.add.f32.msk $0xffff, v3;
	v15 =	vmul.f32 v16, v10  }
0xba: {  	v54 =	vld [tilespmem:s31+$0x430];
	v19 =	vadd.f32 v2, v44;
	v12 =	vsub.f32 v63, v9;
	v17 =	vmul.f32 v17, v10  }
0xbb: {  	v14 =	vadd.s32 $0xB4C00000, v20;
	[tilespmem:v11+s13+$0x0] =	vst.idx.add.f32.msk $0xffff, v3;
	v11 =	vmul.f32 v45, v10;
	v15 =	vadd.f32 v2, v15  }
0xbc: {  	v23 =	vmul.f32 v48, v10;
	v56 =	vld [tilespmem:s31+$0x450];
	v17 =	vadd.f32 v2, v17;
	v16 =	vadd.s32 $0xB4C00000, v19  }
0xbd: {  	v12 =	vmul.f32 v12, v10;
	v11 =	vadd.f32 v2, v11;
	v15 =	vadd.s32 $0xB4C00000, v15  }
0xbe: {  	v18 =	vadd.f32 v2, v51;
	v13 =	vsub.f32 v37, v9;
	v17 =	vadd.s32 $0xB4C00000, v17  }
0xbf: {  	v55 =	vld [tilespmem:s31+$0x440];
	v57 =	vadd.f32 v2, v52;
	v12 =	vadd.f32 v2, v12;
	v11 =	vadd.s32 $0xB4C00000, v11  }
0xc0: {  	v59 =	vsub.f32 v54, v9;
	v18 =	vadd.s32 $0xB4C00000, v18;
	v13 =	vmul.f32 v13, v10;
	[tilespmem:v14+s13+$0x0] =	vst.idx.add.f32.msk $0xffff, v3  }
0xc1: {  	v60 =	vsub.f32 v56, v9;
	v20 =	vmul.f32 v49, v10;
	v12 =	vadd.s32 $0xB4C00000, v12;
	[tilespmem:v16+s13+$0x0] =	vst.idx.add.f32.msk $0xffff, v3  }
0xc2: {  	v13 =	vadd.f32 v2, v13;
	v16 =	vadd.f32 v2, v23;
	[tilespmem:v15+s13+$0x0] =	vst.idx.add.f32.msk $0xffff, v3;
	v15 =	vadd.s32 $0xB4C00000, v57  }
0xc3: {  	v20 =	vadd.f32 v2, v20;
	v14 =	vmul.f32 v50, v10;
	[tilespmem:v17+s13+$0x0] =	vst.idx.add.f32.msk $0xffff, v3  }
0xc4: {  	v13 =	vadd.s32 $0xB4C00000, v13;
	[tilespmem:v11+s13+$0x0] =	vst.idx.add.f32.msk $0xffff, v3;
	v11 =	vadd.s32 $0xB4C00000, v16;
	v16 =	vmul.f32 v58, v10  }
0xc5: {  	v14 =	vadd.f32 v2, v14;
	v17 =	vsub.f32 v55, v9;
	[tilespmem:v18+s13+$0x0] =	vst.idx.add.f32.msk $0xffff, v3  }
0xc6: {  	v62 =	vmul.f32 v60, v10;
	v61 =	vadd.s32 $0xB4C00000, v20;
	[tilespmem:v12+s13+$0x0] =	vst.idx.add.f32.msk $0xffff, v3;
	v12 =	vadd.f32 v2, v16  }
0xc7: {  	v19 =	vmul.f32 v59, v10;
	v17 =	vmul.f32 v17, v10;
	[tilespmem:v15+s13+$0x0] =	vst.idx.add.f32.msk $0xffff, v3;
	v15 =	vadd.s32 $0xB4C00000, v14  }
0xc8: {  	v63 =	vadd.f32 v2, v62;
	v14 =	vadd.s32 $0xB4C00000, v12  }
0xc9: {  	v16 =	vadd.f32 v2, v19;
	v17 =	vadd.f32 v2, v17;
	[tilespmem:v13+s13+$0x0] =	vst.idx.add.f32.msk $0xffff, v3  }
0xca: {  	[tilespmem:v11+s13+$0x0] =	vst.idx.add.f32.msk $0xffff, v3  }
0xcb: {  	s25 =	simm.s32 $0x200;
	s23 =	simm.s32 $0x0;
	s24 =	simm.s32 $0x100;
	v13 =	vadd.s32 $0xB4C00000, v16;
	v12 =	vadd.s32 $0xB4C00000, v17;
	v11 =	vadd.s32 $0xB4C00000, v63;
	[tilespmem:v61+s13+$0x0] =	vst.idx.add.f32.msk $0xffff, v3  }
.LBB2_7:
0xcc: {  	s26 =	sand.u32 $0xF800, s25;
	s28 =	sand.u32 $0x300, s24;
	[tilespmem:v15+s13+$0x0] =	vst.idx.add.f32.msk $0xffff, v3  }
0xcd: {  	s26 =	sor.u32 s28, s26;
	[tilespmem:v14+s13+$0x0] =	vst.idx.add.f32.msk $0xffff, v3  }
0xce: {  	v14 =	vld [tilespmem:s26+$0x80]  }
0xcf: {  	v15 =	vld [tilespmem:s26+$0x90]  }
0xd0: {  	v16 =	vld [tilespmem:s26+$0xA0]  }
0xd1: {  	v17 =	vld [tilespmem:s26+$0xB0]  }
0xd2: {  	v18 =	vld [tilespmem:s26+$0xC0]  }
0xd3: {  	v19 =	vld [tilespmem:s26+$0xD0]  }
0xd4: {  	v20 =	vld [tilespmem:s26+$0xE0]  }
0xd5: {  	v21 =	vld [tilespmem:s26+$0xF0]  }
0xd6: {  	v22 =	vld [tilespmem:s26+$0x480]  }
0xd7: {  	v23 =	vld [tilespmem:s26+$0x490]  }
0xd8: {  	v24 =	vld [tilespmem:s26+$0x4A0]  }
0xd9: {  	v14 =	vsub.f32 v14, v9;
	v15 =	vsub.f32 v15, v9;
	v25 =	vld [tilespmem:s26+$0x4B0]  }
0xda: {  	v16 =	vsub.f32 v16, v9;
	v17 =	vsub.f32 v17, v9;
	v26 =	vld [tilespmem:s26+$0x4C0]  }
0xdb: {  	v18 =	vsub.f32 v18, v9;
	v19 =	vsub.f32 v19, v9;
	v27 =	vld [tilespmem:s26+$0x4D0]  }
0xdc: {  	v20 =	vsub.f32 v20, v9;
	v21 =	vsub.f32 v21, v9;
	v28 =	vld [tilespmem:s26+$0x0]  }
0xdd: {  	v14 =	vmul.f32 v14, v10;
	v22 =	vsub.f32 v22, v9;
	v23 =	vsub.f32 v23, v9;
	v29 =	vld [tilespmem:s26+$0x10]  }
0xde: {  	v15 =	vmul.f32 v15, v10;
	v24 =	vsub.f32 v24, v9;
	v30 =	vld [tilespmem:s26+$0x20];
	v25 =	vsub.f32 v25, v9  }
0xdf: {  	v14 =	vadd.f32 v2, v14;
	v16 =	vmul.f32 v16, v10;
	v31 =	vld [tilespmem:s26+$0x30];
	v26 =	vsub.f32 v26, v9  }
0xe0: {  	v15 =	vadd.f32 v2, v15;
	v17 =	vmul.f32 v17, v10;
	v32 =	vld [tilespmem:s26+$0x40];
	v27 =	vsub.f32 v27, v9  }
0xe1: {  	s23 =	sadd.s32 $0x2, s23;
	v16 =	vadd.f32 v2, v16;
	v18 =	vmul.f32 v18, v10;
	v14 =	vadd.s32 $0xB4C00000, v14;
	v33 =	vld [tilespmem:s26+$0x50]  }
0xe2: {  	p0 =	slt.u32 s23, $0xDE;
	v17 =	vadd.f32 v2, v17;
	v19 =	vmul.f32 v19, v10;
	v15 =	vadd.s32 $0xB4C00000, v15;
	v34 =	vld [tilespmem:s26+$0x60]  }
0xe3: {  	v18 =	vadd.f32 v2, v18;
	v20 =	vmul.f32 v20, v10;
	v16 =	vadd.s32 $0xB4C00000, v16;
	v35 =	vld [tilespmem:s26+$0x70]  }
0xe4: {  	v19 =	vadd.f32 v2, v19;
	v21 =	vmul.f32 v21, v10;
	v17 =	vadd.s32 $0xB4C00000, v17;
	v36 =	vld [tilespmem:s26+$0x400]  }
0xe5: {  	v20 =	vadd.f32 v2, v20;
	v22 =	vmul.f32 v22, v10;
	v18 =	vadd.s32 $0xB4C00000, v18;
	v37 =	vld [tilespmem:s26+$0x410]  }
0xe6: {  	v21 =	vadd.f32 v2, v21;
	v23 =	vmul.f32 v23, v10;
	[tilespmem:v14+s13+$0x0] =	vst.idx.add.f32.msk $0xffff, v3;
	v14 =	vadd.s32 $0xB4C00000, v19  }
0xe7: {  	v19 =	vadd.f32 v2, v22;
	v22 =	vmul.f32 v24, v10;
	[tilespmem:v15+s13+$0x0] =	vst.idx.add.f32.msk $0xffff, v3;
	v15 =	vadd.s32 $0xB4C00000, v20  }
0xe8: {  	v20 =	vadd.f32 v2, v23;
	v23 =	vmul.f32 v25, v10;
	[tilespmem:v16+s13+$0x0] =	vst.idx.add.f32.msk $0xffff, v3;
	v16 =	vadd.s32 $0xB4C00000, v21  }
0xe9: {  	v21 =	vadd.f32 v2, v22;
	v22 =	vmul.f32 v26, v10;
	[tilespmem:v17+s13+$0x0] =	vst.idx.add.f32.msk $0xffff, v3;
	v17 =	vadd.s32 $0xB4C00000, v19  }
0xea: {  	v19 =	vadd.f32 v2, v23;
	v23 =	vmul.f32 v27, v10;
	[tilespmem:v18+s13+$0x0] =	vst.idx.add.f32.msk $0xffff, v3;
	v18 =	vadd.s32 $0xB4C00000, v20  }
0xeb: {  	v20 =	vsub.f32 v28, v9;
	v22 =	vadd.f32 v2, v22;
	[tilespmem:v14+s13+$0x0] =	vst.idx.add.f32.msk $0xffff, v3;
	v14 =	vadd.s32 $0xB4C00000, v21  }
0xec: {  	v21 =	vsub.f32 v29, v9;
	v23 =	vadd.f32 v2, v23;
	[tilespmem:v15+s13+$0x0] =	vst.idx.add.f32.msk $0xffff, v3;
	v15 =	vadd.s32 $0xB4C00000, v19  }
0xed: {  	v24 =	vsub.f32 v31, v9;
	v19 =	vsub.f32 v30, v9;
	[tilespmem:v16+s13+$0x0] =	vst.idx.add.f32.msk $0xffff, v3;
	v16 =	vadd.s32 $0xB4C00000, v22  }
0xee: {  	v25 =	vsub.f32 v33, v9;
	v22 =	vsub.f32 v32, v9;
	[tilespmem:v17+s13+$0x0] =	vst.idx.add.f32.msk $0xffff, v3;
	v17 =	vadd.s32 $0xB4C00000, v23  }
0xef: {  	v26 =	vsub.f32 v35, v9;
	v23 =	vsub.f32 v34, v9;
	[tilespmem:v18+s13+$0x0] =	vst.idx.add.f32.msk $0xffff, v3  }
0xf0: {  	v27 =	vsub.f32 v37, v9;
	v18 =	vsub.f32 v36, v9;
	[tilespmem:v14+s13+$0x0] =	vst.idx.add.f32.msk $0xffff, v3  }
0xf1: {  	v14 =	vmul.f32 v20, v10;
	v20 =	vmul.f32 v21, v10;
	[tilespmem:v15+s13+$0x0] =	vst.idx.add.f32.msk $0xffff, v3  }
0xf2: {  	v15 =	vmul.f32 v19, v10;
	v19 =	vmul.f32 v24, v10;
	[tilespmem:v16+s13+$0x0] =	vst.idx.add.f32.msk $0xffff, v3  }
0xf3: {  	v21 =	vmul.f32 v25, v10;
	v16 =	vmul.f32 v22, v10;
	[tilespmem:v17+s13+$0x0] =	vst.idx.add.f32.msk $0xffff, v3  }
0xf4: {  	v14 =	vadd.f32 v2, v14;
	v22 =	vmul.f32 v23, v10;
	v23 =	vmul.f32 v26, v10;
	v17 =	vld [tilespmem:s26+$0x420]  }
0xf5: {  	v25 =	vmul.f32 v27, v10;
	v18 =	vmul.f32 v18, v10;
	v20 =	vadd.f32 v2, v20;
	v24 =	vld [tilespmem:s26+$0x430]  }
0xf6: {  	v15 =	vadd.f32 v2, v15;
	v19 =	vadd.f32 v2, v19;
	v14 =	vadd.s32 $0xB4C00000, v14;
	v26 =	vld [tilespmem:s26+$0x440]  }
0xf7: {  	v21 =	vadd.f32 v2, v21;
	v16 =	vadd.f32 v2, v16;
	v20 =	vadd.s32 $0xB4C00000, v20;
	v27 =	vld [tilespmem:s26+$0x450]  }
0xf8: {  	v22 =	vadd.f32 v2, v22;
	v23 =	vadd.f32 v2, v23;
	v15 =	vadd.s32 $0xB4C00000, v15;
	[tilespmem:v13+s13+$0x0] =	vst.idx.add.f32.msk $0xffff, v3  }
0xf9: {  	v13 =	vadd.f32 v2, v18;
	v18 =	vadd.s32 $0xB4C00000, v19;
	v17 =	vsub.f32 v17, v9;
	[tilespmem:v12+s13+$0x0] =	vst.idx.add.f32.msk $0xffff, v3  }
0xfa: {  	v16 =	vadd.s32 $0xB4C00000, v16;
	v12 =	vadd.f32 v2, v25;
	v19 =	vsub.f32 v24, v9;
	[tilespmem:v11+s13+$0x0] =	vst.idx.add.f32.msk $0xffff, v3  }
0xfb: {  	v21 =	vadd.s32 $0xB4C00000, v21;
	v11 =	vmul.f32 v17, v10;
	v17 =	vsub.f32 v26, v9;
	[tilespmem:v14+s13+$0x0] =	vst.idx.add.f32.msk $0xffff, v3  }
0xfc: {  	v14 =	vmul.f32 v19, v10;
	v19 =	vsub.f32 v27, v9;
	[tilespmem:v20+s13+$0x0] =	vst.idx.add.f32.msk $0xffff, v3;
	v20 =	vadd.s32 $0xB4C00000, v22  }
0xfd: {  	v22 =	vadd.s32 $0xB4C00000, v23;
	v11 =	vadd.f32 v2, v11;
	v17 =	vmul.f32 v17, v10;
	[tilespmem:v15+s13+$0x0] =	vst.idx.add.f32.msk $0xffff, v3  }
0xfe: {  	v23 =	vadd.f32 v2, v14;
	v19 =	vmul.f32 v19, v10;
	[tilespmem:v18+s13+$0x0] =	vst.idx.add.f32.msk $0xffff, v3;
	v18 =	vadd.s32 $0xB4C00000, v13  }
.Ltmp2:
0xff: {  	v15 =	vadd.s32 $0xB4C00000, v12;
	v17 =	vadd.f32 v2, v17;
	[tilespmem:v16+s13+$0x0] =	vst.idx.add.f32.msk $0xffff, v3;
	v14 =	vadd.s32 $0xB4C00000, v11;
	(pc) =	sbr.rel @p0 .LBB2_7-.Ltmp2, $4  }
0x100: {  	v11 =	vadd.f32 v2, v19;
	[tilespmem:v21+s13+$0x0] =	vst.idx.add.f32.msk $0xffff, v3;
	v13 =	vadd.s32 $0xB4C00000, v23  }
0x101: {  	[tilespmem:v20+s13+$0x0] =	vst.idx.add.f32.msk $0xffff, v3;
	v12 =	vadd.s32 $0xB4C00000, v17  }
0x102: {  	[tilespmem:v22+s13+$0x0] =	vst.idx.add.f32.msk $0xffff, v3;
	v11 =	vadd.s32 $0xB4C00000, v11  }
0x103: {  	s24 =	sadd.s32 $0x100, s24;
	s25 =	sadd.s32 $0x200, s25;
	[tilespmem:v18+s13+$0x0] =	vst.idx.add.f32.msk $0xffff, v3  }
0x104: {  	_ =	sdelay $0x3  }
0x105: {  	[tilespmem:v15+s13+$0x0] =	vst.idx.add.f32.msk $0xffff, v3  }
0x106: {  	[tilespmem:v14+s13+$0x0] =	vst.idx.add.f32.msk $0xffff, v3  }
0x107: {  	[tilespmem:v13+s13+$0x0] =	vst.idx.add.f32.msk $0xffff, v3  }
0x108: {  	[tilespmem:v12+s13+$0x0] =	vst.idx.add.f32.msk $0xffff, v3  }
0x109: {  	[tilespmem:v11+s13+$0x0] =	vst.idx.add.f32.msk $0xffff, v3  }
0x10a: {  	v10 =	vld [tilespmem:$0x1C200]  }
0x10b: {  	v11 =	vld [tilespmem:$0x1C410];
	_ =	sdelay $0x1  }
0x10c: {  	v12 =	vld [tilespmem:$0x1C620];
	_ =	sdelay $0x1  }
0x10d: {  	v13 =	vld [tilespmem:$0x1C830];
	(v2sf) =	vpush v10, $0x0  }
0x10e: {  	(v2sf) =	vpush v11, $0x0  }
0x10f: {  	v10 =	vld [tilespmem:$0x1CA40]  }
0x110: {  	(v2sf) =	vpush v12, $0x0  }
0x111: {  	v11 =	vld [tilespmem:$0x1CC50]  }
0x112: {  	(v2sf) =	vpush v13, $0x0  }
0x113: {  	v12 =	vld [tilespmem:$0x1CE60]  }
0x114: {  	(v2sf) =	vpush v10, $0x0  }
0x115: {  	v10 =	vld [tilespmem:$0x1D070]  }
0x116: {  	(v2sf) =	vpush v11, $0x0  }
0x117: {  	v11 =	vld [tilespmem:$0x1D280]  }
0x118: {  	(v2sf) =	vpush v12, $0x0  }
0x119: {  	v12 =	vld [tilespmem:$0x1D490]  }
0x11a: {  	(v2sf) =	vpush v10, $0x0  }
0x11b: {  	v10 =	vld [tilespmem:$0x1D6A0]  }
0x11c: {  	s23 =	spop (v2sf);
	(v2sf) =	vpush v11, $0x0  }
0x11d: {  	v11 =	vld [tilespmem:$0x1D8B0];
	s24 =	spop (v2sf)  }
0x11e: {  	(v2sf) =	vpush v12, $0x0;
	s23 =	sadd.f32 s24, s23  }
0x11f: {  	v12 =	vld [tilespmem:$0x1DAC0];
	s25 =	spop (v2sf)  }
0x120: {  	(v2sf) =	vpush v10, $0x0;
	s23 =	sadd.f32 s25, s23  }
0x121: {  	v10 =	vld [tilespmem:$0x1DCD0];
	s26 =	spop (v2sf)  }
0x122: {  	(v2sf) =	vpush v11, $0x0;
	s23 =	sadd.f32 s26, s23  }
0x123: {  	v11 =	vld [tilespmem:$0x1DEE0];
	s30 =	spop (v2sf)  }
0x124: {  	(v2sf) =	vpush v12, $0x0;
	s23 =	sadd.f32 s30, s23  }
0x125: {  	v12 =	vld [tilespmem:$0x1E0F0];
	s31 =	spop (v2sf)  }
0x126: {  	(v2sf) =	vpush v10, $0x0;
	s23 =	sadd.f32 s31, s23  }
0x127: {  	s25 =	spop (v2sf)  }
0x128: {  	(v2sf) =	vpush v11, $0x0;
	s23 =	sadd.f32 s25, s23  }
0x129: {  	s26 =	spop (v2sf)  }
0x12a: {  	(v2sf) =	vpush v12, $0x0;
	s23 =	sadd.f32 s26, s23  }
0x12b: {  	s30 =	spop (v2sf)  }
0x12c: {  	s23 =	sadd.f32 s30, s23  }
0x12d: {  	s31 =	spop (v2sf)  }
0x12e: {  	s23 =	sadd.f32 s31, s23  }
0x12f: {  	v11 =	vimm.f32 $0.0e+00;
	s25 =	spop (v2sf)  }
0x130: {  	[tilespmem:$0x1C200] =	vst v11;
	s23 =	sadd.f32 s25, s23  }
0x131: {  	[tilespmem:$0x1C410] =	vst v11;
	s26 =	spop (v2sf)  }
0x132: {  	[tilespmem:$0x1C620] =	vst v11;
	s23 =	sadd.f32 s26, s23  }
0x133: {  	[tilespmem:$0x1C830] =	vst v11;
	s30 =	spop (v2sf)  }
0x134: {  	[tilespmem:$0x1CA40] =	vst v11;
	s23 =	sadd.f32 s30, s23  }
0x135: {  	[tilespmem:$0x1CC50] =	vst v11;
	s31 =	spop (v2sf)  }
0x136: {  	[tilespmem:$0x1CE60] =	vst v11;
	s23 =	sadd.f32 s31, s23  }
0x137: {  	[tilespmem:$0x1D070] =	vst v11;
	s25 =	spop (v2sf)  }
0x138: {  	[tilespmem:$0x1D280] =	vst v11;
	s23 =	sadd.f32 s25, s23  }
0x139: {  	v10 =	vld [tilespmem:$0x1C1F0];
	[tilespmem:$0x1D490] =	vst v11;
	s26 =	spop (v2sf)  }
0x13a: {  	[tilespmem:$0x1D6A0] =	vst v11;
	s23 =	sadd.f32 s26, s23  }
0x13b: {  	[tilespmem:$0x1D8B0] =	vst v11  }
0x13c: {  	[tilespmem:$0x1DAC0] =	vst v11;
	v12 =	vmov s23  }
0x13d: {  	[tilespmem:$0x1DCD0] =	vst v11;
	v12 =	vsel vm0, $0x0, v12  }
0x13e: {  	[tilespmem:$0x1DEE0] =	vst v11;
	v10 =	vadd.f32 v12, v10  }
0x13f: {  	[tilespmem:$0x1E0F0] =	vst v11  }
0x140: {  	s23 =	simm.s32 $0x1D260;
	[tilespmem:$0x1C1F0] =	vst v10  }
0x141: {  	v10 =	vld [tilespmem:s23+$0xFFFFF1A0]  }
0x142: {  	v12 =	vld [tilespmem:s23+$0xFFFFEF90];
	_ =	sdelay $0x1  }
0x143: {  	v13 =	vld [tilespmem:s23+$0xFFFFF3B0];
	_ =	sdelay $0x1  }
0x144: {  	v14 =	vld [tilespmem:s23+$0xFFFFF5C0]  }
0x145: {  	v15 =	vld [tilespmem:s23+$0xFFFFF7D0];
	v10 =	vadd.f32 v10, v12  }
0x146: {  	v16 =	vld [tilespmem:s23+$0x10]  }
0x147: {  	v17 =	vld [tilespmem:s23+$0x220];
	v10 =	vadd.f32 v13, v10  }
0x148: {  	[tilespmem:s23+$0xFFFFF1A0] =	vst v0;
	v12 =	vld [tilespmem:s23+$0xFFFFF9E0]  }
0x149: {  	[tilespmem:s23+$0xFFFFEF90] =	vst v0;
	v18 =	vld [tilespmem:s23+$0x430];
	v10 =	vadd.f32 v14, v10  }
0x14a: {  	[tilespmem:s23+$0xFFFFF3B0] =	vst v0;
	v13 =	vld [tilespmem:s23+$0xFFFFFBF0]  }
0x14b: {  	[tilespmem:s23+$0xFFFFF5C0] =	vst v0;
	v19 =	vld [tilespmem:s23+$0x640];
	v10 =	vadd.f32 v15, v10  }
0x14c: {  	[tilespmem:s23+$0xFFFFF7D0] =	vst v0;
	v14 =	vld [tilespmem:s23+$0xFFFFFE00]  }
0x14d: {  	s24 =	simm.s32 $0x1D240;
	[tilespmem:s23+$0x10] =	vst v0;
	v20 =	vld [tilespmem:s23+$0x850];
	v10 =	vadd.f32 v12, v10  }
0x14e: {  	[tilespmem:s23+$0x220] =	vst v0;
	v21 =	vld [tilespmem:s24+$0x220]  }
0x14f: {  	[tilespmem:s23+$0x430] =	vst v0;
	v15 =	vld [tilespmem:s23+$0xFFFFF190];
	v10 =	vadd.f32 v13, v10  }
0x150: {  	[tilespmem:s23+$0x640] =	vst v0;
	v12 =	vld [tilespmem:s23+$0xFFFFEF80]  }
0x151: {  	[tilespmem:s23+$0x850] =	vst v0;
	v22 =	vld [tilespmem:s24+$0x640];
	v10 =	vadd.f32 v14, v10  }
0x152: {  	s25 =	simm.s32 $0x1D220;
	[tilespmem:s24+$0x220] =	vst v0;
	v13 =	vld [tilespmem:s23+$0xFFFFF3A0]  }
0x153: {  	[tilespmem:s24+$0x640] =	vst v0;
	v61 =	vld [tilespmem:s25+$0x850];
	v10 =	vadd.f32 v16, v10  }
0x154: {  	[tilespmem:s25+$0x850] =	vst v0;
	v14 =	vld [tilespmem:s23+$0xFFFFF5B0]  }
0x155: {  	v27 =	vld [tilespmem:s25+$0xA60];
	[tilespmem:s25+$0xA60] =	vst v0;
	v12 =	vadd.f32 v15, v12;
	v10 =	vadd.f32 v17, v10  }
0x156: {  	[tilespmem:s23+$0xFFFFF9E0] =	vst v0;
	v16 =	vld [tilespmem:s23+$0xFFFFF7C0]  }
0x157: {  	[tilespmem:s23+$0xFFFFFBF0] =	vst v0;
	v15 =	vld [tilespmem:s23+$0xFFFFF9D0];
	v12 =	vadd.f32 v13, v12;
	v10 =	vadd.f32 v18, v10  }
0x158: {  	[tilespmem:s23+$0xFFFFFE00] =	vst v0;
	v17 =	vld [tilespmem:s23+$0xA60]  }
0x159: {  	[tilespmem:s23+$0xFFFFF190] =	vst v0;
	v13 =	vld [tilespmem:s23+$0xFFFFFBE0];
	v12 =	vadd.f32 v14, v12;
	v10 =	vadd.f32 v19, v10  }
0x15a: {  	[tilespmem:s23+$0xFFFFEF80] =	vst v0;
	v18 =	vld [tilespmem:s23+$0xC70]  }
0x15b: {  	[tilespmem:s23+$0xFFFFF3A0] =	vst v0;
	v14 =	vld [tilespmem:s23+$0xFFFFFDF0];
	v12 =	vadd.f32 v16, v12;
	v10 =	vadd.f32 v20, v10  }
0x15c: {  	[tilespmem:s23+$0xFFFFF5B0] =	vst v0;
	v19 =	vld [tilespmem:s23+$0xE80]  }
0x15d: {  	[tilespmem:s23+$0xFFFFF9D0] =	vst v0;
	v16 =	vld [tilespmem:s23+$0x0];
	v12 =	vadd.f32 v15, v12;
	v10 =	vadd.f32 v17, v10  }
0x15e: {  	[tilespmem:s23+$0xFFFFF7C0] =	vst v0;
	v15 =	vld [tilespmem:s24+$0xFFFFF1A0]  }
0x15f: {  	[tilespmem:s23+$0xFFFFFBE0] =	vst v0;
	v20 =	vld [tilespmem:s23+$0x210];
	v12 =	vadd.f32 v13, v12;
	v10 =	vadd.f32 v18, v10  }
0x160: {  	[tilespmem:s23+$0xA60] =	vst v0;
	v17 =	vld [tilespmem:s24+$0xFFFFEF90]  }
0x161: {  	[tilespmem:s23+$0xFFFFFDF0] =	vst v0;
	v13 =	vld [tilespmem:s23+$0x420];
	v12 =	vadd.f32 v14, v12;
	v10 =	vadd.f32 v19, v10  }
0x162: {  	[tilespmem:s23+$0xC70] =	vst v0;
	v14 =	vld [tilespmem:s24+$0xFFFFF3B0]  }
0x163: {  	[tilespmem:s23+$0xE80] =	vst v0;
	v18 =	vld [tilespmem:s23+$0x630];
	v12 =	vadd.f32 v16, v12;
	v10 =	vperm.xlane v10, v4  }
0x164: {  	[tilespmem:s24+$0xFFFFF1A0] =	vst v0;
	v16 =	vld [tilespmem:s24+$0xFFFFF5C0]  }
0x165: {  	[tilespmem:s23+$0x210] =	vst v0;
	v19 =	vld [tilespmem:s23+$0x840];
	v12 =	vadd.f32 v20, v12;
	v15 =	vadd.f32 v15, v17;
	(xrf2) =	vadd.scan.msk.f32 $0xffff, v10  }
0x166: {  	[tilespmem:s23+$0x420] =	vst v0;
	v20 =	vld [tilespmem:s24+$0xFFFFF7D0]  }
0x167: {  	[tilespmem:s24+$0xFFFFEF90] =	vst v0;
	v17 =	vld [tilespmem:s23+$0xA50];
	v12 =	vadd.f32 v13, v12;
	v14 =	vadd.f32 v14, v15  }
0x168: {  	[tilespmem:s24+$0xFFFFF3B0] =	vst v0;
	v13 =	vld [tilespmem:s24+$0xFFFFF9E0]  }
0x169: {  	[tilespmem:s23+$0x630] =	vst v0;
	v15 =	vld [tilespmem:s23+$0xC60];
	v12 =	vadd.f32 v18, v12;
	v14 =	vadd.f32 v16, v14  }
0x16a: {  	[tilespmem:s24+$0xFFFFF5C0] =	vst v0;
	v18 =	vld [tilespmem:s24+$0xFFFFFBF0]  }
0x16b: {  	[tilespmem:s23+$0x840] =	vst v0;
	v16 =	vld [tilespmem:s23+$0xE70];
	v12 =	vadd.f32 v19, v12;
	v14 =	vadd.f32 v20, v14  }
0x16c: {  	[tilespmem:s24+$0xFFFFF7D0] =	vst v0;
	v19 =	vld [tilespmem:s24+$0xFFFFFE00]  }
0x16d: {  	[tilespmem:s23+$0xA50] =	vst v0;
	v20 =	vld [tilespmem:s24+$0xFFFFF190];
	v12 =	vadd.f32 v17, v12;
	v13 =	vadd.f32 v13, v14  }
0x16e: {  	[tilespmem:s24+$0xFFFFF9E0] =	vst v0;
	v17 =	vld [tilespmem:s24+$0x10]  }
0x16f: {  	[tilespmem:s23+$0xC60] =	vst v0;
	v14 =	vld [tilespmem:s24+$0xFFFFEF80];
	v12 =	vadd.f32 v15, v12;
	v13 =	vadd.f32 v18, v13;
	v15, _, _ =	vpop (xrf2)  }
0x170: {  	[tilespmem:s24+$0xFFFFFBF0] =	vst v0;
	(v2sf) =	vpush v15, $0xF  }
0x171: {  	[tilespmem:s23+$0xE70] =	vst v0;
	v18 =	vld [tilespmem:s24+$0xFFFFF3A0];
	v12 =	vadd.f32 v16, v12;
	v13 =	vadd.f32 v19, v13  }
0x172: {  	[tilespmem:s24+$0xFFFFFE00] =	vst v0;
	v16 =	vld [tilespmem:s24+$0x430]  }
0x173: {  	[tilespmem:s24+$0xFFFFF190] =	vst v0;
	v19 =	vld [tilespmem:s24+$0xFFFFF5B0];
	v12 =	vperm.xlane v12, v4;
	v13 =	vadd.f32 v17, v13  }
0x174: {  	[tilespmem:s24+$0x10] =	vst v0;
	v14 =	vadd.f32 v20, v14  }
0x175: {  	[tilespmem:s24+$0xFFFFEF80] =	vst v0;
	v17 =	vld [tilespmem:s24+$0xFFFFF7C0];
	v15 =	vsub.f32 v15, v10;
	(xrf2) =	vadd.scan.msk.f32 $0xffff, v12;
	v13 =	vadd.f32 v21, v13  }
0x176: {  	s26 =	simm.f32 $0.0e+00;
	[tilespmem:s24+$0xFFFFF3A0] =	vst v0;
	v20 =	vld [tilespmem:s24+$0x850];
	v14 =	vadd.f32 v18, v14  }
0x177: {  	[tilespmem:s24+$0x430] =	vst v0;
	v21 =	vld [tilespmem:s24+$0xFFFFF9D0];
	v15 =	vadd.f32 s26, v15;
	v13 =	vadd.f32 v16, v13  }
0x178: {  	[tilespmem:s24+$0xFFFFF5B0] =	vst v0;
	v18 =	vld [tilespmem:s24+$0xA60];
	v14 =	vadd.f32 v19, v14  }
0x179: {  	[tilespmem:s24+$0x850] =	vst v0;
	v16 =	vld [tilespmem:s24+$0xFFFFFBE0];
	v23 =	vsub.f32 $1.108800000e+04, v15;
	v13 =	vadd.f32 v22, v13  }
0x17a: {  	[tilespmem:s24+$0xFFFFF7C0] =	vst v0;
	v19 =	vld [tilespmem:s24+$0xC70];
	v14 =	vadd.f32 v17, v14  }
0x17b: {  	[tilespmem:s24+$0xA60] =	vst v0;
	v22 =	vld [tilespmem:s24+$0xFFFFFDF0];
	v23 =	vmax.f32 v23, $0.0e+00;
	v13 =	vadd.f32 v20, v13  }
0x17c: {  	[tilespmem:s24+$0xFFFFF9D0] =	vst v0;
	v17 =	vld [tilespmem:s24+$0xE80];
	v10 =	vmin.f32 v10, v23;
	v14 =	vadd.f32 v21, v14  }
0x17d: {  	[tilespmem:s24+$0xC70] =	vst v0;
	v23 =	vld [tilespmem:s25+$0xFFFFEF90];
	v10 =	vadd.f32 v10, v15;
	v13 =	vadd.f32 v18, v13  }
0x17e: {  	[tilespmem:s24+$0xFFFFFBE0] =	vst v0;
	v20 =	vld [tilespmem:s24+$0x0];
	v15 =	vmul.f32 v15, v6;
	v14 =	vadd.f32 v16, v14  }
0x17f: {  	[tilespmem:s24+$0xE80] =	vst v0;
	v18 =	vld [tilespmem:s25+$0xFFFFF1A0];
	v10 =	vmul.f32 v10, v6;
	v16, _, _ =	vpop (xrf2);
	v13 =	vadd.f32 v19, v13;
	s28 =	spop (v2sf)  }
0x180: {  	[tilespmem:s24+$0xFFFFFDF0] =	vst v0;
	v21 =	vld [tilespmem:s24+$0x210];
	v15 =	vmul.f32 $1.442695020e+00, v15;
	v14 =	vadd.f32 v22, v14;
	v19 =	vsub.f32 v16, v12;
	s26 =	sadd.f32 s28, s26  }
0x181: {  	[tilespmem:s24+$0x210] =	vst v0;
	v22 =	vld [tilespmem:s24+$0x420];
	v13 =	vadd.f32 v17, v13;
	(v2sf) =	vpush v16, $0xF  }
0x182: {  	[tilespmem:s25+$0xFFFFEF90] =	vst v0;
	v10 =	vmul.f32 $1.442695020e+00, v10;
	(erf) = vpow2.f32 v15;
	v15 =	vld [tilespmem:s24+$0x630];
	v17 =	vadd.f32 s26, v19  }
0x183: {  	[tilespmem:s25+$0xFFFFF1A0] =	vst v0;
	v14 =	vadd.f32 v20, v14;
	v16 =	vld [tilespmem:s25+$0xFFFFF3B0];
	v13 =	vperm.xlane v13, v4  }
0x184: {  	[tilespmem:s24+$0x420] =	vst v0;
	(erf) = vpow2.f32 v10;
	v10 =	vadd.f32 v18, v23;
	v18 =	vld [tilespmem:s24+$0x840];
	v20 =	vsub.f32 $1.108800000e+04, v17  }
0x185: {  	[tilespmem:s24+$0x630] =	vst v0;
	v14 =	vadd.f32 v21, v14;
	v19 =	vld [tilespmem:s25+$0xFFFFF5C0];
	(xrf2) =	vadd.scan.msk.f32 $0xffff, v13  }
0x186: {  	[tilespmem:s25+$0xFFFFF3B0] =	vst v0;
	v21 =	vld [tilespmem:s25+$0xFFFFF7D0];
	v20 =	vmax.f32 v20, $0.0e+00  }
0x187: {  	[tilespmem:s24+$0x840] =	vst v0;
	v14 =	vadd.f32 v22, v14;
	v22 =	vld [tilespmem:s25+$0xFFFFF190];
	v12 =	vmin.f32 v12, v20  }
0x188: {  	[tilespmem:s25+$0xFFFFF7D0] =	vst v0;
	v10 =	vadd.f32 v16, v10;
	v16 =	vld [tilespmem:s24+$0xA50];
	v12 =	vadd.f32 v12, v17  }
0x189: {  	[tilespmem:s25+$0xFFFFF190] =	vst v0;
	v14 =	vadd.f32 v15, v14;
	v20 =	vld [tilespmem:s25+$0xFFFFF9E0]  }
0x18a: {  	[tilespmem:s25+$0xFFFFF5C0] =	vst v0;
	v10 =	vadd.f32 v19, v10;
	v19 =	vld [tilespmem:s24+$0xC60];
	v17 =	vmul.f32 v17, v6;
	v12 =	vmul.f32 v12, v6  }
0x18b: {  	v15 =	vld [tilespmem:s25+$0xFFFFFBF0];
	[tilespmem:s25+$0xFFFFFBF0] =	vst v0;
	v14 =	vadd.f32 v18, v14  }
0x18c: {  	s28 =	simm.s32 $0x1F0;
	[tilespmem:s24+$0xA50] =	vst v0;
	v18 =	vld [tilespmem:s25+$0xFFFFFE00];
	v10 =	vadd.f32 v21, v10;
	v17 =	vmul.f32 $1.442695020e+00, v17;
	v12 =	vmul.f32 $1.442695020e+00, v12  }
0x18d: {  	s28 =	scvt.s32.f32 s28;
	[tilespmem:s25+$0xFFFFFE00] =	vst v0;
	v21 =	vld [tilespmem:s24+$0xE70];
	v14 =	vadd.f32 v16, v14  }
0x18e: {  	s22 =	smul.f32 $1.953125000e-03, s22;
	v23 =	vpop (erf);
	[tilespmem:s25+$0xFFFFF9E0] =	vst v0;
	v20 =	vadd.f32 v20, v10;
	(erf) = vpow2.f32 v17  }
0x18f: {  	[tilespmem:s24+$0xC60] =	vst v0;
	v16 =	vld [tilespmem:s25+$0x10];
	v17 =	vadd.f32 s28, v5;
	v14 =	vadd.f32 v19, v14;
	v19, _, _ =	vpop (xrf2);
	(erf) = vpow2.f32 v12  }
0x190: {  	[tilespmem:s24+$0xE70] =	vst v0;
	v10 =	vmov s22;
	v24 =	vsub.f32 v19, v13;
	v15 =	vadd.f32 v15, v20;
	v20 =	vld [tilespmem:s25+$0xFFFFEF80];
	s30 =	spop (v2sf);
	v12 =	vpop (erf)  }
0x191: {  	[tilespmem:s25+$0x10] =	vst v0;
	v17 =	vmul.f32 v17, v10;
	(v2sf) =	vpush v19, $0xF;
	s28 =	sadd.f32 s30, s26;
	v12 =	vsub.f32 v23, v12;
	v23 =	vld [tilespmem:s25+$0x220]  }
0x192: {  	[tilespmem:s25+$0xFFFFEF80] =	vst v0;
	v14 =	vadd.f32 v21, v14;
	v15 =	vadd.f32 v18, v15;
	v18 =	vld [tilespmem:s25+$0xFFFFF3A0]  }
0x193: {  	v21 =	vld [tilespmem:s25+$0x430];
	[tilespmem:s25+$0x430] =	vst v0;
	v17 =	vadd.f32 v17, v9;
	v24 =	vadd.f32 s28, v24  }
0x194: {  	[tilespmem:s25+$0xFFFFF3A0] =	vst v0;
	v15 =	vadd.f32 v16, v15;
	v16 =	vld [tilespmem:s25+$0xFFFFF5B0];
	v25 =	vmul.f32 v12, v7;
	v12 =	vperm.xlane v14, v4  }
0x195: {  	s22 =	simm.s32 $0x1E0;
	[tilespmem:s25+$0x220] =	vst v0;
	v14 =	vld [tilespmem:s25+$0x640];
	v20 =	vadd.f32 v22, v20  }
0x196: {  	s31 =	scvt.s32.f32 s22;
	v22 =	vmul.f32 v25, v17;
	v17 =	vsub.f32 $1.108800000e+04, v24;
	(xrf2) =	vadd.scan.msk.f32 $0xffff, v12;
	v15 =	vadd.f32 v23, v15;
	v23 =	vld [tilespmem:s25+$0xFFFFF7C0]  }
0x197: {  	[tilespmem:s25+$0xFFFFF5B0] =	vst v0;
	v18 =	vadd.f32 v18, v20;
	v19 =	vpop (erf)  }
0x198: {  	[tilespmem:s25+$0x640] =	vst v0;
	v20 =	vadd.f32 s31, v5;
	v17 =	vmax.f32 v17, $0.0e+00;
	v26 =	vpop (erf);
	v15 =	vadd.f32 v21, v15;
	v21 =	vld [tilespmem:s25+$0xFFFFF9D0]  }
0x199: {  	[tilespmem:s25+$0xFFFFF7C0] =	vst v0;
	v16 =	vadd.f32 v16, v18;
	v13 =	vmin.f32 v13, v17;
	v18 =	vsub.f32 v19, v26  }
0x19a: {  	[tilespmem:s25+$0xFFFFF9D0] =	vst v0;
	v19 =	vld [tilespmem:s25+$0xFFFFFBE0];
	v13 =	vadd.f32 v13, v24;
	v14 =	vadd.f32 v14, v15;
	v15 =	vmul.f32 v20, v10  }
0x19b: {  	v17 =	vld [tilespmem:s25+$0xC70];
	[tilespmem:s25+$0xFFFFFBE0] =	vst v0;
	v20 =	vmul.f32 v24, v6;
	v62 =	vmul.f32 v18, v7;
	v23 =	vadd.f32 v23, v16  }
0x19c: {  	[tilespmem:s25+$0xC70] =	vst v0;
	v18 =	vld [tilespmem:s25+$0xFFFFFDF0];
	v13 =	vmul.f32 v13, v6;
	v14 =	vadd.f32 v61, v14;
	v63 =	vadd.f32 v15, v9  }
0x19d: {  	v11 =	vadd.f32 v22, v11;
	[tilespmem:s25+$0xFFFFFDF0] =	vst v0;
	v16 =	vld [tilespmem:s25+$0xE80];
	v15 =	vmul.f32 $1.442695020e+00, v20;
	v21 =	vadd.f32 v21, v23  }
0x19e: {  	s29 =	simm.s32 $0x1D220;
	s26 =	simm.s32 $0x4;
	[tilespmem:s25+$0xE80] =	vst v0;
	v20 =	vld [tilespmem:s25+$0x0];
	v22 =	vadd.f32 v27, v14;
	v14 =	vmul.f32 $1.442695020e+00, v13;
	v13 =	vmul.f32 v62, v63  }
.LBB2_9:
0x19f: {  	s26 =	sadd.s32 $0x2, s26;
	v19 =	vadd.f32 v19, v21;
	v21 =	vld [tilespmem:s25+$0x210];
	s29 =	sadd.s32 $0xFFFFFFE0, s29;
	(erf) = vpow2.f32 v15;
	[tilespmem:s23+$0x0] =	vst v0;
	s22 =	sadd.s32 $0xFFFFFFE0, s22  }
0x1a0: {  	s23 =	smov.u32 s24;
	v15 =	vld [tilespmem:s29+$0xFFFFF1A0];
	p0 =	slt.u32 s26, $0x1E;
	v17 =	vadd.f32 v17, v22;
	[tilespmem:s25+$0x210] =	vst v0;
	(erf) = vpow2.f32 v14;
	s30 =	spop (v2sf);
	v14, _, _ =	vpop (xrf2);
	v11 =	vadd.f32 v13, v11  }
0x1a1: {  	s24 =	smov.u32 s25;
	s25 =	smov.u32 s29;
	v13 =	vld [tilespmem:s29+$0xFFFFEF90];
	[tilespmem:s29+$0xFFFFF1A0] =	vst v0;
	v18 =	vadd.f32 v18, v19;
	s28 =	sadd.f32 s30, s28;
	v19 =	vsub.f32 v14, v12  }
0x1a2: {  	[tilespmem:s29+$0xFFFFEF90] =	vst v0;
	v16 =	vadd.f32 v16, v17;
	v17 =	vld [tilespmem:s24+$0x420];
	(v2sf) =	vpush v14, $0xF  }
0x1a3: {  	v14 =	vld [tilespmem:s29+$0xFFFFF3B0];
	v18 =	vadd.f32 v20, v18;
	[tilespmem:s24+$0x420] =	vst v0;
	v19 =	vadd.f32 s28, v19  }
0x1a4: {  	[tilespmem:s29+$0xFFFFF3B0] =	vst v0;
	v16 =	vperm.xlane v16, v4;
	v20 =	vld [tilespmem:s24+$0x630]  }
0x1a5: {  	s30 =	sadd.s32 $0x10, s22;
	v22 =	vld [tilespmem:s29+$0xFFFFF5C0];
	v26 =	vadd.f32 v21, v18;
	[tilespmem:s24+$0x630] =	vst v0;
	v21 =	vsub.f32 $1.108800000e+04, v19;
	v23 =	vmul.f32 v19, v6  }
0x1a6: {  	s30 =	scvt.s32.f32 s30;
	v13 =	vadd.f32 v15, v13;
	[tilespmem:s29+$0xFFFFF5C0] =	vst v0;
	v15 =	vld [tilespmem:s24+$0x840];
	(xrf2) =	vadd.scan.msk.f32 $0xffff, v16  }
0x1a7: {  	v24 =	vld [tilespmem:s29+$0xFFFFF7D0];
	v17 =	vadd.f32 v17, v26;
	[tilespmem:s24+$0x840] =	vst v0;
	v25 =	vmax.f32 v21, $0.0e+00;
	v21 =	vmul.f32 $1.442695020e+00, v23  }
0x1a8: {  	v23 =	vadd.f32 s30, v5;
	v13 =	vadd.f32 v14, v13;
	[tilespmem:s29+$0xFFFFF7D0] =	vst v0;
	v14 =	vld [tilespmem:s24+$0xA50];
	v12 =	vmin.f32 v12, v25;
	v18 =	vpop (erf)  }
0x1a9: {  	v25 =	vld [tilespmem:s29+$0xFFFFF9E0];
	v17 =	vadd.f32 v20, v17;
	[tilespmem:s24+$0xA50] =	vst v0;
	v12 =	vadd.f32 v12, v19;
	v19 =	vpop (erf)  }
0x1aa: {  	v13 =	vadd.f32 v22, v13;
	[tilespmem:s29+$0xFFFFF9E0] =	vst v0;
	v20 =	vld [tilespmem:s24+$0xC60];
	v18 =	vsub.f32 v18, v19;
	v19 =	vmul.f32 v23, v10  }
0x1ab: {  	v22 =	vld [tilespmem:s29+$0xFFFFFBF0];
	v15 =	vadd.f32 v15, v17;
	[tilespmem:s24+$0xC60] =	vst v0;
	v12 =	vmul.f32 v12, v6  }
0x1ac: {  	v13 =	vadd.f32 v24, v13;
	[tilespmem:s29+$0xFFFFFBF0] =	vst v0;
	v17 =	vld [tilespmem:s24+$0xE70];
	v18 =	vmul.f32 v18, v7;
	v19 =	vadd.f32 v19, v9  }
0x1ad: {  	v23 =	vld [tilespmem:s29+$0xFFFFFE00];
	v14 =	vadd.f32 v14, v15;
	[tilespmem:s24+$0xE70] =	vst v0;
	v12 =	vmul.f32 $1.442695020e+00, v12  }
0x1ae: {  	v13 =	vadd.f32 v25, v13;
	[tilespmem:s29+$0xFFFFFE00] =	vst v0;
	v15 =	vld [tilespmem:s29+$0xFFFFF190];
	v24 =	vmul.f32 v18, v19;
	(erf) = vpow2.f32 v21  }
0x1af: {  	v18 =	vld [tilespmem:s29+$0x10];
	[tilespmem:s29+$0xFFFFF190] =	vst v0;
	v14 =	vadd.f32 v20, v14;
	(erf) = vpow2.f32 v12  }
0x1b0: {  	v12 =	vadd.f32 v22, v13;
	[tilespmem:s29+$0x10] =	vst v0;
	v13 =	vld [tilespmem:s29+$0xFFFFEF80];
	v19, _, _ =	vpop (xrf2)  }
0x1b1: {  	v20 =	vld [tilespmem:s29+$0x220];
	[tilespmem:s29+$0xFFFFEF80] =	vst v0;
	v21 =	vsub.f32 v19, v16;
	(v2sf) =	vpush v19, $0xF;
	s30 =	spop (v2sf)  }
0x1b2: {  	v14 =	vadd.f32 v17, v14;
	v12 =	vadd.f32 v23, v12;
	[tilespmem:s29+$0x220] =	vst v0;
	v19 =	vld [tilespmem:s29+$0xFFFFF3A0];
	s28 =	sadd.f32 s30, s28  }
0x1b3: {  	v17 =	vld [tilespmem:s29+$0x430];
	[tilespmem:s29+$0xFFFFF3A0] =	vst v0  }
0x1b4: {  	v18 =	vadd.f32 v18, v12;
	[tilespmem:s29+$0x430] =	vst v0;
	v22 =	vld [tilespmem:s29+$0xFFFFF5B0];
	v21 =	vadd.f32 s28, v21;
	v12 =	vperm.xlane v14, v4  }
0x1b5: {  	s30 =	scvt.s32.f32 s22;
	v14 =	vld [tilespmem:s29+$0x640];
	v13 =	vadd.f32 v15, v13;
	[tilespmem:s29+$0xFFFFF5B0] =	vst v0  }
0x1b6: {  	v15 =	vadd.f32 v20, v18;
	[tilespmem:s29+$0x640] =	vst v0;
	v18 =	vld [tilespmem:s29+$0xFFFFF7C0];
	v28 =	vsub.f32 $1.108800000e+04, v21;
	(xrf2) =	vadd.scan.msk.f32 $0xffff, v12  }
0x1b7: {  	v26 =	vadd.f32 s30, v5;
	v25 =	vmul.f32 v21, v6;
	v23 =	vld [tilespmem:s29+$0x850];
	v13 =	vadd.f32 v19, v13;
	[tilespmem:s29+$0xFFFFF7C0] =	vst v0;
	v19 =	vpop (erf)  }
0x1b8: {  	v15 =	vadd.f32 v17, v15;
	[tilespmem:s29+$0x850] =	vst v0;
	v27 =	vld [tilespmem:s29+$0xFFFFF9D0];
	v17 =	vmax.f32 v28, $0.0e+00;
	v20 =	vpop (erf)  }
0x1b9: {  	v28 =	vld [tilespmem:s29+$0xA60];
	v13 =	vadd.f32 v22, v13;
	[tilespmem:s29+$0xFFFFF9D0] =	vst v0;
	v16 =	vmin.f32 v16, v17;
	v20 =	vsub.f32 v19, v20  }
.Ltmp3:
0x1ba: {  	v14 =	vadd.f32 v14, v15;
	[tilespmem:s29+$0xA60] =	vst v0;
	v19 =	vld [tilespmem:s29+$0xFFFFFBE0];
	v15 =	vadd.f32 v16, v21;
	v16 =	vmul.f32 v26, v10;
	(pc) =	sbr.rel @p0 .LBB2_9-.Ltmp3, $4  }
0x1bb: {  	v17 =	vld [tilespmem:s29+$0xC70];
	v13 =	vadd.f32 v18, v13;
	[tilespmem:s29+$0xFFFFFBE0] =	vst v0;
	v26 =	vmul.f32 v20, v7  }
0x1bc: {  	v14 =	vadd.f32 v23, v14;
	[tilespmem:s29+$0xC70] =	vst v0;
	v18 =	vld [tilespmem:s29+$0xFFFFFDF0];
	v23 =	vmul.f32 v15, v6;
	v29 =	vadd.f32 v16, v9  }
0x1bd: {  	v11 =	vadd.f32 v24, v11;
	v15 =	vmul.f32 $1.442695020e+00, v25;
	v16 =	vld [tilespmem:s29+$0xE80];
	v21 =	vadd.f32 v27, v13;
	[tilespmem:s29+$0xFFFFFDF0] =	vst v0  }
0x1be: {  	v22 =	vadd.f32 v28, v14;
	[tilespmem:s29+$0xE80] =	vst v0;
	v20 =	vld [tilespmem:s29+$0x0];
	v14 =	vmul.f32 $1.442695020e+00, v23;
	v13 =	vmul.f32 v26, v29  }
0x1bf: {  	_ = 	snop  }
0x1c0: {  	v19 =	vadd.f32 v19, v21;
	v17 =	vadd.f32 v17, v22  }
0x1c1: {  	v21 =	vld [tilespmem:s25+$0x210]  }
0x1c2: {  	v18 =	vadd.f32 v18, v19;
	v16 =	vadd.f32 v16, v17  }
0x1c3: {  	v17 =	vld [tilespmem:s25+$0x420]  }
0x1c4: {  	v18 =	vadd.f32 v20, v18;
	v16 =	vperm.xlane v16, v4  }
0x1c5: {  	v19 =	vld [tilespmem:s25+$0x630]  }
0x1c6: {  	v18 =	vadd.f32 v21, v18;
	(xrf2) =	vadd.scan.msk.f32 $0xffff, v16  }
0x1c7: {  	v20 =	vld [tilespmem:s25+$0x840]  }
0x1c8: {  	v17 =	vadd.f32 v17, v18  }
0x1c9: {  	v18 =	vld [tilespmem:s25+$0xA50]  }
0x1ca: {  	v17 =	vadd.f32 v19, v17  }
0x1cb: {  	v19 =	vld [tilespmem:s25+$0xC60]  }
0x1cc: {  	v17 =	vadd.f32 v20, v17  }
0x1cd: {  	v21 =	vld [tilespmem:s25+$0xE70];
	v20, _, _ =	vpop (xrf2)  }
0x1ce: {  	(v2sf) =	vpush v20, $0xF;
	v17 =	vadd.f32 v18, v17;
	_ =	sdelay $0x1  }
0x1cf: {  	v17 =	vadd.f32 v19, v17;
	v18, _, _ =	vpop (xrf2)  }
0x1d0: {  	(v2sf) =	vpush v18, $0xF  }
0x1d1: {  	v17 =	vadd.f32 v21, v17;
	_ =	sdelay $0x1  }
0x1d2: {  	v17 =	vperm.xlane v17, v4;
	_ =	sdelay $0x1  }
0x1d3: {  	(xrf2) =	vadd.scan.msk.f32 $0xffff, v17;
	_ =	sdelay $0x3  }
0x1d4: {  	s26 =	spop (v2sf)  }
0x1d5: {  	s26 =	sadd.f32 s26, s28;
	v19 =	vsub.f32 v20, v12;
	_ =	sdelay $0x1  }
0x1d6: {  	v19 =	vadd.f32 s26, v19;
	s30 =	spop (v2sf)  }
0x1d7: {  	v18 =	vsub.f32 v18, v16;
	s26 =	sadd.f32 s30, s26  }
0x1d8: {  	v20 =	vsub.f32 $1.108800000e+04, v19  }
0x1d9: {  	v18 =	vadd.f32 s26, v18;
	v21, _, _ =	vpop (xrf2);
	s31 =	spop (v2sf)  }
0x1da: {  	v20 =	vmax.f32 v20, $0.0e+00;
	v22 =	vsub.f32 v21, v17;
	s26 =	sadd.f32 s31, s26  }
0x1db: {  	v12 =	vmin.f32 v12, v20;
	v20 =	vsub.f32 $1.108800000e+04, v18  }
0x1dc: {  	v12 =	vadd.f32 v12, v19;
	v22 =	vadd.f32 s26, v22  }
0x1dd: {  	(erf) = vpow2.f32 v15;
	v15 =	vmul.f32 v19, v6;
	v19 =	vmax.f32 v20, $0.0e+00  }
0x1de: {  	v12 =	vmul.f32 v12, v6;
	v16 =	vmin.f32 v16, v19;
	v19 =	vsub.f32 $1.108800000e+04, v22  }
0x1df: {  	(erf) = vpow2.f32 v14;
	v14 =	vmul.f32 $1.442695020e+00, v15;
	v15 =	vadd.f32 v16, v18  }
0x1e0: {  	v12 =	vmul.f32 $1.442695020e+00, v12;
	v16 =	vmul.f32 v18, v6;
	v18 =	vmax.f32 v19, $0.0e+00  }
0x1e1: {  	(erf) = vpow2.f32 v14;
	v14 =	vmul.f32 v15, v6;
	v15 =	vmin.f32 v17, v18  }
0x1e2: {  	(erf) = vpow2.f32 v12;
	v12 =	vmul.f32 $1.442695020e+00, v16;
	v15 =	vadd.f32 v15, v22;
	_ =	sdelay $0x1  }
0x1e3: {  	(erf) = vpow2.f32 v12;
	v12 =	vmul.f32 v15, v6  }
0x1e4: {  	s22 =	sadd.s32 $0xFFFFFFE0, s22;
	v16 =	vmul.f32 v22, v6;
	v14 =	vmul.f32 $1.442695020e+00, v14  }
0x1e5: {  	s29 =	sadd.s32 $0x10, s22;
	v12 =	vmul.f32 $1.442695020e+00, v12  }
0x1e6: {  	s26 =	scvt.s32.f32 s29;
	(erf) = vpow2.f32 v14;
	v14 =	vmul.f32 $1.442695020e+00, v16  }
0x1e7: {  	s30 =	scvt.s32.f32 s22  }
0x1e8: {  	(erf) = vpow2.f32 v14;
	v14 =	vadd.f32 s26, v5;
	v15 =	vpop (erf)  }
0x1e9: {  	s22 =	sadd.s32 $0xFFFFFFE0, s22;
	v16 =	vadd.f32 s30, v5;
	(erf) = vpow2.f32 v12;
	v12 =	vpop (erf)  }
0x1ea: {  	s31 =	sadd.s32 $0x10, s22;
	v14 =	vmul.f32 v14, v10;
	v12 =	vsub.f32 v15, v12;
	v15 =	vpop (erf)  }
0x1eb: {  	s26 =	scvt.s32.f32 s31;
	v16 =	vmul.f32 v16, v10;
	v17 =	vpop (erf)  }
0x1ec: {  	v14 =	vadd.f32 v14, v9;
	v12 =	vmul.f32 v12, v7;
	v15 =	vsub.f32 v15, v17  }
0x1ed: {  	v11 =	vadd.f32 v13, v11;
	v13 =	vadd.f32 s26, v5  }
0x1ee: {  	v12 =	vmul.f32 v12, v14;
	v14 =	vmul.f32 v15, v7;
	v15 =	vadd.f32 v16, v9  }
0x1ef: {  	s22 =	scvt.s32.f32 s22;
	v18 =	vpop (erf)  }
0x1f0: {  	v13 =	vmul.f32 v13, v10;
	v17 =	vpop (erf)  }
0x1f1: {  	v16 =	vsub.f32 v18, v17;
	v17 =	vadd.f32 s22, v5;
	v18 =	vpop (erf)  }
0x1f2: {  	v13 =	vadd.f32 v13, v9;
	v11 =	vadd.f32 v12, v11;
	v12 =	vmul.f32 v14, v15;
	v15 =	vpop (erf)  }
0x1f3: {  	v14 =	vmul.f32 v16, v7;
	v10 =	vmul.f32 v17, v10;
	v15 =	vsub.f32 v18, v15  }
0x1f4: {  	v11 =	vadd.f32 v12, v11  }
0x1f5: {  	v12 =	vmul.f32 v14, v13;
	v9 =	vadd.f32 v10, v9;
	v13 =	vmul.f32 v15, v7;
	_ =	sdelay $0x1  }
0x1f6: {  	v10 =	vadd.f32 v12, v11;
	v9 =	vmul.f32 v13, v9;
	_ =	sdelay $0x1  }
0x1f7: {  	v9 =	vadd.f32 v9, v10;
	_ =	sdelay $0x1  }
0x1f8: {  	(xrf2) =	vadd.scan.msk.f32 $0xffff, v9;
	_ =	sdelay $0x8  }
0x1f9: {  	(v2sf) =	vpush v21, $0xF  }
0x1fa: {  	v9, _, _ =	vpop (xrf2)  }
0x1fb: {  	(v2sf) =	vpush v9, $0xF;
	_ =	sdelay $0x3  }
0x1fc: {  	[tilespmem:s25+$0x210] =	vst v0  }
0x1fd: {  	[tilespmem:s23+$0x0] =	vst v0  }
0x1fe: {  	[tilespmem:s24+$0x0] =	vst v0  }
0x1ff: {  	[tilespmem:s25+$0x0] =	vst v0  }
0x200: {  	[tilespmem:s25+$0x630] =	vst v0  }
0x201: {  	[tilespmem:s25+$0x420] =	vst v0  }
0x202: {  	p0 =	seq.s32 s19, $0x17;
	[tilespmem:s25+$0x840] =	vst v0  }
0x203: {  	s21 =	sshrl.u32 @!p0 s21, $0x3;
	[tilespmem:s25+$0xE70] =	vst v0  }
0x204: {  	s21 =	sadd.s32 @!p0 s0, s21;
	[tilespmem:s25+$0xA50] =	vst v0  }
0x205: {  	s21 =	sadd.s32 @!p0 $0x3800, s21;
	[tilespmem:s25+$0xC60] =	vst v0;
	s28 =	spop (v2sf);
	s22 =	simm.s32 @!p0 $0x0  }
0x206: {  	[tilespmem:s22], [sflag:$0x1] =	stream.linear.gather @!p0 [hbm4b:s21+s22], $0xE000, $0x38;
	[tilespmem:$0x1E200] =	vst v63  }
0x207: {  	s29 =	spop (v2sf)  }
0x208: {  	_ =	swait.ge [sflag:s14], $0xE000  }
0x209: {  	s30 =	simm.s32 $0x0;
	[sflag:s14] =	ssyncset.done $0x0  }
0x20a: {  	s31 =	sand.u32 $0xF800, s30;
	s21 =	sand.u32 $0x300, s30;
	[sflag:s14] =	ssyncadd.s32 $0xFFFF2000  }
0x20b: {  	s22 =	sor.u32 s21, s31;
	v25 =	vld [tilespmem:$0xE000]  }
0x20c: {  	v12 =	vld [tilespmem:s22+$0xE0F0]  }
0x20d: {  	v18 =	vld [tilespmem:s22+$0xE050]  }
0x20e: {  	v20 =	vld [tilespmem:s22+$0xE040]  }
0x20f: {  	v11 =	vld [tilespmem:s22+$0xE4C0]  }
0x210: {  	v10 =	vld [tilespmem:s22+$0xE410]  }
0x211: {  	v17 =	vld [tilespmem:s22+$0xE070]  }
0x212: {  	v13 =	vld [tilespmem:s22+$0xE400]  }
0x213: {  	v9 =	vld [tilespmem:s22+$0xE0A0]  }
0x214: {  	v15 =	vld [tilespmem:s22+$0xE090]  }
0x215: {  	v14 =	vld [tilespmem:s22+$0xE0D0]  }
0x216: {  	v16 =	vld [tilespmem:s22+$0xE0C0]  }
0x217: {  	v23 =	vld [tilespmem:s22+$0xE080]  }
0x218: {  	v19 =	vld [tilespmem:s22+$0xE450]  }
0x219: {  	v24 =	vld [tilespmem:s22+$0xE440]  }
0x21a: {  	v26 =	vld [tilespmem:s22+$0xE430]  }
0x21b: {  	v28 =	vld [tilespmem:s22+$0xE420]  }
0x21c: {  	v29 =	vld [tilespmem:s22+$0xE4D0]  }
0x21d: {  	v22 =	vld [tilespmem:s22+$0xE060]  }
0x21e: {  	v37 =	vld [tilespmem:s22+$0xE030];
	v30 =	vmin.f32 v16, v14;
	v14 =	vmax.f32 v16, v14  }
0x21f: {  	v21 =	vld [tilespmem:s22+$0xE010];
	v31 =	vmin.f32 v24, v19;
	v24 =	vmax.f32 v24, v19;
	v19 =	vmin.f32 v23, v15  }
0x220: {  	v38 =	vld [tilespmem:s22+$0xE020];
	v16 =	vmax.f32 v23, v15;
	v15 =	vmin.f32 v28, v26;
	v23 =	vmax.f32 v28, v26  }
0x221: {  	v27 =	vld [tilespmem:s22+$0xE000];
	v26 =	vmax.f32 v11, v29;
	v29 =	vmin.f32 v11, v29;
	v24 =	vmax.f32 v25, v24  }
0x222: {  	v33 =	vld [tilespmem:s22+$0xE4B0];
	v28 =	vmin.f32 v25, v31;
	v11 =	vmax.f32 v24, v26;
	v24 =	vmin.f32 v20, v18  }
0x223: {  	v36 =	vld [tilespmem:s22+$0xE4A0];
	v41 =	vmax.f32 v20, v18;
	v35 =	vmov v25;
	v26 =	vmin.f32 v25, v15  }
0x224: {  	s23 =	simm.s32 $0x0;
	v34 =	vld [tilespmem:s22+$0xE480];
	v32 =	vmovc v25;
	v15 =	vmin.f32 v28, v29;
	v29 =	vmax.f32 v25, v23;
	v20 =	vmovc v25;
	v18 =	vmov v25  }
0x225: {  	s24 =	simm.s32 $0x100;
	s25 =	simm.s32 $0x200;
	s21 =	smul.f32 s29, s18;
	v39 =	vld [tilespmem:s22+$0xE0E0];
	v40 =	vmin.f32 v25, v24;
	v31 =	vmovc v25;
	v23 =	vmovc v25;
	v28 =	vmov v25;
	v24 =	vmov v25  }
.LBB2_11:
0x226: {  	s26 =	sand.u32 $0xF800, s25;
	s28 =	sand.u32 $0x300, s24;
	s23 =	sadd.s32 $0x2, s23;
	v42 =	vmin.f32 v38, v37;
	v37 =	vmax.f32 v38, v37;
	v38 =	vmax.f32 v13, v10;
	v43 =	vld [tilespmem:s22+$0xE490]  }
0x227: {  	v44 =	vmax.f32 v22, v17;
	v35 =	vmax.f32 v35, v41;
	p0 =	slt.u32 s23, $0xDE;
	v25 =	vmax.f32 v25, v37;
	v37 =	vld [tilespmem:s22+$0xE0B0];
	s22 =	sor.u32 s28, s26  }
0x228: {  	v17 =	vmin.f32 v22, v17;
	v22 =	vmax.f32 v32, v38;
	v41 =	vld [tilespmem:s22+$0xE0F0];
	v38 =	vmax.f32 v36, v33  }
0x229: {  	v40 =	vmin.f32 v40, v30;
	v31 =	vmin.f32 v31, v17;
	v17 =	vmax.f32 v28, v44;
	v45 =	vld [tilespmem:s22+$0xE050]  }
0x22a: {  	v30 =	vmin.f32 v27, v21;
	v33 =	vmin.f32 v36, v33;
	v44 =	vld [tilespmem:s22+$0xE040];
	v32 =	vmin.f32 v39, v12  }
0x22b: {  	v13 =	vmin.f32 v13, v10;
	v39 =	vmax.f32 v39, v12;
	v46 =	vld [tilespmem:s22+$0xE4C0];
	v36 =	vmin.f32 v34, v43  }
0x22c: {  	v13 =	vmin.f32 v23, v13;
	v34 =	vmax.f32 v34, v43;
	v28 =	vmax.f32 v17, v39;
	v10 =	vld [tilespmem:s22+$0xE410]  }
0x22d: {  	v21 =	vmax.f32 v27, v21;
	v27 =	vmin.f32 v9, v37;
	v23 =	vmin.f32 v13, v36;
	v17 =	vld [tilespmem:s22+$0xE070];
	v12 =	vmovc v41  }
0x22e: {  	v31 =	vmin.f32 v31, v32;
	v36 =	vmax.f32 v9, v37;
	v32 =	vmax.f32 v22, v34;
	v13 =	vld [tilespmem:s22+$0xE400]  }
0x22f: {  	v20 =	vmin.f32 v20, v30;
	v24 =	vmin.f32 v24, v42;
	v29 =	vmax.f32 v29, v38;
	v9 =	vld [tilespmem:s22+$0xE0A0]  }
0x230: {  	v18 =	vmax.f32 v18, v21;
	v35 =	vmax.f32 v35, v14;
	v20 =	vmin.f32 v20, v19;
	v22 =	vld [tilespmem:s22+$0xE060]  }
0x231: {  	v18 =	vmax.f32 v18, v16;
	v26 =	vmin.f32 v26, v33;
	v24 =	vmin.f32 v24, v27;
	v34 =	vld [tilespmem:s22+$0xE090]  }
0x232: {  	v25 =	vmax.f32 v25, v36;
	v14 =	vld [tilespmem:s22+$0xE0D0]  }
0x233: {  	v16 =	vld [tilespmem:s22+$0xE0C0]  }
0x234: {  	v27 =	vld [tilespmem:s22+$0xE080]  }
0x235: {  	v19 =	vld [tilespmem:s22+$0xE450]  }
0x236: {  	v33 =	vld [tilespmem:s22+$0xE440]  }
0x237: {  	v36 =	vld [tilespmem:s22+$0xE430]  }
0x238: {  	v39 =	vld [tilespmem:s22+$0xE420];
	v30 =	vmin.f32 v16, v14;
	v14 =	vmax.f32 v16, v14  }
0x239: {  	v41 =	vld [tilespmem:s22+$0xE4D0]  }
0x23a: {  	v37 =	vld [tilespmem:s22+$0xE030]  }
0x23b: {  	v21 =	vld [tilespmem:s22+$0xE010];
	v42 =	vmin.f32 v33, v19;
	v33 =	vmax.f32 v33, v19  }
0x23c: {  	v16 =	vmax.f32 v27, v34;
	v19 =	vmin.f32 v27, v34;
	v38 =	vld [tilespmem:s22+$0xE020]  }
.Ltmp4:
0x23d: {  	v27 =	vld [tilespmem:s22+$0xE000];
	v34 =	vmin.f32 v39, v36;
	v39 =	vmax.f32 v39, v36;
	(pc) =	sbr.rel @p0 .LBB2_11-.Ltmp4, $4  }
0x23e: {  	v11 =	vmax.f32 v11, v33;
	v33 =	vld [tilespmem:s22+$0xE4B0];
	v43 =	vmax.f32 v46, v41  }
0x23f: {  	v15 =	vmin.f32 v15, v42;
	v41 =	vmin.f32 v46, v41;
	v36 =	vld [tilespmem:s22+$0xE4A0];
	v11 =	vmax.f32 v11, v43  }
0x240: {  	v42 =	vmin.f32 v44, v45;
	v26 =	vmin.f32 v26, v34;
	v15 =	vmin.f32 v15, v41;
	v34 =	vld [tilespmem:s22+$0xE480]  }
0x241: {  	s24 =	sadd.s32 $0x100, s24;
	s25 =	sadd.s32 $0x200, s25;
	v40 =	vmin.f32 v40, v42;
	v29 =	vmax.f32 v29, v39;
	v41 =	vmax.f32 v44, v45;
	v39 =	vld [tilespmem:s22+$0xE0E0]  }
0x242: {  	v42 =	vmin.f32 v38, v37  }
0x243: {  	v60 =	vmax.f32 v38, v37;
	v61 =	vmax.f32 v13, v10;
	v44 =	vmax.f32 v22, v17  }
0x244: {  	v35 =	vmax.f32 v35, v41;
	v62 =	vld [tilespmem:s22+$0xE0B0];
	v17 =	vmin.f32 v22, v17;
	v30 =	vmin.f32 v40, v30  }
0x245: {  	v43 =	vld [tilespmem:s22+$0xE490];
	v10 =	vmin.f32 v13, v10;
	v50 =	vmax.f32 v27, v21;
	v25 =	vmax.f32 v25, v60  }
0x246: {  	v63 =	vmax.f32 v32, v61;
	v17 =	vmin.f32 v31, v17;
	v28 =	vmax.f32 v28, v44  }
0x247: {  	v44 =	vmin.f32 v27, v21;
	v10 =	vmin.f32 v23, v10;
	v24 =	vmin.f32 v24, v42  }
0x248: {  	v18 =	vmax.f32 v18, v50;
	v41 =	vmax.f32 v36, v33;
	v46 =	vmin.f32 v36, v33  }
0x249: {  	v20 =	vmin.f32 v20, v44;
	v16 =	vmax.f32 v18, v16;
	v47 =	vmin.f32 v9, v62  }
0x24a: {  	v19 =	vmin.f32 v20, v19;
	v13 =	vmin.f32 v34, v43;
	v49 =	vmin.f32 v24, v47  }
0x24b: {  	v45 =	vmin.f32 v39, v12;
	v10 =	vmin.f32 v10, v13;
	v13 =	vmin.f32 v19, v49  }
0x24c: {  	v51 =	vmin.f32 v26, v46;
	v17 =	vmin.f32 v17, v45;
	v13 =	vmin.f32 v13, v30  }
0x24d: {  	v12 =	vmax.f32 v39, v12;
	v9 =	vmax.f32 v9, v62;
	v13 =	vmin.f32 v13, v17  }
0x24e: {  	v48 =	vmax.f32 v34, v43;
	v9 =	vmax.f32 v25, v9;
	v10 =	vmin.f32 v13, v10  }
0x24f: {  	v9 =	vmax.f32 v16, v9;
	v13 =	vmax.f32 v35, v14;
	v10 =	vmin.f32 v10, v51  }
0x250: {  	v12 =	vmax.f32 v28, v12;
	v9 =	vmax.f32 v9, v13;
	v10 =	vmin.f32 v10, v15  }
0x251: {  	v13 =	vmax.f32 v63, v48;
	v9 =	vmax.f32 v9, v12;
	v10 =	vsub.f32 $0.0e+00, v10  }
0x252: {  	v12 =	vmax.f32 v29, v41;
	v9 =	vmax.f32 v9, v13  }
0x253: {  	v9 =	vmax.f32 v9, v12;
	(xrf0) =	vmax.scan.msk.f32 $0xffff, v10  }
0x254: {  	v9 =	vmax.f32 v9, v11  }
0x255: {  	(xrf0) =	vmax.scan.msk.f32 $0xffff, v9;
	_ =	sdelay $0x3  }
0x256: {  	v9, _, _ =	vpop (xrf0)  }
0x257: {  	(v2sf) =	vpush v9, $0xF  }
0x258: {  	v9, _, _ =	vpop (xrf0)  }
0x259: {  	(v2sf) =	vpush v9, $0xF;
	_ =	sdelay $0xc  }
0x25a: {  	s30 =	simm.s32 $0x0;
	s29 =	spop (v2sf)  }
0x25b: {  	s25 =	sand.u32 $0xF800, s30;
	s22 =	sand.u32 $0x300, s30;
	s24 =	ssub.f32 $0.0e+00, s29  }
0x25c: {  	s31 =	sor.u32 s22, s25;
	s23 =	spop (v2sf)  }
0x25d: {  	v52 =	vld [tilespmem:s31+$0xE480];
	s26 =	ssub.f32 s23, s24  }
0x25e: {  	v53 =	vld [tilespmem:s31+$0xE490]  }
0x25f: {  	v54 =	vld [tilespmem:s31+$0xE4A0];
	s22 =	smax.f32 s26, $1.000000000e-30  }
0x260: {  	v16 =	vld [tilespmem:s31+$0xE0E0];
	v9 =	vmov s22  }
0x261: {  	v14 =	vld [tilespmem:s31+$0xE0C0];
	(erf) = vrcp.f32 v9  }
0x262: {  	v12 =	vld [tilespmem:s31+$0xE0A0]  }
0x263: {  	v10 =	vld [tilespmem:s31+$0xE080]  }
0x264: {  	v11 =	vld [tilespmem:s31+$0xE090]  }
0x265: {  	v13 =	vld [tilespmem:s31+$0xE0B0]  }
0x266: {  	v15 =	vld [tilespmem:s31+$0xE0D0]  }
0x267: {  	v17 =	vld [tilespmem:s31+$0xE0F0];
	v9 =	vmov s24  }
0x268: {  	v55 =	vld [tilespmem:s31+$0xE4B0];
	v56 =	vsub.f32 v10, v9  }
0x269: {  	v57 =	vld [tilespmem:s31+$0xE4C0];
	v11 =	vsub.f32 v11, v9;
	v12 =	vsub.f32 v12, v9  }
0x26a: {  	v58 =	vld [tilespmem:s31+$0xE4D0];
	v13 =	vsub.f32 v13, v9;
	v14 =	vsub.f32 v14, v9;
	v10 =	vpop (erf)  }
0x26b: {  	v61 =	vld [tilespmem:s31+$0xE020];
	v15 =	vsub.f32 v15, v9;
	v16 =	vsub.f32 v16, v9;
	v10 =	vmul.f32 $5.120000000e+02, v10  }
0x26c: {  	v59 =	vld [tilespmem:s31+$0xE000];
	v17 =	vsub.f32 v17, v9;
	v18 =	vsub.f32 v52, v9  }
0x26d: {  	v60 =	vld [tilespmem:s31+$0xE010];
	v19 =	vsub.f32 v53, v9;
	v20 =	vsub.f32 v54, v9;
	v22 =	vmul.f32 v56, v10  }
0x26e: {  	v36 =	vld [tilespmem:s31+$0xE050];
	v21 =	vsub.f32 v55, v9;
	v23 =	vsub.f32 v57, v9;
	v11 =	vmul.f32 v11, v10  }
0x26f: {  	v37 =	vld [tilespmem:s31+$0xE060];
	v24 =	vsub.f32 v58, v9;
	v12 =	vmul.f32 v12, v10;
	v22 =	vadd.f32 v2, v22  }
0x270: {  	v38 =	vld [tilespmem:s31+$0xE070];
	v45 =	vsub.f32 v61, v9;
	v13 =	vmul.f32 v13, v10;
	v11 =	vadd.f32 v2, v11  }
0x271: {  	v40 =	vld [tilespmem:s31+$0xE410];
	v14 =	vmul.f32 v14, v10;
	v12 =	vadd.f32 v2, v12;
	v22 =	vadd.s32 $0xB4C00000, v22  }
0x272: {  	v39 =	vld [tilespmem:s31+$0xE400];
	v15 =	vmul.f32 v15, v10;
	v13 =	vadd.f32 v2, v13;
	v11 =	vadd.s32 $0xB4C00000, v11  }
0x273: {  	v62 =	vld [tilespmem:s31+$0xE030];
	v16 =	vmul.f32 v16, v10;
	v14 =	vadd.f32 v2, v14;
	v12 =	vadd.s32 $0xB4C00000, v12  }
0x274: {  	v63 =	vld [tilespmem:s31+$0xE040];
	v17 =	vmul.f32 v17, v10;
	v15 =	vadd.f32 v2, v15;
	v13 =	vadd.s32 $0xB4C00000, v13  }
0x275: {  	v53 =	vld [tilespmem:s31+$0xE420];
	v18 =	vmul.f32 v18, v10;
	v16 =	vadd.f32 v2, v16;
	v14 =	vadd.s32 $0xB4C00000, v14  }
0x276: {  	v19 =	vmul.f32 v19, v10;
	v17 =	vadd.f32 v2, v17;
	v15 =	vadd.s32 $0xB4C00000, v15;
	[tilespmem:v22+s13+$0x0] =	vst.idx.add.f32.msk $0xffff, v3  }
0x277: {  	v20 =	vmul.f32 v20, v10;
	v18 =	vadd.f32 v2, v18;
	[tilespmem:v11+s13+$0x0] =	vst.idx.add.f32.msk $0xffff, v3;
	v11 =	vadd.s32 $0xB4C00000, v16  }
0x278: {  	v46 =	vsub.f32 v62, v9;
	v16 =	vadd.f32 v2, v19;
	[tilespmem:v12+s13+$0x0] =	vst.idx.add.f32.msk $0xffff, v3;
	v12 =	vadd.s32 $0xB4C00000, v17  }
0x279: {  	v41 =	vmul.f32 v21, v10;
	v17 =	vadd.f32 v2, v20;
	[tilespmem:v13+s13+$0x0] =	vst.idx.add.f32.msk $0xffff, v3;
	v13 =	vadd.s32 $0xB4C00000, v18  }
0x27a: {  	v47 =	vsub.f32 v36, v9;
	v48 =	vsub.f32 v38, v9;
	[tilespmem:v14+s13+$0x0] =	vst.idx.add.f32.msk $0xffff, v3;
	v14 =	vadd.s32 $0xB4C00000, v16  }
0x27b: {  	v49 =	vsub.f32 v39, v9;
	v43 =	vadd.f32 v2, v41;
	[tilespmem:v15+s13+$0x0] =	vst.idx.add.f32.msk $0xffff, v3;
	v15 =	vadd.s32 $0xB4C00000, v17  }
0x27c: {  	v50 =	vsub.f32 v40, v9;
	v58 =	vsub.f32 v53, v9;
	[tilespmem:v11+s13+$0x0] =	vst.idx.add.f32.msk $0xffff, v3  }
0x27d: {  	v42 =	vmul.f32 v23, v10;
	v44 =	vmul.f32 v24, v10;
	v11 =	vadd.s32 $0xB4C00000, v43;
	[tilespmem:v12+s13+$0x0] =	vst.idx.add.f32.msk $0xffff, v3  }
0x27e: {  	v51 =	vmul.f32 v46, v10;
	v16 =	vsub.f32 v59, v9;
	[tilespmem:v13+s13+$0x0] =	vst.idx.add.f32.msk $0xffff, v3  }
0x27f: {  	v52 =	vmul.f32 v47, v10;
	v17 =	vsub.f32 v60, v9;
	[tilespmem:v14+s13+$0x0] =	vst.idx.add.f32.msk $0xffff, v3  }
0x280: {  	v20 =	vadd.f32 v2, v42;
	[tilespmem:v15+s13+$0x0] =	vst.idx.add.f32.msk $0xffff, v3;
	v15 =	vmul.f32 v16, v10  }
0x281: {  	v54 =	vld [tilespmem:s31+$0xE430];
	v19 =	vadd.f32 v2, v44;
	v12 =	vsub.f32 v63, v9;
	v17 =	vmul.f32 v17, v10  }
0x282: {  	v14 =	vadd.s32 $0xB4C00000, v20;
	[tilespmem:v11+s13+$0x0] =	vst.idx.add.f32.msk $0xffff, v3;
	v11 =	vmul.f32 v45, v10;
	v15 =	vadd.f32 v2, v15  }
0x283: {  	v23 =	vmul.f32 v48, v10;
	v56 =	vld [tilespmem:s31+$0xE450];
	v17 =	vadd.f32 v2, v17;
	v16 =	vadd.s32 $0xB4C00000, v19  }
0x284: {  	v12 =	vmul.f32 v12, v10;
	v11 =	vadd.f32 v2, v11;
	v15 =	vadd.s32 $0xB4C00000, v15  }
0x285: {  	v18 =	vadd.f32 v2, v51;
	v13 =	vsub.f32 v37, v9;
	v17 =	vadd.s32 $0xB4C00000, v17  }
0x286: {  	v55 =	vld [tilespmem:s31+$0xE440];
	v57 =	vadd.f32 v2, v52;
	v12 =	vadd.f32 v2, v12;
	v11 =	vadd.s32 $0xB4C00000, v11  }
0x287: {  	v59 =	vsub.f32 v54, v9;
	v18 =	vadd.s32 $0xB4C00000, v18;
	v13 =	vmul.f32 v13, v10;
	[tilespmem:v14+s13+$0x0] =	vst.idx.add.f32.msk $0xffff, v3  }
0x288: {  	v60 =	vsub.f32 v56, v9;
	v20 =	vmul.f32 v49, v10;
	v12 =	vadd.s32 $0xB4C00000, v12;
	[tilespmem:v16+s13+$0x0] =	vst.idx.add.f32.msk $0xffff, v3  }
0x289: {  	v13 =	vadd.f32 v2, v13;
	v16 =	vadd.f32 v2, v23;
	[tilespmem:v15+s13+$0x0] =	vst.idx.add.f32.msk $0xffff, v3;
	v15 =	vadd.s32 $0xB4C00000, v57  }
0x28a: {  	v20 =	vadd.f32 v2, v20;
	v14 =	vmul.f32 v50, v10;
	[tilespmem:v17+s13+$0x0] =	vst.idx.add.f32.msk $0xffff, v3  }
0x28b: {  	v13 =	vadd.s32 $0xB4C00000, v13;
	[tilespmem:v11+s13+$0x0] =	vst.idx.add.f32.msk $0xffff, v3;
	v11 =	vadd.s32 $0xB4C00000, v16;
	v16 =	vmul.f32 v58, v10  }
0x28c: {  	v14 =	vadd.f32 v2, v14;
	v17 =	vsub.f32 v55, v9;
	[tilespmem:v18+s13+$0x0] =	vst.idx.add.f32.msk $0xffff, v3  }
0x28d: {  	v62 =	vmul.f32 v60, v10;
	v61 =	vadd.s32 $0xB4C00000, v20;
	[tilespmem:v12+s13+$0x0] =	vst.idx.add.f32.msk $0xffff, v3;
	v12 =	vadd.f32 v2, v16  }
0x28e: {  	v19 =	vmul.f32 v59, v10;
	v17 =	vmul.f32 v17, v10;
	[tilespmem:v15+s13+$0x0] =	vst.idx.add.f32.msk $0xffff, v3;
	v15 =	vadd.s32 $0xB4C00000, v14  }
0x28f: {  	v63 =	vadd.f32 v2, v62;
	v14 =	vadd.s32 $0xB4C00000, v12  }
0x290: {  	v16 =	vadd.f32 v2, v19;
	v17 =	vadd.f32 v2, v17;
	[tilespmem:v13+s13+$0x0] =	vst.idx.add.f32.msk $0xffff, v3  }
0x291: {  	[tilespmem:v11+s13+$0x0] =	vst.idx.add.f32.msk $0xffff, v3  }
0x292: {  	s25 =	simm.s32 $0x200;
	s23 =	simm.s32 $0x0;
	s24 =	simm.s32 $0x100;
	v13 =	vadd.s32 $0xB4C00000, v16;
	v12 =	vadd.s32 $0xB4C00000, v17;
	v11 =	vadd.s32 $0xB4C00000, v63;
	[tilespmem:v61+s13+$0x0] =	vst.idx.add.f32.msk $0xffff, v3  }
.LBB2_13:
0x293: {  	s26 =	sand.u32 $0xF800, s25;
	s28 =	sand.u32 $0x300, s24;
	[tilespmem:v15+s13+$0x0] =	vst.idx.add.f32.msk $0xffff, v3  }
0x294: {  	s26 =	sor.u32 s28, s26;
	[tilespmem:v14+s13+$0x0] =	vst.idx.add.f32.msk $0xffff, v3  }
0x295: {  	v14 =	vld [tilespmem:s26+$0xE080]  }
0x296: {  	v15 =	vld [tilespmem:s26+$0xE090]  }
0x297: {  	v16 =	vld [tilespmem:s26+$0xE0A0]  }
0x298: {  	v17 =	vld [tilespmem:s26+$0xE0B0]  }
0x299: {  	v18 =	vld [tilespmem:s26+$0xE0C0]  }
0x29a: {  	v19 =	vld [tilespmem:s26+$0xE0D0]  }
0x29b: {  	v20 =	vld [tilespmem:s26+$0xE0E0]  }
0x29c: {  	v21 =	vld [tilespmem:s26+$0xE0F0]  }
0x29d: {  	v22 =	vld [tilespmem:s26+$0xE480]  }
0x29e: {  	v23 =	vld [tilespmem:s26+$0xE490]  }
0x29f: {  	v24 =	vld [tilespmem:s26+$0xE4A0]  }
0x2a0: {  	v14 =	vsub.f32 v14, v9;
	v15 =	vsub.f32 v15, v9;
	v25 =	vld [tilespmem:s26+$0xE4B0]  }
0x2a1: {  	v16 =	vsub.f32 v16, v9;
	v17 =	vsub.f32 v17, v9;
	v26 =	vld [tilespmem:s26+$0xE4C0]  }
0x2a2: {  	v18 =	vsub.f32 v18, v9;
	v19 =	vsub.f32 v19, v9;
	v27 =	vld [tilespmem:s26+$0xE4D0]  }
0x2a3: {  	v20 =	vsub.f32 v20, v9;
	v21 =	vsub.f32 v21, v9;
	v28 =	vld [tilespmem:s26+$0xE000]  }
0x2a4: {  	v14 =	vmul.f32 v14, v10;
	v22 =	vsub.f32 v22, v9;
	v23 =	vsub.f32 v23, v9;
	v29 =	vld [tilespmem:s26+$0xE010]  }
0x2a5: {  	v15 =	vmul.f32 v15, v10;
	v24 =	vsub.f32 v24, v9;
	v30 =	vld [tilespmem:s26+$0xE020];
	v25 =	vsub.f32 v25, v9  }
0x2a6: {  	v14 =	vadd.f32 v2, v14;
	v16 =	vmul.f32 v16, v10;
	v31 =	vld [tilespmem:s26+$0xE030];
	v26 =	vsub.f32 v26, v9  }
0x2a7: {  	v15 =	vadd.f32 v2, v15;
	v17 =	vmul.f32 v17, v10;
	v32 =	vld [tilespmem:s26+$0xE040];
	v27 =	vsub.f32 v27, v9  }
0x2a8: {  	s23 =	sadd.s32 $0x2, s23;
	v16 =	vadd.f32 v2, v16;
	v18 =	vmul.f32 v18, v10;
	v14 =	vadd.s32 $0xB4C00000, v14;
	v33 =	vld [tilespmem:s26+$0xE050]  }
0x2a9: {  	p0 =	slt.u32 s23, $0xDE;
	v17 =	vadd.f32 v2, v17;
	v19 =	vmul.f32 v19, v10;
	v15 =	vadd.s32 $0xB4C00000, v15;
	v34 =	vld [tilespmem:s26+$0xE060]  }
0x2aa: {  	v18 =	vadd.f32 v2, v18;
	v20 =	vmul.f32 v20, v10;
	v16 =	vadd.s32 $0xB4C00000, v16;
	v35 =	vld [tilespmem:s26+$0xE070]  }
0x2ab: {  	v19 =	vadd.f32 v2, v19;
	v21 =	vmul.f32 v21, v10;
	v17 =	vadd.s32 $0xB4C00000, v17;
	v36 =	vld [tilespmem:s26+$0xE400]  }
0x2ac: {  	v20 =	vadd.f32 v2, v20;
	v22 =	vmul.f32 v22, v10;
	v18 =	vadd.s32 $0xB4C00000, v18;
	v37 =	vld [tilespmem:s26+$0xE410]  }
0x2ad: {  	v21 =	vadd.f32 v2, v21;
	v23 =	vmul.f32 v23, v10;
	[tilespmem:v14+s13+$0x0] =	vst.idx.add.f32.msk $0xffff, v3;
	v14 =	vadd.s32 $0xB4C00000, v19  }
0x2ae: {  	v19 =	vadd.f32 v2, v22;
	v22 =	vmul.f32 v24, v10;
	[tilespmem:v15+s13+$0x0] =	vst.idx.add.f32.msk $0xffff, v3;
	v15 =	vadd.s32 $0xB4C00000, v20  }
0x2af: {  	v20 =	vadd.f32 v2, v23;
	v23 =	vmul.f32 v25, v10;
	[tilespmem:v16+s13+$0x0] =	vst.idx.add.f32.msk $0xffff, v3;
	v16 =	vadd.s32 $0xB4C00000, v21  }
0x2b0: {  	v21 =	vadd.f32 v2, v22;
	v22 =	vmul.f32 v26, v10;
	[tilespmem:v17+s13+$0x0] =	vst.idx.add.f32.msk $0xffff, v3;
	v17 =	vadd.s32 $0xB4C00000, v19  }
0x2b1: {  	v19 =	vadd.f32 v2, v23;
	v23 =	vmul.f32 v27, v10;
	[tilespmem:v18+s13+$0x0] =	vst.idx.add.f32.msk $0xffff, v3;
	v18 =	vadd.s32 $0xB4C00000, v20  }
0x2b2: {  	v20 =	vsub.f32 v28, v9;
	v22 =	vadd.f32 v2, v22;
	[tilespmem:v14+s13+$0x0] =	vst.idx.add.f32.msk $0xffff, v3;
	v14 =	vadd.s32 $0xB4C00000, v21  }
0x2b3: {  	v21 =	vsub.f32 v29, v9;
	v23 =	vadd.f32 v2, v23;
	[tilespmem:v15+s13+$0x0] =	vst.idx.add.f32.msk $0xffff, v3;
	v15 =	vadd.s32 $0xB4C00000, v19  }
0x2b4: {  	v24 =	vsub.f32 v31, v9;
	v19 =	vsub.f32 v30, v9;
	[tilespmem:v16+s13+$0x0] =	vst.idx.add.f32.msk $0xffff, v3;
	v16 =	vadd.s32 $0xB4C00000, v22  }
0x2b5: {  	v25 =	vsub.f32 v33, v9;
	v22 =	vsub.f32 v32, v9;
	[tilespmem:v17+s13+$0x0] =	vst.idx.add.f32.msk $0xffff, v3;
	v17 =	vadd.s32 $0xB4C00000, v23  }
0x2b6: {  	v26 =	vsub.f32 v35, v9;
	v23 =	vsub.f32 v34, v9;
	[tilespmem:v18+s13+$0x0] =	vst.idx.add.f32.msk $0xffff, v3  }
0x2b7: {  	v27 =	vsub.f32 v37, v9;
	v18 =	vsub.f32 v36, v9;
	[tilespmem:v14+s13+$0x0] =	vst.idx.add.f32.msk $0xffff, v3  }
0x2b8: {  	v14 =	vmul.f32 v20, v10;
	v20 =	vmul.f32 v21, v10;
	[tilespmem:v15+s13+$0x0] =	vst.idx.add.f32.msk $0xffff, v3  }
0x2b9: {  	v15 =	vmul.f32 v19, v10;
	v19 =	vmul.f32 v24, v10;
	[tilespmem:v16+s13+$0x0] =	vst.idx.add.f32.msk $0xffff, v3  }
0x2ba: {  	v21 =	vmul.f32 v25, v10;
	v16 =	vmul.f32 v22, v10;
	[tilespmem:v17+s13+$0x0] =	vst.idx.add.f32.msk $0xffff, v3  }
0x2bb: {  	v14 =	vadd.f32 v2, v14;
	v22 =	vmul.f32 v23, v10;
	v23 =	vmul.f32 v26, v10;
	v17 =	vld [tilespmem:s26+$0xE420]  }
0x2bc: {  	v25 =	vmul.f32 v27, v10;
	v18 =	vmul.f32 v18, v10;
	v20 =	vadd.f32 v2, v20;
	v24 =	vld [tilespmem:s26+$0xE430]  }
0x2bd: {  	v15 =	vadd.f32 v2, v15;
	v19 =	vadd.f32 v2, v19;
	v14 =	vadd.s32 $0xB4C00000, v14;
	v26 =	vld [tilespmem:s26+$0xE440]  }
0x2be: {  	v21 =	vadd.f32 v2, v21;
	v16 =	vadd.f32 v2, v16;
	v20 =	vadd.s32 $0xB4C00000, v20;
	v27 =	vld [tilespmem:s26+$0xE450]  }
0x2bf: {  	v22 =	vadd.f32 v2, v22;
	v23 =	vadd.f32 v2, v23;
	v15 =	vadd.s32 $0xB4C00000, v15;
	[tilespmem:v13+s13+$0x0] =	vst.idx.add.f32.msk $0xffff, v3  }
0x2c0: {  	v13 =	vadd.f32 v2, v18;
	v18 =	vadd.s32 $0xB4C00000, v19;
	v17 =	vsub.f32 v17, v9;
	[tilespmem:v12+s13+$0x0] =	vst.idx.add.f32.msk $0xffff, v3  }
0x2c1: {  	v16 =	vadd.s32 $0xB4C00000, v16;
	v12 =	vadd.f32 v2, v25;
	v19 =	vsub.f32 v24, v9;
	[tilespmem:v11+s13+$0x0] =	vst.idx.add.f32.msk $0xffff, v3  }
0x2c2: {  	v21 =	vadd.s32 $0xB4C00000, v21;
	v11 =	vmul.f32 v17, v10;
	v17 =	vsub.f32 v26, v9;
	[tilespmem:v14+s13+$0x0] =	vst.idx.add.f32.msk $0xffff, v3  }
0x2c3: {  	v14 =	vmul.f32 v19, v10;
	v19 =	vsub.f32 v27, v9;
	[tilespmem:v20+s13+$0x0] =	vst.idx.add.f32.msk $0xffff, v3;
	v20 =	vadd.s32 $0xB4C00000, v22  }
0x2c4: {  	v22 =	vadd.s32 $0xB4C00000, v23;
	v11 =	vadd.f32 v2, v11;
	v17 =	vmul.f32 v17, v10;
	[tilespmem:v15+s13+$0x0] =	vst.idx.add.f32.msk $0xffff, v3  }
0x2c5: {  	v23 =	vadd.f32 v2, v14;
	v19 =	vmul.f32 v19, v10;
	[tilespmem:v18+s13+$0x0] =	vst.idx.add.f32.msk $0xffff, v3;
	v18 =	vadd.s32 $0xB4C00000, v13  }
.Ltmp5:
0x2c6: {  	v15 =	vadd.s32 $0xB4C00000, v12;
	v17 =	vadd.f32 v2, v17;
	[tilespmem:v16+s13+$0x0] =	vst.idx.add.f32.msk $0xffff, v3;
	v14 =	vadd.s32 $0xB4C00000, v11;
	(pc) =	sbr.rel @p0 .LBB2_13-.Ltmp5, $4  }
0x2c7: {  	v11 =	vadd.f32 v2, v19;
	[tilespmem:v21+s13+$0x0] =	vst.idx.add.f32.msk $0xffff, v3;
	v13 =	vadd.s32 $0xB4C00000, v23  }
0x2c8: {  	[tilespmem:v20+s13+$0x0] =	vst.idx.add.f32.msk $0xffff, v3;
	v12 =	vadd.s32 $0xB4C00000, v17  }
0x2c9: {  	[tilespmem:v22+s13+$0x0] =	vst.idx.add.f32.msk $0xffff, v3;
	v11 =	vadd.s32 $0xB4C00000, v11  }
0x2ca: {  	s24 =	sadd.s32 $0x100, s24;
	s25 =	sadd.s32 $0x200, s25;
	[tilespmem:v18+s13+$0x0] =	vst.idx.add.f32.msk $0xffff, v3  }
0x2cb: {  	_ =	sdelay $0x3  }
0x2cc: {  	[tilespmem:v15+s13+$0x0] =	vst.idx.add.f32.msk $0xffff, v3  }
0x2cd: {  	[tilespmem:v14+s13+$0x0] =	vst.idx.add.f32.msk $0xffff, v3  }
0x2ce: {  	[tilespmem:v13+s13+$0x0] =	vst.idx.add.f32.msk $0xffff, v3  }
0x2cf: {  	[tilespmem:v12+s13+$0x0] =	vst.idx.add.f32.msk $0xffff, v3  }
0x2d0: {  	[tilespmem:v11+s13+$0x0] =	vst.idx.add.f32.msk $0xffff, v3  }
0x2d1: {  	v10 =	vld [tilespmem:$0x1C200]  }
0x2d2: {  	v11 =	vld [tilespmem:$0x1C410];
	_ =	sdelay $0x1  }
0x2d3: {  	v12 =	vld [tilespmem:$0x1C620];
	_ =	sdelay $0x1  }
0x2d4: {  	v13 =	vld [tilespmem:$0x1C830];
	(v2sf) =	vpush v10, $0x0  }
0x2d5: {  	(v2sf) =	vpush v11, $0x0  }
0x2d6: {  	v10 =	vld [tilespmem:$0x1CA40]  }
0x2d7: {  	(v2sf) =	vpush v12, $0x0  }
0x2d8: {  	v11 =	vld [tilespmem:$0x1CC50]  }
0x2d9: {  	(v2sf) =	vpush v13, $0x0  }
0x2da: {  	v12 =	vld [tilespmem:$0x1CE60]  }
0x2db: {  	(v2sf) =	vpush v10, $0x0  }
0x2dc: {  	v10 =	vld [tilespmem:$0x1D070]  }
0x2dd: {  	(v2sf) =	vpush v11, $0x0  }
0x2de: {  	v11 =	vld [tilespmem:$0x1D280]  }
0x2df: {  	(v2sf) =	vpush v12, $0x0  }
0x2e0: {  	v12 =	vld [tilespmem:$0x1D490]  }
0x2e1: {  	(v2sf) =	vpush v10, $0x0  }
0x2e2: {  	v10 =	vld [tilespmem:$0x1D6A0]  }
0x2e3: {  	s23 =	spop (v2sf);
	(v2sf) =	vpush v11, $0x0  }
0x2e4: {  	v11 =	vld [tilespmem:$0x1D8B0];
	s24 =	spop (v2sf)  }
0x2e5: {  	(v2sf) =	vpush v12, $0x0;
	s23 =	sadd.f32 s24, s23  }
0x2e6: {  	v12 =	vld [tilespmem:$0x1DAC0];
	s25 =	spop (v2sf)  }
0x2e7: {  	(v2sf) =	vpush v10, $0x0;
	s23 =	sadd.f32 s25, s23  }
0x2e8: {  	v10 =	vld [tilespmem:$0x1DCD0];
	s26 =	spop (v2sf)  }
0x2e9: {  	(v2sf) =	vpush v11, $0x0;
	s23 =	sadd.f32 s26, s23  }
0x2ea: {  	v11 =	vld [tilespmem:$0x1DEE0];
	s30 =	spop (v2sf)  }
0x2eb: {  	(v2sf) =	vpush v12, $0x0;
	s23 =	sadd.f32 s30, s23  }
0x2ec: {  	v12 =	vld [tilespmem:$0x1E0F0];
	s31 =	spop (v2sf)  }
0x2ed: {  	(v2sf) =	vpush v10, $0x0;
	s23 =	sadd.f32 s31, s23  }
0x2ee: {  	s25 =	spop (v2sf)  }
0x2ef: {  	(v2sf) =	vpush v11, $0x0;
	s23 =	sadd.f32 s25, s23  }
0x2f0: {  	s26 =	spop (v2sf)  }
0x2f1: {  	(v2sf) =	vpush v12, $0x0;
	s23 =	sadd.f32 s26, s23  }
0x2f2: {  	s30 =	spop (v2sf)  }
0x2f3: {  	s23 =	sadd.f32 s30, s23  }
0x2f4: {  	s31 =	spop (v2sf)  }
0x2f5: {  	s23 =	sadd.f32 s31, s23  }
0x2f6: {  	v11 =	vimm.f32 $0.0e+00;
	s25 =	spop (v2sf)  }
0x2f7: {  	[tilespmem:$0x1C200] =	vst v11;
	s23 =	sadd.f32 s25, s23  }
0x2f8: {  	[tilespmem:$0x1C410] =	vst v11;
	s26 =	spop (v2sf)  }
0x2f9: {  	[tilespmem:$0x1C620] =	vst v11;
	s23 =	sadd.f32 s26, s23  }
0x2fa: {  	[tilespmem:$0x1C830] =	vst v11;
	s30 =	spop (v2sf)  }
0x2fb: {  	[tilespmem:$0x1CA40] =	vst v11;
	s23 =	sadd.f32 s30, s23  }
0x2fc: {  	[tilespmem:$0x1CC50] =	vst v11;
	s31 =	spop (v2sf)  }
0x2fd: {  	[tilespmem:$0x1CE60] =	vst v11;
	s23 =	sadd.f32 s31, s23  }
0x2fe: {  	[tilespmem:$0x1D070] =	vst v11;
	s25 =	spop (v2sf)  }
0x2ff: {  	[tilespmem:$0x1D280] =	vst v11;
	s23 =	sadd.f32 s25, s23  }
0x300: {  	v10 =	vld [tilespmem:$0x1C1F0];
	[tilespmem:$0x1D490] =	vst v11;
	s26 =	spop (v2sf)  }
0x301: {  	[tilespmem:$0x1D6A0] =	vst v11;
	s23 =	sadd.f32 s26, s23  }
0x302: {  	[tilespmem:$0x1D8B0] =	vst v11  }
0x303: {  	[tilespmem:$0x1DAC0] =	vst v11;
	v12 =	vmov s23  }
0x304: {  	[tilespmem:$0x1DCD0] =	vst v11;
	v12 =	vsel vm0, $0x0, v12  }
0x305: {  	[tilespmem:$0x1DEE0] =	vst v11;
	v10 =	vadd.f32 v12, v10  }
0x306: {  	[tilespmem:$0x1E0F0] =	vst v11  }
0x307: {  	s23 =	simm.s32 $0x1D260;
	[tilespmem:$0x1C1F0] =	vst v10  }
0x308: {  	v10 =	vld [tilespmem:s23+$0xFFFFF1A0]  }
0x309: {  	v12 =	vld [tilespmem:s23+$0xFFFFEF90];
	_ =	sdelay $0x1  }
0x30a: {  	v13 =	vld [tilespmem:s23+$0xFFFFF3B0];
	_ =	sdelay $0x1  }
0x30b: {  	v14 =	vld [tilespmem:s23+$0xFFFFF5C0]  }
0x30c: {  	v15 =	vld [tilespmem:s23+$0xFFFFF7D0];
	v10 =	vadd.f32 v10, v12  }
0x30d: {  	v16 =	vld [tilespmem:s23+$0x10]  }
0x30e: {  	v17 =	vld [tilespmem:s23+$0x220];
	v10 =	vadd.f32 v13, v10  }
0x30f: {  	[tilespmem:s23+$0xFFFFF1A0] =	vst v0;
	v12 =	vld [tilespmem:s23+$0xFFFFF9E0]  }
0x310: {  	[tilespmem:s23+$0xFFFFEF90] =	vst v0;
	v18 =	vld [tilespmem:s23+$0x430];
	v10 =	vadd.f32 v14, v10  }
0x311: {  	[tilespmem:s23+$0xFFFFF3B0] =	vst v0;
	v13 =	vld [tilespmem:s23+$0xFFFFFBF0]  }
0x312: {  	[tilespmem:s23+$0xFFFFF5C0] =	vst v0;
	v19 =	vld [tilespmem:s23+$0x640];
	v10 =	vadd.f32 v15, v10  }
0x313: {  	[tilespmem:s23+$0xFFFFF7D0] =	vst v0;
	v14 =	vld [tilespmem:s23+$0xFFFFFE00]  }
0x314: {  	s24 =	simm.s32 $0x1D240;
	[tilespmem:s23+$0x10] =	vst v0;
	v20 =	vld [tilespmem:s23+$0x850];
	v10 =	vadd.f32 v12, v10  }
0x315: {  	[tilespmem:s23+$0x220] =	vst v0;
	v21 =	vld [tilespmem:s24+$0x220]  }
0x316: {  	[tilespmem:s23+$0x430] =	vst v0;
	v15 =	vld [tilespmem:s23+$0xFFFFF190];
	v10 =	vadd.f32 v13, v10  }
0x317: {  	[tilespmem:s23+$0x640] =	vst v0;
	v12 =	vld [tilespmem:s23+$0xFFFFEF80]  }
0x318: {  	[tilespmem:s23+$0x850] =	vst v0;
	v22 =	vld [tilespmem:s24+$0x640];
	v10 =	vadd.f32 v14, v10  }
0x319: {  	s25 =	simm.s32 $0x1D220;
	[tilespmem:s24+$0x220] =	vst v0;
	v13 =	vld [tilespmem:s23+$0xFFFFF3A0]  }
0x31a: {  	[tilespmem:s24+$0x640] =	vst v0;
	v61 =	vld [tilespmem:s25+$0x850];
	v10 =	vadd.f32 v16, v10  }
0x31b: {  	[tilespmem:s25+$0x850] =	vst v0;
	v14 =	vld [tilespmem:s23+$0xFFFFF5B0]  }
0x31c: {  	v27 =	vld [tilespmem:s25+$0xA60];
	[tilespmem:s25+$0xA60] =	vst v0;
	v12 =	vadd.f32 v15, v12;
	v10 =	vadd.f32 v17, v10  }
0x31d: {  	[tilespmem:s23+$0xFFFFF9E0] =	vst v0;
	v16 =	vld [tilespmem:s23+$0xFFFFF7C0]  }
0x31e: {  	[tilespmem:s23+$0xFFFFFBF0] =	vst v0;
	v15 =	vld [tilespmem:s23+$0xFFFFF9D0];
	v12 =	vadd.f32 v13, v12;
	v10 =	vadd.f32 v18, v10  }
0x31f: {  	[tilespmem:s23+$0xFFFFFE00] =	vst v0;
	v17 =	vld [tilespmem:s23+$0xA60]  }
0x320: {  	[tilespmem:s23+$0xFFFFF190] =	vst v0;
	v13 =	vld [tilespmem:s23+$0xFFFFFBE0];
	v12 =	vadd.f32 v14, v12;
	v10 =	vadd.f32 v19, v10  }
0x321: {  	[tilespmem:s23+$0xFFFFEF80] =	vst v0;
	v18 =	vld [tilespmem:s23+$0xC70]  }
0x322: {  	[tilespmem:s23+$0xFFFFF3A0] =	vst v0;
	v14 =	vld [tilespmem:s23+$0xFFFFFDF0];
	v12 =	vadd.f32 v16, v12;
	v10 =	vadd.f32 v20, v10  }
0x323: {  	[tilespmem:s23+$0xFFFFF5B0] =	vst v0;
	v19 =	vld [tilespmem:s23+$0xE80]  }
0x324: {  	[tilespmem:s23+$0xFFFFF9D0] =	vst v0;
	v16 =	vld [tilespmem:s23+$0x0];
	v12 =	vadd.f32 v15, v12;
	v10 =	vadd.f32 v17, v10  }
0x325: {  	[tilespmem:s23+$0xFFFFF7C0] =	vst v0;
	v15 =	vld [tilespmem:s24+$0xFFFFF1A0]  }
0x326: {  	[tilespmem:s23+$0xFFFFFBE0] =	vst v0;
	v20 =	vld [tilespmem:s23+$0x210];
	v12 =	vadd.f32 v13, v12;
	v10 =	vadd.f32 v18, v10  }
0x327: {  	[tilespmem:s23+$0xA60] =	vst v0;
	v17 =	vld [tilespmem:s24+$0xFFFFEF90]  }
0x328: {  	[tilespmem:s23+$0xFFFFFDF0] =	vst v0;
	v13 =	vld [tilespmem:s23+$0x420];
	v12 =	vadd.f32 v14, v12;
	v10 =	vadd.f32 v19, v10  }
0x329: {  	[tilespmem:s23+$0xC70] =	vst v0;
	v14 =	vld [tilespmem:s24+$0xFFFFF3B0]  }
0x32a: {  	[tilespmem:s23+$0xE80] =	vst v0;
	v18 =	vld [tilespmem:s23+$0x630];
	v12 =	vadd.f32 v16, v12;
	v10 =	vperm.xlane v10, v4  }
0x32b: {  	[tilespmem:s24+$0xFFFFF1A0] =	vst v0;
	v16 =	vld [tilespmem:s24+$0xFFFFF5C0]  }
0x32c: {  	[tilespmem:s23+$0x210] =	vst v0;
	v19 =	vld [tilespmem:s23+$0x840];
	v12 =	vadd.f32 v20, v12;
	v15 =	vadd.f32 v15, v17;
	(xrf2) =	vadd.scan.msk.f32 $0xffff, v10  }
0x32d: {  	[tilespmem:s23+$0x420] =	vst v0;
	v20 =	vld [tilespmem:s24+$0xFFFFF7D0]  }
0x32e: {  	[tilespmem:s24+$0xFFFFEF90] =	vst v0;
	v17 =	vld [tilespmem:s23+$0xA50];
	v12 =	vadd.f32 v13, v12;
	v14 =	vadd.f32 v14, v15  }
0x32f: {  	[tilespmem:s24+$0xFFFFF3B0] =	vst v0;
	v13 =	vld [tilespmem:s24+$0xFFFFF9E0]  }
0x330: {  	[tilespmem:s23+$0x630] =	vst v0;
	v15 =	vld [tilespmem:s23+$0xC60];
	v12 =	vadd.f32 v18, v12;
	v14 =	vadd.f32 v16, v14  }
0x331: {  	[tilespmem:s24+$0xFFFFF5C0] =	vst v0;
	v18 =	vld [tilespmem:s24+$0xFFFFFBF0]  }
0x332: {  	[tilespmem:s23+$0x840] =	vst v0;
	v16 =	vld [tilespmem:s23+$0xE70];
	v12 =	vadd.f32 v19, v12;
	v14 =	vadd.f32 v20, v14  }
0x333: {  	[tilespmem:s24+$0xFFFFF7D0] =	vst v0;
	v19 =	vld [tilespmem:s24+$0xFFFFFE00]  }
0x334: {  	[tilespmem:s23+$0xA50] =	vst v0;
	v20 =	vld [tilespmem:s24+$0xFFFFF190];
	v12 =	vadd.f32 v17, v12;
	v13 =	vadd.f32 v13, v14  }
0x335: {  	[tilespmem:s24+$0xFFFFF9E0] =	vst v0;
	v17 =	vld [tilespmem:s24+$0x10]  }
0x336: {  	[tilespmem:s23+$0xC60] =	vst v0;
	v14 =	vld [tilespmem:s24+$0xFFFFEF80];
	v12 =	vadd.f32 v15, v12;
	v13 =	vadd.f32 v18, v13;
	v15, _, _ =	vpop (xrf2)  }
0x337: {  	[tilespmem:s24+$0xFFFFFBF0] =	vst v0;
	(v2sf) =	vpush v15, $0xF  }
0x338: {  	[tilespmem:s23+$0xE70] =	vst v0;
	v18 =	vld [tilespmem:s24+$0xFFFFF3A0];
	v12 =	vadd.f32 v16, v12;
	v13 =	vadd.f32 v19, v13  }
0x339: {  	[tilespmem:s24+$0xFFFFFE00] =	vst v0;
	v16 =	vld [tilespmem:s24+$0x430]  }
0x33a: {  	[tilespmem:s24+$0xFFFFF190] =	vst v0;
	v19 =	vld [tilespmem:s24+$0xFFFFF5B0];
	v12 =	vperm.xlane v12, v4;
	v13 =	vadd.f32 v17, v13  }
0x33b: {  	[tilespmem:s24+$0x10] =	vst v0;
	v14 =	vadd.f32 v20, v14  }
0x33c: {  	[tilespmem:s24+$0xFFFFEF80] =	vst v0;
	v17 =	vld [tilespmem:s24+$0xFFFFF7C0];
	v15 =	vsub.f32 v15, v10;
	(xrf2) =	vadd.scan.msk.f32 $0xffff, v12;
	v13 =	vadd.f32 v21, v13  }
0x33d: {  	s26 =	simm.f32 $0.0e+00;
	[tilespmem:s24+$0xFFFFF3A0] =	vst v0;
	v20 =	vld [tilespmem:s24+$0x850];
	v14 =	vadd.f32 v18, v14  }
0x33e: {  	[tilespmem:s24+$0x430] =	vst v0;
	v21 =	vld [tilespmem:s24+$0xFFFFF9D0];
	v15 =	vadd.f32 s26, v15;
	v13 =	vadd.f32 v16, v13  }
0x33f: {  	[tilespmem:s24+$0xFFFFF5B0] =	vst v0;
	v18 =	vld [tilespmem:s24+$0xA60];
	v14 =	vadd.f32 v19, v14  }
0x340: {  	[tilespmem:s24+$0x850] =	vst v0;
	v16 =	vld [tilespmem:s24+$0xFFFFFBE0];
	v23 =	vsub.f32 $1.108800000e+04, v15;
	v13 =	vadd.f32 v22, v13  }
0x341: {  	[tilespmem:s24+$0xFFFFF7C0] =	vst v0;
	v19 =	vld [tilespmem:s24+$0xC70];
	v14 =	vadd.f32 v17, v14  }
0x342: {  	[tilespmem:s24+$0xA60] =	vst v0;
	v22 =	vld [tilespmem:s24+$0xFFFFFDF0];
	v23 =	vmax.f32 v23, $0.0e+00;
	v13 =	vadd.f32 v20, v13  }
0x343: {  	[tilespmem:s24+$0xFFFFF9D0] =	vst v0;
	v17 =	vld [tilespmem:s24+$0xE80];
	v10 =	vmin.f32 v10, v23;
	v14 =	vadd.f32 v21, v14  }
0x344: {  	[tilespmem:s24+$0xC70] =	vst v0;
	v23 =	vld [tilespmem:s25+$0xFFFFEF90];
	v10 =	vadd.f32 v10, v15;
	v13 =	vadd.f32 v18, v13  }
0x345: {  	[tilespmem:s24+$0xFFFFFBE0] =	vst v0;
	v20 =	vld [tilespmem:s24+$0x0];
	v15 =	vmul.f32 v15, v6;
	v14 =	vadd.f32 v16, v14  }
0x346: {  	[tilespmem:s24+$0xE80] =	vst v0;
	v18 =	vld [tilespmem:s25+$0xFFFFF1A0];
	v10 =	vmul.f32 v10, v6;
	v16, _, _ =	vpop (xrf2);
	v13 =	vadd.f32 v19, v13;
	s28 =	spop (v2sf)  }
0x347: {  	[tilespmem:s24+$0xFFFFFDF0] =	vst v0;
	v21 =	vld [tilespmem:s24+$0x210];
	v15 =	vmul.f32 $1.442695020e+00, v15;
	v14 =	vadd.f32 v22, v14;
	v19 =	vsub.f32 v16, v12;
	s26 =	sadd.f32 s28, s26  }
0x348: {  	[tilespmem:s24+$0x210] =	vst v0;
	v22 =	vld [tilespmem:s24+$0x420];
	v13 =	vadd.f32 v17, v13;
	(v2sf) =	vpush v16, $0xF  }
0x349: {  	[tilespmem:s25+$0xFFFFEF90] =	vst v0;
	v10 =	vmul.f32 $1.442695020e+00, v10;
	(erf) = vpow2.f32 v15;
	v15 =	vld [tilespmem:s24+$0x630];
	v17 =	vadd.f32 s26, v19  }
0x34a: {  	[tilespmem:s25+$0xFFFFF1A0] =	vst v0;
	v14 =	vadd.f32 v20, v14;
	v16 =	vld [tilespmem:s25+$0xFFFFF3B0];
	v13 =	vperm.xlane v13, v4  }
0x34b: {  	[tilespmem:s24+$0x420] =	vst v0;
	(erf) = vpow2.f32 v10;
	v10 =	vadd.f32 v18, v23;
	v18 =	vld [tilespmem:s24+$0x840];
	v20 =	vsub.f32 $1.108800000e+04, v17  }
0x34c: {  	[tilespmem:s24+$0x630] =	vst v0;
	v14 =	vadd.f32 v21, v14;
	v19 =	vld [tilespmem:s25+$0xFFFFF5C0];
	(xrf2) =	vadd.scan.msk.f32 $0xffff, v13  }
0x34d: {  	[tilespmem:s25+$0xFFFFF3B0] =	vst v0;
	v21 =	vld [tilespmem:s25+$0xFFFFF7D0];
	v20 =	vmax.f32 v20, $0.0e+00  }
0x34e: {  	[tilespmem:s24+$0x840] =	vst v0;
	v14 =	vadd.f32 v22, v14;
	v22 =	vld [tilespmem:s25+$0xFFFFF190];
	v12 =	vmin.f32 v12, v20  }
0x34f: {  	[tilespmem:s25+$0xFFFFF7D0] =	vst v0;
	v10 =	vadd.f32 v16, v10;
	v16 =	vld [tilespmem:s24+$0xA50];
	v12 =	vadd.f32 v12, v17  }
0x350: {  	[tilespmem:s25+$0xFFFFF190] =	vst v0;
	v14 =	vadd.f32 v15, v14;
	v20 =	vld [tilespmem:s25+$0xFFFFF9E0]  }
0x351: {  	[tilespmem:s25+$0xFFFFF5C0] =	vst v0;
	v10 =	vadd.f32 v19, v10;
	v19 =	vld [tilespmem:s24+$0xC60];
	v17 =	vmul.f32 v17, v6;
	v12 =	vmul.f32 v12, v6  }
0x352: {  	v15 =	vld [tilespmem:s25+$0xFFFFFBF0];
	[tilespmem:s25+$0xFFFFFBF0] =	vst v0;
	v14 =	vadd.f32 v18, v14  }
0x353: {  	s28 =	simm.s32 $0x1F0;
	[tilespmem:s24+$0xA50] =	vst v0;
	v18 =	vld [tilespmem:s25+$0xFFFFFE00];
	v10 =	vadd.f32 v21, v10;
	v17 =	vmul.f32 $1.442695020e+00, v17;
	v12 =	vmul.f32 $1.442695020e+00, v12  }
0x354: {  	s28 =	scvt.s32.f32 s28;
	[tilespmem:s25+$0xFFFFFE00] =	vst v0;
	v21 =	vld [tilespmem:s24+$0xE70];
	v14 =	vadd.f32 v16, v14  }
0x355: {  	s22 =	smul.f32 $1.953125000e-03, s22;
	v23 =	vpop (erf);
	[tilespmem:s25+$0xFFFFF9E0] =	vst v0;
	v20 =	vadd.f32 v20, v10;
	(erf) = vpow2.f32 v17  }
0x356: {  	[tilespmem:s24+$0xC60] =	vst v0;
	v16 =	vld [tilespmem:s25+$0x10];
	v17 =	vadd.f32 s28, v5;
	v14 =	vadd.f32 v19, v14;
	v19, _, _ =	vpop (xrf2);
	(erf) = vpow2.f32 v12  }
0x357: {  	[tilespmem:s24+$0xE70] =	vst v0;
	v10 =	vmov s22;
	v24 =	vsub.f32 v19, v13;
	v15 =	vadd.f32 v15, v20;
	v20 =	vld [tilespmem:s25+$0xFFFFEF80];
	s30 =	spop (v2sf);
	v12 =	vpop (erf)  }
0x358: {  	[tilespmem:s25+$0x10] =	vst v0;
	v17 =	vmul.f32 v17, v10;
	(v2sf) =	vpush v19, $0xF;
	s28 =	sadd.f32 s30, s26;
	v12 =	vsub.f32 v23, v12;
	v23 =	vld [tilespmem:s25+$0x220]  }
0x359: {  	[tilespmem:s25+$0xFFFFEF80] =	vst v0;
	v14 =	vadd.f32 v21, v14;
	v15 =	vadd.f32 v18, v15;
	v18 =	vld [tilespmem:s25+$0xFFFFF3A0]  }
0x35a: {  	v21 =	vld [tilespmem:s25+$0x430];
	[tilespmem:s25+$0x430] =	vst v0;
	v17 =	vadd.f32 v17, v9;
	v24 =	vadd.f32 s28, v24  }
0x35b: {  	[tilespmem:s25+$0xFFFFF3A0] =	vst v0;
	v15 =	vadd.f32 v16, v15;
	v16 =	vld [tilespmem:s25+$0xFFFFF5B0];
	v25 =	vmul.f32 v12, v7;
	v12 =	vperm.xlane v14, v4  }
0x35c: {  	s22 =	simm.s32 $0x1E0;
	[tilespmem:s25+$0x220] =	vst v0;
	v14 =	vld [tilespmem:s25+$0x640];
	v20 =	vadd.f32 v22, v20  }
0x35d: {  	s31 =	scvt.s32.f32 s22;
	v22 =	vmul.f32 v25, v17;
	v17 =	vsub.f32 $1.108800000e+04, v24;
	(xrf2) =	vadd.scan.msk.f32 $0xffff, v12;
	v15 =	vadd.f32 v23, v15;
	v23 =	vld [tilespmem:s25+$0xFFFFF7C0]  }
0x35e: {  	[tilespmem:s25+$0xFFFFF5B0] =	vst v0;
	v18 =	vadd.f32 v18, v20;
	v19 =	vpop (erf)  }
0x35f: {  	[tilespmem:s25+$0x640] =	vst v0;
	v20 =	vadd.f32 s31, v5;
	v17 =	vmax.f32 v17, $0.0e+00;
	v26 =	vpop (erf);
	v15 =	vadd.f32 v21, v15;
	v21 =	vld [tilespmem:s25+$0xFFFFF9D0]  }
0x360: {  	[tilespmem:s25+$0xFFFFF7C0] =	vst v0;
	v16 =	vadd.f32 v16, v18;
	v13 =	vmin.f32 v13, v17;
	v18 =	vsub.f32 v19, v26  }
0x361: {  	[tilespmem:s25+$0xFFFFF9D0] =	vst v0;
	v19 =	vld [tilespmem:s25+$0xFFFFFBE0];
	v13 =	vadd.f32 v13, v24;
	v14 =	vadd.f32 v14, v15;
	v15 =	vmul.f32 v20, v10  }
0x362: {  	v17 =	vld [tilespmem:s25+$0xC70];
	[tilespmem:s25+$0xFFFFFBE0] =	vst v0;
	v20 =	vmul.f32 v24, v6;
	v62 =	vmul.f32 v18, v7;
	v23 =	vadd.f32 v23, v16  }
0x363: {  	[tilespmem:s25+$0xC70] =	vst v0;
	v18 =	vld [tilespmem:s25+$0xFFFFFDF0];
	v13 =	vmul.f32 v13, v6;
	v14 =	vadd.f32 v61, v14;
	v63 =	vadd.f32 v15, v9  }
0x364: {  	v11 =	vadd.f32 v22, v11;
	[tilespmem:s25+$0xFFFFFDF0] =	vst v0;
	v16 =	vld [tilespmem:s25+$0xE80];
	v15 =	vmul.f32 $1.442695020e+00, v20;
	v21 =	vadd.f32 v21, v23  }
0x365: {  	s29 =	simm.s32 $0x1D220;
	s26 =	simm.s32 $0x4;
	[tilespmem:s25+$0xE80] =	vst v0;
	v20 =	vld [tilespmem:s25+$0x0];
	v22 =	vadd.f32 v27, v14;
	v14 =	vmul.f32 $1.442695020e+00, v13;
	v13 =	vmul.f32 v62, v63  }
.LBB2_15:
0x366: {  	s26 =	sadd.s32 $0x2, s26;
	v19 =	vadd.f32 v19, v21;
	v21 =	vld [tilespmem:s25+$0x210];
	s29 =	sadd.s32 $0xFFFFFFE0, s29;
	(erf) = vpow2.f32 v15;
	[tilespmem:s23+$0x0] =	vst v0;
	s22 =	sadd.s32 $0xFFFFFFE0, s22  }
0x367: {  	s23 =	smov.u32 s24;
	v15 =	vld [tilespmem:s29+$0xFFFFF1A0];
	p0 =	slt.u32 s26, $0x1E;
	v17 =	vadd.f32 v17, v22;
	[tilespmem:s25+$0x210] =	vst v0;
	(erf) = vpow2.f32 v14;
	s30 =	spop (v2sf);
	v14, _, _ =	vpop (xrf2);
	v11 =	vadd.f32 v13, v11  }
0x368: {  	s24 =	smov.u32 s25;
	s25 =	smov.u32 s29;
	v13 =	vld [tilespmem:s29+$0xFFFFEF90];
	[tilespmem:s29+$0xFFFFF1A0] =	vst v0;
	v18 =	vadd.f32 v18, v19;
	s28 =	sadd.f32 s30, s28;
	v19 =	vsub.f32 v14, v12  }
0x369: {  	[tilespmem:s29+$0xFFFFEF90] =	vst v0;
	v16 =	vadd.f32 v16, v17;
	v17 =	vld [tilespmem:s24+$0x420];
	(v2sf) =	vpush v14, $0xF  }
0x36a: {  	v14 =	vld [tilespmem:s29+$0xFFFFF3B0];
	v18 =	vadd.f32 v20, v18;
	[tilespmem:s24+$0x420] =	vst v0;
	v19 =	vadd.f32 s28, v19  }
0x36b: {  	[tilespmem:s29+$0xFFFFF3B0] =	vst v0;
	v16 =	vperm.xlane v16, v4;
	v20 =	vld [tilespmem:s24+$0x630]  }
0x36c: {  	s30 =	sadd.s32 $0x10, s22;
	v22 =	vld [tilespmem:s29+$0xFFFFF5C0];
	v26 =	vadd.f32 v21, v18;
	[tilespmem:s24+$0x630] =	vst v0;
	v21 =	vsub.f32 $1.108800000e+04, v19;
	v23 =	vmul.f32 v19, v6  }
0x36d: {  	s30 =	scvt.s32.f32 s30;
	v13 =	vadd.f32 v15, v13;
	[tilespmem:s29+$0xFFFFF5C0] =	vst v0;
	v15 =	vld [tilespmem:s24+$0x840];
	(xrf2) =	vadd.scan.msk.f32 $0xffff, v16  }
0x36e: {  	v24 =	vld [tilespmem:s29+$0xFFFFF7D0];
	v17 =	vadd.f32 v17, v26;
	[tilespmem:s24+$0x840] =	vst v0;
	v25 =	vmax.f32 v21, $0.0e+00;
	v21 =	vmul.f32 $1.442695020e+00, v23  }
0x36f: {  	v23 =	vadd.f32 s30, v5;
	v13 =	vadd.f32 v14, v13;
	[tilespmem:s29+$0xFFFFF7D0] =	vst v0;
	v14 =	vld [tilespmem:s24+$0xA50];
	v12 =	vmin.f32 v12, v25;
	v18 =	vpop (erf)  }
0x370: {  	v25 =	vld [tilespmem:s29+$0xFFFFF9E0];
	v17 =	vadd.f32 v20, v17;
	[tilespmem:s24+$0xA50] =	vst v0;
	v12 =	vadd.f32 v12, v19;
	v19 =	vpop (erf)  }
0x371: {  	v13 =	vadd.f32 v22, v13;
	[tilespmem:s29+$0xFFFFF9E0] =	vst v0;
	v20 =	vld [tilespmem:s24+$0xC60];
	v18 =	vsub.f32 v18, v19;
	v19 =	vmul.f32 v23, v10  }
0x372: {  	v22 =	vld [tilespmem:s29+$0xFFFFFBF0];
	v15 =	vadd.f32 v15, v17;
	[tilespmem:s24+$0xC60] =	vst v0;
	v12 =	vmul.f32 v12, v6  }
0x373: {  	v13 =	vadd.f32 v24, v13;
	[tilespmem:s29+$0xFFFFFBF0] =	vst v0;
	v17 =	vld [tilespmem:s24+$0xE70];
	v18 =	vmul.f32 v18, v7;
	v19 =	vadd.f32 v19, v9  }
0x374: {  	v23 =	vld [tilespmem:s29+$0xFFFFFE00];
	v14 =	vadd.f32 v14, v15;
	[tilespmem:s24+$0xE70] =	vst v0;
	v12 =	vmul.f32 $1.442695020e+00, v12  }
0x375: {  	v13 =	vadd.f32 v25, v13;
	[tilespmem:s29+$0xFFFFFE00] =	vst v0;
	v15 =	vld [tilespmem:s29+$0xFFFFF190];
	v24 =	vmul.f32 v18, v19;
	(erf) = vpow2.f32 v21  }
0x376: {  	v18 =	vld [tilespmem:s29+$0x10];
	[tilespmem:s29+$0xFFFFF190] =	vst v0;
	v14 =	vadd.f32 v20, v14;
	(erf) = vpow2.f32 v12  }
0x377: {  	v12 =	vadd.f32 v22, v13;
	[tilespmem:s29+$0x10] =	vst v0;
	v13 =	vld [tilespmem:s29+$0xFFFFEF80];
	v19, _, _ =	vpop (xrf2)  }
0x378: {  	v20 =	vld [tilespmem:s29+$0x220];
	[tilespmem:s29+$0xFFFFEF80] =	vst v0;
	v21 =	vsub.f32 v19, v16;
	(v2sf) =	vpush v19, $0xF;
	s30 =	spop (v2sf)  }
0x379: {  	v14 =	vadd.f32 v17, v14;
	v12 =	vadd.f32 v23, v12;
	[tilespmem:s29+$0x220] =	vst v0;
	v19 =	vld [tilespmem:s29+$0xFFFFF3A0];
	s28 =	sadd.f32 s30, s28  }
0x37a: {  	v17 =	vld [tilespmem:s29+$0x430];
	[tilespmem:s29+$0xFFFFF3A0] =	vst v0  }
0x37b: {  	v18 =	vadd.f32 v18, v12;
	[tilespmem:s29+$0x430] =	vst v0;
	v22 =	vld [tilespmem:s29+$0xFFFFF5B0];
	v21 =	vadd.f32 s28, v21;
	v12 =	vperm.xlane v14, v4  }
0x37c: {  	s30 =	scvt.s32.f32 s22;
	v14 =	vld [tilespmem:s29+$0x640];
	v13 =	vadd.f32 v15, v13;
	[tilespmem:s29+$0xFFFFF5B0] =	vst v0  }
0x37d: {  	v15 =	vadd.f32 v20, v18;
	[tilespmem:s29+$0x640] =	vst v0;
	v18 =	vld [tilespmem:s29+$0xFFFFF7C0];
	v28 =	vsub.f32 $1.108800000e+04, v21;
	(xrf2) =	vadd.scan.msk.f32 $0xffff, v12  }
0x37e: {  	v26 =	vadd.f32 s30, v5;
	v25 =	vmul.f32 v21, v6;
	v23 =	vld [tilespmem:s29+$0x850];
	v13 =	vadd.f32 v19, v13;
	[tilespmem:s29+$0xFFFFF7C0] =	vst v0;
	v19 =	vpop (erf)  }
0x37f: {  	v15 =	vadd.f32 v17, v15;
	[tilespmem:s29+$0x850] =	vst v0;
	v27 =	vld [tilespmem:s29+$0xFFFFF9D0];
	v17 =	vmax.f32 v28, $0.0e+00;
	v20 =	vpop (erf)  }
0x380: {  	v28 =	vld [tilespmem:s29+$0xA60];
	v13 =	vadd.f32 v22, v13;
	[tilespmem:s29+$0xFFFFF9D0] =	vst v0;
	v16 =	vmin.f32 v16, v17;
	v20 =	vsub.f32 v19, v20  }
.Ltmp6:
0x381: {  	v14 =	vadd.f32 v14, v15;
	[tilespmem:s29+$0xA60] =	vst v0;
	v19 =	vld [tilespmem:s29+$0xFFFFFBE0];
	v15 =	vadd.f32 v16, v21;
	v16 =	vmul.f32 v26, v10;
	(pc) =	sbr.rel @p0 .LBB2_15-.Ltmp6, $4  }
0x382: {  	v17 =	vld [tilespmem:s29+$0xC70];
	v13 =	vadd.f32 v18, v13;
	[tilespmem:s29+$0xFFFFFBE0] =	vst v0;
	v26 =	vmul.f32 v20, v7  }
0x383: {  	v14 =	vadd.f32 v23, v14;
	[tilespmem:s29+$0xC70] =	vst v0;
	v18 =	vld [tilespmem:s29+$0xFFFFFDF0];
	v23 =	vmul.f32 v15, v6;
	v29 =	vadd.f32 v16, v9  }
0x384: {  	v11 =	vadd.f32 v24, v11;
	v15 =	vmul.f32 $1.442695020e+00, v25;
	v16 =	vld [tilespmem:s29+$0xE80];
	v21 =	vadd.f32 v27, v13;
	[tilespmem:s29+$0xFFFFFDF0] =	vst v0  }
0x385: {  	v22 =	vadd.f32 v28, v14;
	[tilespmem:s29+$0xE80] =	vst v0;
	v20 =	vld [tilespmem:s29+$0x0];
	v14 =	vmul.f32 $1.442695020e+00, v23;
	v13 =	vmul.f32 v26, v29  }
0x386: {  	_ = 	snop  }
0x387: {  	v19 =	vadd.f32 v19, v21;
	v17 =	vadd.f32 v17, v22  }
0x388: {  	v57 =	vld [tilespmem:s25+$0x210]  }
0x389: {  	v18 =	vadd.f32 v18, v19;
	v16 =	vadd.f32 v16, v17  }
0x38a: {  	v58 =	vld [tilespmem:s25+$0x420]  }
0x38b: {  	v18 =	vadd.f32 v20, v18;
	v16 =	vperm.xlane v16, v4  }
0x38c: {  	v59 =	vld [tilespmem:s25+$0x630]  }
0x38d: {  	v18 =	vadd.f32 v57, v18;
	(xrf2) =	vadd.scan.msk.f32 $0xffff, v16  }
0x38e: {  	v60 =	vld [tilespmem:s25+$0x840]  }
0x38f: {  	v17 =	vadd.f32 v58, v18  }
0x390: {  	v61 =	vld [tilespmem:s25+$0xA50]  }
0x391: {  	v17 =	vadd.f32 v59, v17  }
0x392: {  	v62 =	vld [tilespmem:s25+$0xC60]  }
0x393: {  	v17 =	vadd.f32 v60, v17  }
0x394: {  	v24 =	vld [tilespmem:s25+$0xE70];
	v63, _, _ =	vpop (xrf2)  }
0x395: {  	(v2sf) =	vpush v63, $0xF;
	v17 =	vadd.f32 v61, v17;
	_ =	sdelay $0x1  }
0x396: {  	v17 =	vadd.f32 v62, v17;
	v25, _, _ =	vpop (xrf2)  }
0x397: {  	(v2sf) =	vpush v25, $0xF  }
0x398: {  	v17 =	vadd.f32 v24, v17;
	_ =	sdelay $0x1  }
0x399: {  	v17 =	vperm.xlane v17, v4;
	_ =	sdelay $0x1  }
0x39a: {  	(xrf2) =	vadd.scan.msk.f32 $0xffff, v17;
	_ =	sdelay $0x3  }
0x39b: {  	s26 =	spop (v2sf)  }
0x39c: {  	s26 =	sadd.f32 s26, s28;
	v26 =	vsub.f32 v63, v12;
	_ =	sdelay $0x1  }
0x39d: {  	v19 =	vadd.f32 s26, v26;
	s29 =	spop (v2sf)  }
0x39e: {  	v18 =	vsub.f32 v25, v16;
	s26 =	sadd.f32 s29, s26  }
0x39f: {  	v27 =	vsub.f32 $1.108800000e+04, v19  }
0x3a0: {  	v18 =	vadd.f32 s26, v18;
	v28, _, _ =	vpop (xrf2);
	s30 =	spop (v2sf)  }
0x3a1: {  	v20 =	vmax.f32 v27, $0.0e+00;
	v29 =	vsub.f32 v28, v17;
	s26 =	sadd.f32 s30, s26  }
0x3a2: {  	v30 =	vmin.f32 v12, v20;
	v31 =	vsub.f32 $1.108800000e+04, v18  }
0x3a3: {  	v12 =	vadd.f32 v30, v19;
	v22 =	vadd.f32 s26, v29  }
0x3a4: {  	(erf) = vpow2.f32 v15;
	v32 =	vmul.f32 v19, v6;
	v33 =	vmax.f32 v31, $0.0e+00  }
0x3a5: {  	v12 =	vmul.f32 v12, v6;
	v16 =	vmin.f32 v16, v33;
	v34 =	vsub.f32 $1.108800000e+04, v22  }
0x3a6: {  	(erf) = vpow2.f32 v14;
	v35 =	vmul.f32 $1.442695020e+00, v32;
	v36 =	vadd.f32 v16, v18  }
0x3a7: {  	v12 =	vmul.f32 $1.442695020e+00, v12;
	v37 =	vmul.f32 v18, v6;
	v38 =	vmax.f32 v34, $0.0e+00  }
0x3a8: {  	(erf) = vpow2.f32 v35;
	v39 =	vmul.f32 v36, v6;
	v40 =	vmin.f32 v17, v38  }
0x3a9: {  	(erf) = vpow2.f32 v12;
	v41 =	vmul.f32 $1.442695020e+00, v37;
	v15 =	vadd.f32 v40, v22  }
0x3aa: {  	v14 =	vmul.f32 $1.442695020e+00, v39;
	v42 =	vmul.f32 v22, v6  }
0x3ab: {  	(erf) = vpow2.f32 v41;
	v43 =	vmul.f32 v15, v6  }
0x3ac: {  	(erf) = vpow2.f32 v14;
	v44 =	vmul.f32 $1.442695020e+00, v42  }
0x3ad: {  	s22 =	sadd.s32 $0xFFFFFFE0, s22;
	v12 =	vmul.f32 $1.442695020e+00, v43  }
0x3ae: {  	s31 =	sadd.s32 $0x10, s22;
	(erf) = vpow2.f32 v44  }
0x3af: {  	v46 =	vpop (erf);
	s26 =	scvt.s32.f32 s31;
	(erf) = vpow2.f32 v12  }
0x3b0: {  	s28 =	scvt.s32.f32 s22;
	s22 =	sadd.s32 $0xFFFFFFE0, s22  }
0x3b1: {  	v47 =	vpop (erf);
	s29 =	sadd.s32 $0x10, s22;
	v45 =	vadd.f32 s26, v5  }
0x3b2: {  	v49 =	vadd.f32 s28, v5;
	v48 =	vpop (erf);
	s26 =	scvt.s32.f32 s29  }
0x3b3: {  	v50 =	vpop (erf);
	v14 =	vmul.f32 v45, v10;
	v12 =	vsub.f32 v46, v47  }
0x3b4: {  	v11 =	vadd.f32 v13, v11;
	s22 =	scvt.s32.f32 s22;
	v16 =	vmul.f32 v49, v10;
	v51 =	vpop (erf);
	v53 =	vadd.f32 s26, v5  }
0x3b5: {  	v52 =	vpop (erf);
	v14 =	vadd.f32 v14, v9;
	v15 =	vsub.f32 v48, v50;
	v12 =	vmul.f32 v12, v7  }
0x3b6: {  	v57 =	vadd.f32 s22, v5;
	v56 =	vsub.f32 v51, v52;
	v13 =	vmul.f32 v53, v10  }
0x3b7: {  	v55 =	vadd.f32 v16, v9;
	v54 =	vmul.f32 v15, v7;
	v58 =	vpop (erf);
	v12 =	vmul.f32 v12, v14  }
0x3b8: {  	v10 =	vmul.f32 v57, v10;
	v60 =	vmul.f32 v56, v7;
	v13 =	vadd.f32 v13, v9;
	v61 =	vpop (erf)  }
0x3b9: {  	v59 =	vmul.f32 v54, v55;
	v11 =	vadd.f32 v12, v11;
	v15 =	vsub.f32 v58, v61  }
0x3ba: {  	v9 =	vadd.f32 v10, v9  }
0x3bb: {  	v62 =	vmul.f32 v60, v13;
	v11 =	vadd.f32 v59, v11;
	v63 =	vmul.f32 v15, v7;
	_ =	sdelay $0x1  }
0x3bc: {  	v10 =	vadd.f32 v62, v11;
	v9 =	vmul.f32 v63, v9;
	_ =	sdelay $0x1  }
0x3bd: {  	v9 =	vadd.f32 v9, v10;
	_ =	sdelay $0x1  }
0x3be: {  	(xrf2) =	vadd.scan.msk.f32 $0xffff, v9;
	_ =	sdelay $0x9  }
0x3bf: {  	(v2sf) =	vpush v28, $0xF;
	v9, _, _ =	vpop (xrf2)  }
0x3c0: {  	(v2sf) =	vpush v9, $0xF;
	_ =	sdelay $0xb  }
0x3c1: {  	[tilespmem:s25+$0x210] =	vst v0  }
0x3c2: {  	[tilespmem:s25+$0x420] =	vst v0  }
0x3c3: {  	[tilespmem:s25+$0x630] =	vst v0;
	s20 =	sand.u32 $0xE, s20;
	s31 =	sand.u32 $0x7, s19;
	s30 =	spop (v2sf)  }
0x3c4: {  	[tilespmem:s25+$0x840] =	vst v0;
	p0 =	sne.s32 s31, $0x7;
	v9 =	vmov s20;
	s20 =	sor.u32 $0x1, s20;
	s22 =	spop (v2sf)  }
0x3c5: {  	[tilespmem:s25+$0xA50] =	vst v0;
	vm1 =	veq.s32 v9, v1;
	v9 =	vmov s21;
	v10 =	vmov s20;
	s20 =	sshll.u32 @!p0 s19, $0x1;
	s19 =	sadd.s32 $0x1, s19;
	s22 =	smul.f32 s22, s18  }
0x3c6: {  	[tilespmem:s25+$0xC60] =	vst v0;
	v9 =	vnsel vm1, $0x0, v9;
	p1 =	sne.s32 s19, $0x18  }
.Ltmp7:
0x3c7: {  	[tilespmem:s23+$0x0] =	vst v0;
	vm1 =	veq.s32 v10, v1;
	v8 =	vadd.f32 v9, v8;
	v9 =	vmov s22;
	(pc) =	sbr.rel @p1 .LBB2_4-.Ltmp7, $4  }
0x3c8: {  	[tilespmem:s25+$0xE70] =	vst v0;
	v9 =	vnsel vm1, $0x0, v9  }
0x3c9: {  	[tilespmem:s24+$0x0] =	vst v0;
	v8 =	vadd.f32 v9, v8  }
0x3ca: {  	[tilespmem:s25+$0x0] =	vst v0;
	s20 =	sand.u32 @!p0 $0x3FFFFFFE, s20  }
0x3cb: {  	[tilespmem:s20+$0x1E0F2] =	vst @!p0 v8;
	v8 =	vpsel !p0, $0x0, v8  }
0x3cc: {  	s16 =	sadd.s32 $0x1, s16  }
0x3cd: {  	p0 =	sne.s32 s16, s8  }
.Ltmp8:
0x3ce: {  	_ = 	snop;
	(pc) =	sbr.rel @p0 .LBB2_1-.Ltmp8, $4  }
0x3cf: {  	[hbm4b:s7+s4] =	stream.linear.scatter [tilespmem:s15], [sflag:$0x3], $0x30, $0x38;
	[tilespmem:$0x1E200] =	vst v63  }
0x3d0: {  	_ =	swait.ge [sflag:s10], $0x30  }
0x3d1: {  	[sflag:s10] =	ssyncset.done $0x0  }
0x3d2: {  	[sflag:s10] =	ssyncadd.s32 $0xFFFFFFD0  }
0x3d3: {  	_ =	sfence.sel $0x180000  }
0x3d4: {  	[bflag:$0x0] =	sbarrier.arrive $0xFFFF  }
0x3d5: {  	p0 =	sne.s32 s1, $0x0;
	_ =	strace $0x90000047  }
0x3d6: {  	s0 =	sadd.s32 @!p0 $0x100000, s3;
	[bflag:$0x2] =	sbarrier.arrive $0xFFFF  }
0x3d7: {  	[sflag:s0] =	ssyncadd.tile.s32 @!p0 $0x1;
	_ =	shalt  }
.Lfunc_end2:
_tile_overlayer_lowered:
.L_overlay_start_2:
0x3d8: {  	(tag) =	ssettag $0x2  }
0x3d9: {  	s0 =	rddreg [dreg:$0x0];
	s2 =	stileid.u32  }
0x3da: {  	s1 =	rddreg [dreg:$0x1];
	p0 =	sne.s32 s2, $0x0  }
0x3db: {  	s3 =	rddreg [dreg:$0x2];
	[bflag:$0x3] =	sbarrier.arrive $0xFFFF;
	s2 =	simm.s32 @!p0 $0x1C03  }
0x3dc: {  	[timem:s3], [sflag:s2] =	dma.local @!p0 [hbm:s0], s1  }
0x3dd: {  	s0 =	simm.s32 @!p0 $0x3  }
0x3de: {  	_ =	swait.ge @!p0 [sflag:s0], s1  }
0x3df: {  	s1 =	ssub.s32 @!p0 $0x0, s1;
	[sflag:s0] =	ssyncset.done @!p0 $0x0  }
0x3e0: {  	[sflag:s0] =	ssyncadd.s32 @!p0 s1  }
0x3e1: {  	[bflag:$0x3] =	sbarrier.arrive $0xFFFF  }
0x3e2: {  	_ =	shalt  }

</sc_bundles>
